<compile_context>
chip_gen: v7x
topology: tpu7x:2x2x1
jax: 0.10.2.dev20260603
libtpu: 0.0.44.dev20260713+nightly
codegen_flags: <defaults>
</compile_context>

<pallas_src>
import jax
import jax.numpy as jnp
from jax import lax
from jax.experimental import pallas as pl
from jax.experimental.pallas import tpu as pltpu
from jax.experimental.pallas import tpu_sc as plsc

_NUM_CORES = 2
_NUM_SUBCORES = 16
_LANES = 16
_NUM_WORKERS = _NUM_CORES * _NUM_SUBCORES

_TABLE_ROWS = 961
_TABLE_STRIDE = 968
_NUM_HEADS = 32
_N2 = 256 * 256
_POS_PER_WORKER = _N2 // _NUM_WORKERS
_GROUPS = _POS_PER_WORKER // _LANES


def _sc_body(
    table_hbm, idx_hbm, out_hbm, table_v, idx_v, out_v, sem_t, sem_i, sem_o
):
    wid = lax.axis_index("s") * _NUM_CORES + lax.axis_index("c")

    t_copy = pltpu.async_copy(table_hbm, table_v, sem_t)
    i_copy = pltpu.async_copy(idx_hbm.at[pl.ds(wid * 8, 8), :], idx_v, sem_i)
    i_copy.wait()
    t_copy.wait()

    out_copies = []
    for c in range(2):
        @plsc.parallel_loop(c * (_GROUPS // 2), (c + 1) * (_GROUPS // 2), 1, unroll=1)
        def group(i):
            ivec = idx_v[i >> 4, pl.ds((i & 15) * _LANES, _LANES)]
            for h in range(_NUM_HEADS):
                vals = plsc.load_gather(
                    table_v.at[pl.ds(h * _TABLE_STRIDE, _TABLE_ROWS)], [ivec]
                )
                out_v[h, i >> 4, pl.ds((i & 15) * _LANES, _LANES)] = vals

        out_copies.append(
            pltpu.async_copy(
                out_v.at[:, pl.ds(c * 4, 4), :],
                out_hbm.at[:, pl.ds(wid * 8 + c * 4, 4), :],
                sem_o,
            )
        )
    for copy in out_copies:
        copy.wait()


def kernel(relative_position_bias_table, relative_position_index):
    table_flat = jnp.pad(
        relative_position_bias_table.T, ((0, 0), (0, _TABLE_STRIDE - _TABLE_ROWS))
    ).reshape(-1)
    idx = relative_position_index.astype(jnp.int32)

    mesh = plsc.VectorSubcoreMesh(
        core_axis_name="c",
        subcore_axis_name="s",
        num_cores=_NUM_CORES,
        num_subcores=_NUM_SUBCORES,
    )
    out_flat = pl.kernel(
        _sc_body,
        out_type=jax.ShapeDtypeStruct((_NUM_HEADS, 256, 256), jnp.float32),
        mesh=mesh,
        scratch_types=[
            pltpu.VMEM((_TABLE_STRIDE * _NUM_HEADS,), jnp.float32),
            pltpu.VMEM((8, 256), jnp.int32),
            pltpu.VMEM((_NUM_HEADS, 8, 256), jnp.float32),
            pltpu.SemaphoreType.DMA,
            pltpu.SemaphoreType.DMA,
            pltpu.SemaphoreType.DMA,
        ],
        compiler_params=pltpu.CompilerParams(
            needs_layout_passes=False, use_tc_tiling_on_sc=True
        ),
        name="relative_position_bias_sc",
    )(table_flat, idx)

    return out_flat

# --- scband reference (transcript-rebuilt; emitter-appended) ---
"""Pipeline reference for scband-relative-position-bias-69904887710680 (READ-ONLY COPY).

The authoritative reference and input builder live on the scoring server;
editing this copy changes nothing except your own understanding.
"""

import jax, jax.numpy as jnp
import numpy as np

WH, WW = 16, 16
NUM_HEADS = 32

def _make_relative_position_index(wh, ww):
    coords_h = np.arange(wh)
    coords_w = np.arange(ww)
    coords = np.stack(np.meshgrid(coords_h, coords_w, indexing='ij'))  # (2, wh, ww)
    coords_flatten = coords.reshape(2, -1)  # (2, wh*ww)
    relative_coords = coords_flatten[:, :, None] - coords_flatten[:, None, :]  # (2, N, N)
    relative_coords = relative_coords.transpose(1, 2, 0).copy()  # (N, N, 2)
    relative_coords[:, :, 0] += wh - 1
    relative_coords[:, :, 1] += ww - 1
    relative_coords[:, :, 0] *= 2 * ww - 1
    relative_position_index = relative_coords.sum(-1)  # (N, N)
    return relative_position_index.astype(np.int32)

def setup_inputs(seed: int = 0) -> dict:
    key = jax.random.key(seed)
    table_rows = (2 * WH - 1) * (2 * WW - 1)  # 961
    relative_position_bias_table = jax.random.normal(key, (table_rows, NUM_HEADS), dtype=jnp.float32) * 0.02
    relative_position_index = jnp.asarray(_make_relative_position_index(WH, WW))
    return {
        'relative_position_bias_table': relative_position_bias_table,
        'relative_position_index': relative_position_index,
    }

def reference(relative_position_bias_table, relative_position_index):
    N = WH * WW
    flat_idx = relative_position_index.reshape(-1)  # (N*N,)
    gathered = jnp.take(relative_position_bias_table, flat_idx, axis=0)  # (N*N, H)
    bias = gathered.reshape(N, N, -1)  # (N, N, H)
    return jnp.transpose(bias, (2, 0, 1))  # (H, N, N)

if __name__ == "__main__":
    import jax
    _d = setup_inputs()
    print(jax.jit(kernel)(*tuple(_d.values())))

</pallas_src>

<mosaic_0001>
#map = affine_map<(d0, d1) -> (0)>
#map1 = affine_map<(d0, d1) -> (0, 0)>
#map2 = affine_map<(d0, d1) -> (0, 0, 0)>
module attributes {stable_mosaic.version = 14 : i64} {
  func.func @relative_position_bias_sc(%arg0: i32, %arg1: i32, %arg2: memref<30976xf32, #tpu.memory_space<hbm>>, %arg3: memref<256x256xi32, #tpu.memory_space<hbm>>, %arg4: memref<32x256x256xf32, #tpu.memory_space<hbm>>, %arg5: memref<30976xf32, #tpu.memory_space<vmem>>, %arg6: memref<8x256xi32, #tpu.memory_space<vmem>>, %arg7: memref<32x8x256xf32, #tpu.memory_space<vmem>>, %arg8: memref<!tpu.dma_semaphore, #tpu.memory_space<semaphore_mem>>, %arg9: memref<!tpu.dma_semaphore, #tpu.memory_space<semaphore_mem>>, %arg10: memref<!tpu.dma_semaphore, #tpu.memory_space<semaphore_mem>>) attributes {dimension_semantics = [#tpu.dimension_semantics<core_parallel>, #tpu.dimension_semantics<subcore_parallel>], iteration_bounds = array<i64: 2, 16>, scalar_prefetch = 0 : i64, scratch_operands = 6 : i64, tpu.core_type = #tpu.core_type<sc_vector_subcore>, window_params = [{transform_indices = #map}, {transform_indices = #map1}, {transform_indices = #map2}]} {
    %mul3A = arith.constant 2 : i32
    %mul3A_0 = arith.muli %arg1, %mul3A : i32
    %add3A = arith.addi %mul3A_0, %arg0 : i32
    tpu.enqueue_dma source(%arg2 : memref<30976xf32, #tpu.memory_space<hbm>>) target(%arg5 : memref<30976xf32, #tpu.memory_space<vmem>>) target_semaphore(%arg8 : memref<!tpu.dma_semaphore, #tpu.memory_space<semaphore_mem>>)
    %mul3A_1 = arith.constant 8 : i32
    %mul3A_2 = arith.muli %add3A, %mul3A_1 : i32
    %dma_start3A = arith.constant 0 : i32
    %dma_start3A_3 = tpu.memref_slice %arg3[%mul3A_2, %dma_start3A] : memref<256x256xi32, #tpu.memory_space<hbm>> -> memref<8x256xi32, #tpu.memory_space<hbm>>
    %dma_start3A_4 = arith.constant 0 : i32
    %dma_start3A_5 = tpu.memref_slice %arg3[%mul3A_2, %dma_start3A_4] : memref<256x256xi32, #tpu.memory_space<hbm>> -> memref<8x256xi32, #tpu.memory_space<hbm>>
    tpu.enqueue_dma source(%dma_start3A_5 : memref<8x256xi32, #tpu.memory_space<hbm>>) target(%arg6 : memref<8x256xi32, #tpu.memory_space<vmem>>) target_semaphore(%arg9 : memref<!tpu.dma_semaphore, #tpu.memory_space<semaphore_mem>>)
    %dma_wait3A = arith.constant 0 : i32
    %dma_wait3A_6 = tpu.memref_slice %arg3[%mul3A_2, %dma_wait3A] : memref<256x256xi32, #tpu.memory_space<hbm>> -> memref<8x256xi32, #tpu.memory_space<hbm>>
    %dma_wait3A_7 = arith.constant 0 : i32
    %dma_wait3A_8 = tpu.memref_slice %arg3[%mul3A_2, %dma_wait3A_7] : memref<256x256xi32, #tpu.memory_space<hbm>> -> memref<8x256xi32, #tpu.memory_space<hbm>>
    tpu.wait_dma2 semaphore(%arg9 : memref<!tpu.dma_semaphore, #tpu.memory_space<semaphore_mem>>) src(%dma_wait3A_8 : memref<8x256xi32, #tpu.memory_space<hbm>>) dst(%arg6 : memref<8x256xi32, #tpu.memory_space<vmem>>)
    tpu.wait_dma2 semaphore(%arg8 : memref<!tpu.dma_semaphore, #tpu.memory_space<semaphore_mem>>) src(%arg2 : memref<30976xf32, #tpu.memory_space<hbm>>) dst(%arg5 : memref<30976xf32, #tpu.memory_space<vmem>>)
    %parallel_loop3A = arith.constant 0 : i32
    %parallel_loop3A_9 = arith.constant 64 : i32
    %parallel_loop3A_10 = arith.constant 1 : i32
    scf.for %parallel_loop3A_78 = %parallel_loop3A to %parallel_loop3A_9 step %parallel_loop3A_10  : i32 {
      %parallel_loop3A_79 = arith.constant 4 : i32
      %parallel_loop3A_80 = arith.shrsi %parallel_loop3A_78, %parallel_loop3A_79 : i32
      %parallel_loop3A_81 = arith.constant 15 : i32
      %parallel_loop3A_82 = arith.andi %parallel_loop3A_78, %parallel_loop3A_81 : i32
      %parallel_loop3A_83 = arith.constant 16 : i32
      %parallel_loop3A_84 = arith.muli %parallel_loop3A_82, %parallel_loop3A_83 : i32
      %parallel_loop3A_85 = arith.index_cast %parallel_loop3A_80 : i32 to index
      %parallel_loop3A_86 = arith.index_cast %parallel_loop3A_84 : i32 to index
      %parallel_loop3A_87 = tpu.vector_load %arg6[%parallel_loop3A_85, %parallel_loop3A_86] {strides = array<i32>} : memref<8x256xi32, #tpu.memory_space<vmem>>, vector<16xi32>,
      %parallel_loop3A_88 = arith.constant 0 : i32
      %parallel_loop3A_89 = tpu.memref_slice %arg5[%parallel_loop3A_88] : memref<30976xf32, #tpu.memory_space<vmem>> -> memref<961xf32, #tpu.memory_space<vmem>>
      %parallel_loop3A_90 = tpu.vector_load_idx %parallel_loop3A_89[%parallel_loop3A_87] : memref<961xf32, #tpu.memory_space<vmem>>[vector<16xi32>], vector<16xf32>,
      %parallel_loop3A_91 = arith.constant 4 : i32
      %parallel_loop3A_92 = arith.shrsi %parallel_loop3A_78, %parallel_loop3A_91 : i32
      %parallel_loop3A_93 = arith.constant 15 : i32
      %parallel_loop3A_94 = arith.andi %parallel_loop3A_78, %parallel_loop3A_93 : i32
      %parallel_loop3A_95 = arith.constant 16 : i32
      %parallel_loop3A_96 = arith.muli %parallel_loop3A_94, %parallel_loop3A_95 : i32
      %parallel_loop3A_97 = arith.constant 0 : i32
      %parallel_loop3A_98 = arith.index_cast %parallel_loop3A_97 : i32 to index
      %parallel_loop3A_99 = arith.index_cast %parallel_loop3A_92 : i32 to index
      %parallel_loop3A_100 = arith.index_cast %parallel_loop3A_96 : i32 to index
      %parallel_loop3A_101 = tpu.vector_load %arg7[%parallel_loop3A_98, %parallel_loop3A_99, %parallel_loop3A_100] {strides = array<i32>} : memref<32x8x256xf32, #tpu.memory_space<vmem>>, vector<16xf32>,
      tpu.vector_store %arg7[%parallel_loop3A_98, %parallel_loop3A_99, %parallel_loop3A_100], %parallel_loop3A_90 {strides = array<i32>} : memref<32x8x256xf32, #tpu.memory_space<vmem>>, vector<16xf32>,
      %parallel_loop3A_102 = arith.constant 968 : i32
      %parallel_loop3A_103 = tpu.memref_slice %arg5[%parallel_loop3A_102] : memref<30976xf32, #tpu.memory_space<vmem>> -> memref<961xf32, #tpu.memory_space<vmem>>
      %parallel_loop3A_104 = tpu.vector_load_idx %parallel_loop3A_103[%parallel_loop3A_87] : memref<961xf32, #tpu.memory_space<vmem>>[vector<16xi32>], vector<16xf32>,
      %parallel_loop3A_105 = arith.constant 4 : i32
      %parallel_loop3A_106 = arith.shrsi %parallel_loop3A_78, %parallel_loop3A_105 : i32
      %parallel_loop3A_107 = arith.constant 15 : i32
      %parallel_loop3A_108 = arith.andi %parallel_loop3A_78, %parallel_loop3A_107 : i32
      %parallel_loop3A_109 = arith.constant 16 : i32
      %parallel_loop3A_110 = arith.muli %parallel_loop3A_108, %parallel_loop3A_109 : i32
      %parallel_loop3A_111 = arith.constant 1 : i32
      %parallel_loop3A_112 = arith.index_cast %parallel_loop3A_111 : i32 to index
      %parallel_loop3A_113 = arith.index_cast %parallel_loop3A_106 : i32 to index
      %parallel_loop3A_114 = arith.index_cast %parallel_loop3A_110 : i32 to index
      %parallel_loop3A_115 = tpu.vector_load %arg7[%parallel_loop3A_112, %parallel_loop3A_113, %parallel_loop3A_114] {strides = array<i32>} : memref<32x8x256xf32, #tpu.memory_space<vmem>>, vector<16xf32>,
      tpu.vector_store %arg7[%parallel_loop3A_112, %parallel_loop3A_113, %parallel_loop3A_114], %parallel_loop3A_104 {strides = array<i32>} : memref<32x8x256xf32, #tpu.memory_space<vmem>>, vector<16xf32>,
      %parallel_loop3A_116 = arith.constant 1936 : i32
      %parallel_loop3A_117 = tpu.memref_slice %arg5[%parallel_loop3A_116] : memref<30976xf32, #tpu.memory_space<vmem>> -> memref<961xf32, #tpu.memory_space<vmem>>
      %parallel_loop3A_118 = tpu.vector_load_idx %parallel_loop3A_117[%parallel_loop3A_87] : memref<961xf32, #tpu.memory_space<vmem>>[vector<16xi32>], vector<16xf32>,
      %parallel_loop3A_119 = arith.constant 4 : i32
      %parallel_loop3A_120 = arith.shrsi %parallel_loop3A_78, %parallel_loop3A_119 : i32
      %parallel_loop3A_121 = arith.constant 15 : i32
      %parallel_loop3A_122 = arith.andi %parallel_loop3A_78, %parallel_loop3A_121 : i32
      %parallel_loop3A_123 = arith.constant 16 : i32
      %parallel_loop3A_124 = arith.muli %parallel_loop3A_122, %parallel_loop3A_123 : i32
      %parallel_loop3A_125 = arith.constant 2 : i32
      %parallel_loop3A_126 = arith.index_cast %parallel_loop3A_125 : i32 to index
      %parallel_loop3A_127 = arith.index_cast %parallel_loop3A_120 : i32 to index
      %parallel_loop3A_128 = arith.index_cast %parallel_loop3A_124 : i32 to index
      %parallel_loop3A_129 = tpu.vector_load %arg7[%parallel_loop3A_126, %parallel_loop3A_127, %parallel_loop3A_128] {strides = array<i32>} : memref<32x8x256xf32, #tpu.memory_space<vmem>>, vector<16xf32>,
      tpu.vector_store %arg7[%parallel_loop3A_126, %parallel_loop3A_127, %parallel_loop3A_128], %parallel_loop3A_118 {strides = array<i32>} : memref<32x8x256xf32, #tpu.memory_space<vmem>>, vector<16xf32>,
      %parallel_loop3A_130 = arith.constant 2904 : i32
      %parallel_loop3A_131 = tpu.memref_slice %arg5[%parallel_loop3A_130] : memref<30976xf32, #tpu.memory_space<vmem>> -> memref<961xf32, #tpu.memory_space<vmem>>
      %parallel_loop3A_132 = tpu.vector_load_idx %parallel_loop3A_131[%parallel_loop3A_87] : memref<961xf32, #tpu.memory_space<vmem>>[vector<16xi32>], vector<16xf32>,
      %parallel_loop3A_133 = arith.constant 4 : i32
      %parallel_loop3A_134 = arith.shrsi %parallel_loop3A_78, %parallel_loop3A_133 : i32
      %parallel_loop3A_135 = arith.constant 15 : i32
      %parallel_loop3A_136 = arith.andi %parallel_loop3A_78, %parallel_loop3A_135 : i32
      %parallel_loop3A_137 = arith.constant 16 : i32
      %parallel_loop3A_138 = arith.muli %parallel_loop3A_136, %parallel_loop3A_137 : i32
      %parallel_loop3A_139 = arith.constant 3 : i32
      %parallel_loop3A_140 = arith.index_cast %parallel_loop3A_139 : i32 to index
      %parallel_loop3A_141 = arith.index_cast %parallel_loop3A_134 : i32 to index
      %parallel_loop3A_142 = arith.index_cast %parallel_loop3A_138 : i32 to index
      %parallel_loop3A_143 = tpu.vector_load %arg7[%parallel_loop3A_140, %parallel_loop3A_141, %parallel_loop3A_142] {strides = array<i32>} : memref<32x8x256xf32, #tpu.memory_space<vmem>>, vector<16xf32>,
      tpu.vector_store %arg7[%parallel_loop3A_140, %parallel_loop3A_141, %parallel_loop3A_142], %parallel_loop3A_132 {strides = array<i32>} : memref<32x8x256xf32, #tpu.memory_space<vmem>>, vector<16xf32>,
      %parallel_loop3A_144 = arith.constant 3872 : i32
      %parallel_loop3A_145 = tpu.memref_slice %arg5[%parallel_loop3A_144] : memref<30976xf32, #tpu.memory_space<vmem>> -> memref<961xf32, #tpu.memory_space<vmem>>
      %parallel_loop3A_146 = tpu.vector_load_idx %parallel_loop3A_145[%parallel_loop3A_87] : memref<961xf32, #tpu.memory_space<vmem>>[vector<16xi32>], vector<16xf32>,
      %parallel_loop3A_147 = arith.constant 4 : i32
      %parallel_loop3A_148 = arith.shrsi %parallel_loop3A_78, %parallel_loop3A_147 : i32
      %parallel_loop3A_149 = arith.constant 15 : i32
      %parallel_loop3A_150 = arith.andi %parallel_loop3A_78, %parallel_loop3A_149 : i32
      %parallel_loop3A_151 = arith.constant 16 : i32
      %parallel_loop3A_152 = arith.muli %parallel_loop3A_150, %parallel_loop3A_151 : i32
      %parallel_loop3A_153 = arith.constant 4 : i32
      %parallel_loop3A_154 = arith.index_cast %parallel_loop3A_153 : i32 to index
      %parallel_loop3A_155 = arith.index_cast %parallel_loop3A_148 : i32 to index
      %parallel_loop3A_156 = arith.index_cast %parallel_loop3A_152 : i32 to index
      %parallel_loop3A_157 = tpu.vector_load %arg7[%parallel_loop3A_154, %parallel_loop3A_155, %parallel_loop3A_156] {strides = array<i32>} : memref<32x8x256xf32, #tpu.memory_space<vmem>>, vector<16xf32>,
      tpu.vector_store %arg7[%parallel_loop3A_154, %parallel_loop3A_155, %parallel_loop3A_156], %parallel_loop3A_146 {strides = array<i32>} : memref<32x8x256xf32, #tpu.memory_space<vmem>>, vector<16xf32>,
      %parallel_loop3A_158 = arith.constant 4840 : i32
      %parallel_loop3A_159 = tpu.memref_slice %arg5[%parallel_loop3A_158] : memref<30976xf32, #tpu.memory_space<vmem>> -> memref<961xf32, #tpu.memory_space<vmem>>
      %parallel_loop3A_160 = tpu.vector_load_idx %parallel_loop3A_159[%parallel_loop3A_87] : memref<961xf32, #tpu.memory_space<vmem>>[vector<16xi32>], vector<16xf32>,
      %parallel_loop3A_161 = arith.constant 4 : i32
      %parallel_loop3A_162 = arith.shrsi %parallel_loop3A_78, %parallel_loop3A_161 : i32
      %parallel_loop3A_163 = arith.constant 15 : i32
      %parallel_loop3A_164 = arith.andi %parallel_loop3A_78, %parallel_loop3A_163 : i32
      %parallel_loop3A_165 = arith.constant 16 : i32
      %parallel_loop3A_166 = arith.muli %parallel_loop3A_164, %parallel_loop3A_165 : i32
      %parallel_loop3A_167 = arith.constant 5 : i32
      %parallel_loop3A_168 = arith.index_cast %parallel_loop3A_167 : i32 to index
      %parallel_loop3A_169 = arith.index_cast %parallel_loop3A_162 : i32 to index
      %parallel_loop3A_170 = arith.index_cast %parallel_loop3A_166 : i32 to index
      %parallel_loop3A_171 = tpu.vector_load %arg7[%parallel_loop3A_168, %parallel_loop3A_169, %parallel_loop3A_170] {strides = array<i32>} : memref<32x8x256xf32, #tpu.memory_space<vmem>>, vector<16xf32>,
      tpu.vector_store %arg7[%parallel_loop3A_168, %parallel_loop3A_169, %parallel_loop3A_170], %parallel_loop3A_160 {strides = array<i32>} : memref<32x8x256xf32, #tpu.memory_space<vmem>>, vector<16xf32>,
      %parallel_loop3A_172 = arith.constant 5808 : i32
      %parallel_loop3A_173 = tpu.memref_slice %arg5[%parallel_loop3A_172] : memref<30976xf32, #tpu.memory_space<vmem>> -> memref<961xf32, #tpu.memory_space<vmem>>
      %parallel_loop3A_174 = tpu.vector_load_idx %parallel_loop3A_173[%parallel_loop3A_87] : memref<961xf32, #tpu.memory_space<vmem>>[vector<16xi32>], vector<16xf32>,
      %parallel_loop3A_175 = arith.constant 4 : i32
      %parallel_loop3A_176 = arith.shrsi %parallel_loop3A_78, %parallel_loop3A_175 : i32
      %parallel_loop3A_177 = arith.constant 15 : i32
      %parallel_loop3A_178 = arith.andi %parallel_loop3A_78, %parallel_loop3A_177 : i32
      %parallel_loop3A_179 = arith.constant 16 : i32
      %parallel_loop3A_180 = arith.muli %parallel_loop3A_178, %parallel_loop3A_179 : i32
      %parallel_loop3A_181 = arith.constant 6 : i32
      %parallel_loop3A_182 = arith.index_cast %parallel_loop3A_181 : i32 to index
      %parallel_loop3A_183 = arith.index_cast %parallel_loop3A_176 : i32 to index
      %parallel_loop3A_184 = arith.index_cast %parallel_loop3A_180 : i32 to index
      %parallel_loop3A_185 = tpu.vector_load %arg7[%parallel_loop3A_182, %parallel_loop3A_183, %parallel_loop3A_184] {strides = array<i32>} : memref<32x8x256xf32, #tpu.memory_space<vmem>>, vector<16xf32>,
      tpu.vector_store %arg7[%parallel_loop3A_182, %parallel_loop3A_183, %parallel_loop3A_184], %parallel_loop3A_174 {strides = array<i32>} : memref<32x8x256xf32, #tpu.memory_space<vmem>>, vector<16xf32>,
      %parallel_loop3A_186 = arith.constant 6776 : i32
      %parallel_loop3A_187 = tpu.memref_slice %arg5[%parallel_loop3A_186] : memref<30976xf32, #tpu.memory_space<vmem>> -> memref<961xf32, #tpu.memory_space<vmem>>
      %parallel_loop3A_188 = tpu.vector_load_idx %parallel_loop3A_187[%parallel_loop3A_87] : memref<961xf32, #tpu.memory_space<vmem>>[vector<16xi32>], vector<16xf32>,
      %parallel_loop3A_189 = arith.constant 4 : i32
      %parallel_loop3A_190 = arith.shrsi %parallel_loop3A_78, %parallel_loop3A_189 : i32
      %parallel_loop3A_191 = arith.constant 15 : i32
      %parallel_loop3A_192 = arith.andi %parallel_loop3A_78, %parallel_loop3A_191 : i32
      %parallel_loop3A_193 = arith.constant 16 : i32
      %parallel_loop3A_194 = arith.muli %parallel_loop3A_192, %parallel_loop3A_193 : i32
      %parallel_loop3A_195 = arith.constant 7 : i32
      %parallel_loop3A_196 = arith.index_cast %parallel_loop3A_195 : i32 to index
      %parallel_loop3A_197 = arith.index_cast %parallel_loop3A_190 : i32 to index
      %parallel_loop3A_198 = arith.index_cast %parallel_loop3A_194 : i32 to index
      %parallel_loop3A_199 = tpu.vector_load %arg7[%parallel_loop3A_196, %parallel_loop3A_197, %parallel_loop3A_198] {strides = array<i32>} : memref<32x8x256xf32, #tpu.memory_space<vmem>>, vector<16xf32>,
      tpu.vector_store %arg7[%parallel_loop3A_196, %parallel_loop3A_197, %parallel_loop3A_198], %parallel_loop3A_188 {strides = array<i32>} : memref<32x8x256xf32, #tpu.memory_space<vmem>>, vector<16xf32>,
      %parallel_loop3A_200 = arith.constant 7744 : i32
      %parallel_loop3A_201 = tpu.memref_slice %arg5[%parallel_loop3A_200] : memref<30976xf32, #tpu.memory_space<vmem>> -> memref<961xf32, #tpu.memory_space<vmem>>
      %parallel_loop3A_202 = tpu.vector_load_idx %parallel_loop3A_201[%parallel_loop3A_87] : memref<961xf32, #tpu.memory_space<vmem>>[vector<16xi32>], vector<16xf32>,
      %parallel_loop3A_203 = arith.constant 4 : i32
      %parallel_loop3A_204 = arith.shrsi %parallel_loop3A_78, %parallel_loop3A_203 : i32
      %parallel_loop3A_205 = arith.constant 15 : i32
      %parallel_loop3A_206 = arith.andi %parallel_loop3A_78, %parallel_loop3A_205 : i32
      %parallel_loop3A_207 = arith.constant 16 : i32
      %parallel_loop3A_208 = arith.muli %parallel_loop3A_206, %parallel_loop3A_207 : i32
      %parallel_loop3A_209 = arith.constant 8 : i32
      %parallel_loop3A_210 = arith.index_cast %parallel_loop3A_209 : i32 to index
      %parallel_loop3A_211 = arith.index_cast %parallel_loop3A_204 : i32 to index
      %parallel_loop3A_212 = arith.index_cast %parallel_loop3A_208 : i32 to index
      %parallel_loop3A_213 = tpu.vector_load %arg7[%parallel_loop3A_210, %parallel_loop3A_211, %parallel_loop3A_212] {strides = array<i32>} : memref<32x8x256xf32, #tpu.memory_space<vmem>>, vector<16xf32>,
      tpu.vector_store %arg7[%parallel_loop3A_210, %parallel_loop3A_211, %parallel_loop3A_212], %parallel_loop3A_202 {strides = array<i32>} : memref<32x8x256xf32, #tpu.memory_space<vmem>>, vector<16xf32>,
      %parallel_loop3A_214 = arith.constant 8712 : i32
      %parallel_loop3A_215 = tpu.memref_slice %arg5[%parallel_loop3A_214] : memref<30976xf32, #tpu.memory_space<vmem>> -> memref<961xf32, #tpu.memory_space<vmem>>
      %parallel_loop3A_216 = tpu.vector_load_idx %parallel_loop3A_215[%parallel_loop3A_87] : memref<961xf32, #tpu.memory_space<vmem>>[vector<16xi32>], vector<16xf32>,
      %parallel_loop3A_217 = arith.constant 4 : i32
      %parallel_loop3A_218 = arith.shrsi %parallel_loop3A_78, %parallel_loop3A_217 : i32
      %parallel_loop3A_219 = arith.constant 15 : i32
      %parallel_loop3A_220 = arith.andi %parallel_loop3A_78, %parallel_loop3A_219 : i32
      %parallel_loop3A_221 = arith.constant 16 : i32
      %parallel_loop3A_222 = arith.muli %parallel_loop3A_220, %parallel_loop3A_221 : i32
      %parallel_loop3A_223 = arith.constant 9 : i32
      %parallel_loop3A_224 = arith.index_cast %parallel_loop3A_223 : i32 to index
      %parallel_loop3A_225 = arith.index_cast %parallel_loop3A_218 : i32 to index
      %parallel_loop3A_226 = arith.index_cast %parallel_loop3A_222 : i32 to index
      %parallel_loop3A_227 = tpu.vector_load %arg7[%parallel_loop3A_224, %parallel_loop3A_225, %parallel_loop3A_226] {strides = array<i32>} : memref<32x8x256xf32, #tpu.memory_space<vmem>>, vector<16xf32>,
      tpu.vector_store %arg7[%parallel_loop3A_224, %parallel_loop3A_225, %parallel_loop3A_226], %parallel_loop3A_216 {strides = array<i32>} : memref<32x8x256xf32, #tpu.memory_space<vmem>>, vector<16xf32>,
      %parallel_loop3A_228 = arith.constant 9680 : i32
      %parallel_loop3A_229 = tpu.memref_slice %arg5[%parallel_loop3A_228] : memref<30976xf32, #tpu.memory_space<vmem>> -> memref<961xf32, #tpu.memory_space<vmem>>
      %parallel_loop3A_230 = tpu.vector_load_idx %parallel_loop3A_229[%parallel_loop3A_87] : memref<961xf32, #tpu.memory_space<vmem>>[vector<16xi32>], vector<16xf32>,
      %parallel_loop3A_231 = arith.constant 4 : i32
      %parallel_loop3A_232 = arith.shrsi %parallel_loop3A_78, %parallel_loop3A_231 : i32
      %parallel_loop3A_233 = arith.constant 15 : i32
      %parallel_loop3A_234 = arith.andi %parallel_loop3A_78, %parallel_loop3A_233 : i32
      %parallel_loop3A_235 = arith.constant 16 : i32
      %parallel_loop3A_236 = arith.muli %parallel_loop3A_234, %parallel_loop3A_235 : i32
      %parallel_loop3A_237 = arith.constant 10 : i32
      %parallel_loop3A_238 = arith.index_cast %parallel_loop3A_237 : i32 to index
      %parallel_loop3A_239 = arith.index_cast %parallel_loop3A_232 : i32 to index
      %parallel_loop3A_240 = arith.index_cast %parallel_loop3A_236 : i32 to index
      %parallel_loop3A_241 = tpu.vector_load %arg7[%parallel_loop3A_238, %parallel_loop3A_239, %parallel_loop3A_240] {strides = array<i32>} : memref<32x8x256xf32, #tpu.memory_space<vmem>>, vector<16xf32>,
      tpu.vector_store %arg7[%parallel_loop3A_238, %parallel_loop3A_239, %parallel_loop3A_240], %parallel_loop3A_230 {strides = array<i32>} : memref<32x8x256xf32, #tpu.memory_space<vmem>>, vector<16xf32>,
      %parallel_loop3A_242 = arith.constant 10648 : i32
      %parallel_loop3A_243 = tpu.memref_slice %arg5[%parallel_loop3A_242] : memref<30976xf32, #tpu.memory_space<vmem>> -> memref<961xf32, #tpu.memory_space<vmem>>
      %parallel_loop3A_244 = tpu.vector_load_idx %parallel_loop3A_243[%parallel_loop3A_87] : memref<961xf32, #tpu.memory_space<vmem>>[vector<16xi32>], vector<16xf32>,
      %parallel_loop3A_245 = arith.constant 4 : i32
      %parallel_loop3A_246 = arith.shrsi %parallel_loop3A_78, %parallel_loop3A_245 : i32
      %parallel_loop3A_247 = arith.constant 15 : i32
      %parallel_loop3A_248 = arith.andi %parallel_loop3A_78, %parallel_loop3A_247 : i32
      %parallel_loop3A_249 = arith.constant 16 : i32
      %parallel_loop3A_250 = arith.muli %parallel_loop3A_248, %parallel_loop3A_249 : i32
      %parallel_loop3A_251 = arith.constant 11 : i32
      %parallel_loop3A_252 = arith.index_cast %parallel_loop3A_251 : i32 to index
      %parallel_loop3A_253 = arith.index_cast %parallel_loop3A_246 : i32 to index
      %parallel_loop3A_254 = arith.index_cast %parallel_loop3A_250 : i32 to index
      %parallel_loop3A_255 = tpu.vector_load %arg7[%parallel_loop3A_252, %parallel_loop3A_253, %parallel_loop3A_254] {strides = array<i32>} : memref<32x8x256xf32, #tpu.memory_space<vmem>>, vector<16xf32>,
      tpu.vector_store %arg7[%parallel_loop3A_252, %parallel_loop3A_253, %parallel_loop3A_254], %parallel_loop3A_244 {strides = array<i32>} : memref<32x8x256xf32, #tpu.memory_space<vmem>>, vector<16xf32>,
      %parallel_loop3A_256 = arith.constant 11616 : i32
      %parallel_loop3A_257 = tpu.memref_slice %arg5[%parallel_loop3A_256] : memref<30976xf32, #tpu.memory_space<vmem>> -> memref<961xf32, #tpu.memory_space<vmem>>
      %parallel_loop3A_258 = tpu.vector_load_idx %parallel_loop3A_257[%parallel_loop3A_87] : memref<961xf32, #tpu.memory_space<vmem>>[vector<16xi32>], vector<16xf32>,
      %parallel_loop3A_259 = arith.constant 4 : i32
      %parallel_loop3A_260 = arith.shrsi %parallel_loop3A_78, %parallel_loop3A_259 : i32
      %parallel_loop3A_261 = arith.constant 15 : i32
      %parallel_loop3A_262 = arith.andi %parallel_loop3A_78, %parallel_loop3A_261 : i32
      %parallel_loop3A_263 = arith.constant 16 : i32
      %parallel_loop3A_264 = arith.muli %parallel_loop3A_262, %parallel_loop3A_263 : i32
      %parallel_loop3A_265 = arith.constant 12 : i32
      %parallel_loop3A_266 = arith.index_cast %parallel_loop3A_265 : i32 to index
      %parallel_loop3A_267 = arith.index_cast %parallel_loop3A_260 : i32 to index
      %parallel_loop3A_268 = arith.index_cast %parallel_loop3A_264 : i32 to index
      %parallel_loop3A_269 = tpu.vector_load %arg7[%parallel_loop3A_266, %parallel_loop3A_267, %parallel_loop3A_268] {strides = array<i32>} : memref<32x8x256xf32, #tpu.memory_space<vmem>>, vector<16xf32>,
      tpu.vector_store %arg7[%parallel_loop3A_266, %parallel_loop3A_267, %parallel_loop3A_268], %parallel_loop3A_258 {strides = array<i32>} : memref<32x8x256xf32, #tpu.memory_space<vmem>>, vector<16xf32>,
      %parallel_loop3A_270 = arith.constant 12584 : i32
      %parallel_loop3A_271 = tpu.memref_slice %arg5[%parallel_loop3A_270] : memref<30976xf32, #tpu.memory_space<vmem>> -> memref<961xf32, #tpu.memory_space<vmem>>
      %parallel_loop3A_272 = tpu.vector_load_idx %parallel_loop3A_271[%parallel_loop3A_87] : memref<961xf32, #tpu.memory_space<vmem>>[vector<16xi32>], vector<16xf32>,
      %parallel_loop3A_273 = arith.constant 4 : i32
      %parallel_loop3A_274 = arith.shrsi %parallel_loop3A_78, %parallel_loop3A_273 : i32
      %parallel_loop3A_275 = arith.constant 15 : i32
      %parallel_loop3A_276 = arith.andi %parallel_loop3A_78, %parallel_loop3A_275 : i32
      %parallel_loop3A_277 = arith.constant 16 : i32
      %parallel_loop3A_278 = arith.muli %parallel_loop3A_276, %parallel_loop3A_277 : i32
      %parallel_loop3A_279 = arith.constant 13 : i32
      %parallel_loop3A_280 = arith.index_cast %parallel_loop3A_279 : i32 to index
      %parallel_loop3A_281 = arith.index_cast %parallel_loop3A_274 : i32 to index
      %parallel_loop3A_282 = arith.index_cast %parallel_loop3A_278 : i32 to index
      %parallel_loop3A_283 = tpu.vector_load %arg7[%parallel_loop3A_280, %parallel_loop3A_281, %parallel_loop3A_282] {strides = array<i32>} : memref<32x8x256xf32, #tpu.memory_space<vmem>>, vector<16xf32>,
      tpu.vector_store %arg7[%parallel_loop3A_280, %parallel_loop3A_281, %parallel_loop3A_282], %parallel_loop3A_272 {strides = array<i32>} : memref<32x8x256xf32, #tpu.memory_space<vmem>>, vector<16xf32>,
      %parallel_loop3A_284 = arith.constant 13552 : i32
      %parallel_loop3A_285 = tpu.memref_slice %arg5[%parallel_loop3A_284] : memref<30976xf32, #tpu.memory_space<vmem>> -> memref<961xf32, #tpu.memory_space<vmem>>
      %parallel_loop3A_286 = tpu.vector_load_idx %parallel_loop3A_285[%parallel_loop3A_87] : memref<961xf32, #tpu.memory_space<vmem>>[vector<16xi32>], vector<16xf32>,
      %parallel_loop3A_287 = arith.constant 4 : i32
      %parallel_loop3A_288 = arith.shrsi %parallel_loop3A_78, %parallel_loop3A_287 : i32
      %parallel_loop3A_289 = arith.constant 15 : i32
      %parallel_loop3A_290 = arith.andi %parallel_loop3A_78, %parallel_loop3A_289 : i32
      %parallel_loop3A_291 = arith.constant 16 : i32
      %parallel_loop3A_292 = arith.muli %parallel_loop3A_290, %parallel_loop3A_291 : i32
      %parallel_loop3A_293 = arith.constant 14 : i32
      %parallel_loop3A_294 = arith.index_cast %parallel_loop3A_293 : i32 to index
      %parallel_loop3A_295 = arith.index_cast %parallel_loop3A_288 : i32 to index
      %parallel_loop3A_296 = arith.index_cast %parallel_loop3A_292 : i32 to index
      %parallel_loop3A_297 = tpu.vector_load %arg7[%parallel_loop3A_294, %parallel_loop3A_295, %parallel_loop3A_296] {strides = array<i32>} : memref<32x8x256xf32, #tpu.memory_space<vmem>>, vector<16xf32>,
      tpu.vector_store %arg7[%parallel_loop3A_294, %parallel_loop3A_295, %parallel_loop3A_296], %parallel_loop3A_286 {strides = array<i32>} : memref<32x8x256xf32, #tpu.memory_space<vmem>>, vector<16xf32>,
      %parallel_loop3A_298 = arith.constant 14520 : i32
      %parallel_loop3A_299 = tpu.memref_slice %arg5[%parallel_loop3A_298] : memref<30976xf32, #tpu.memory_space<vmem>> -> memref<961xf32, #tpu.memory_space<vmem>>
      %parallel_loop3A_300 = tpu.vector_load_idx %parallel_loop3A_299[%parallel_loop3A_87] : memref<961xf32, #tpu.memory_space<vmem>>[vector<16xi32>], vector<16xf32>,
      %parallel_loop3A_301 = arith.constant 4 : i32
      %parallel_loop3A_302 = arith.shrsi %parallel_loop3A_78, %parallel_loop3A_301 : i32
      %parallel_loop3A_303 = arith.constant 15 : i32
      %parallel_loop3A_304 = arith.andi %parallel_loop3A_78, %parallel_loop3A_303 : i32
      %parallel_loop3A_305 = arith.constant 16 : i32
      %parallel_loop3A_306 = arith.muli %parallel_loop3A_304, %parallel_loop3A_305 : i32
      %parallel_loop3A_307 = arith.constant 15 : i32
      %parallel_loop3A_308 = arith.index_cast %parallel_loop3A_307 : i32 to index
      %parallel_loop3A_309 = arith.index_cast %parallel_loop3A_302 : i32 to index
      %parallel_loop3A_310 = arith.index_cast %parallel_loop3A_306 : i32 to index
      %parallel_loop3A_311 = tpu.vector_load %arg7[%parallel_loop3A_308, %parallel_loop3A_309, %parallel_loop3A_310] {strides = array<i32>} : memref<32x8x256xf32, #tpu.memory_space<vmem>>, vector<16xf32>,
      tpu.vector_store %arg7[%parallel_loop3A_308, %parallel_loop3A_309, %parallel_loop3A_310], %parallel_loop3A_300 {strides = array<i32>} : memref<32x8x256xf32, #tpu.memory_space<vmem>>, vector<16xf32>,
      %parallel_loop3A_312 = arith.constant 15488 : i32
      %parallel_loop3A_313 = tpu.memref_slice %arg5[%parallel_loop3A_312] : memref<30976xf32, #tpu.memory_space<vmem>> -> memref<961xf32, #tpu.memory_space<vmem>>
      %parallel_loop3A_314 = tpu.vector_load_idx %parallel_loop3A_313[%parallel_loop3A_87] : memref<961xf32, #tpu.memory_space<vmem>>[vector<16xi32>], vector<16xf32>,
      %parallel_loop3A_315 = arith.constant 4 : i32
      %parallel_loop3A_316 = arith.shrsi %parallel_loop3A_78, %parallel_loop3A_315 : i32
      %parallel_loop3A_317 = arith.constant 15 : i32
      %parallel_loop3A_318 = arith.andi %parallel_loop3A_78, %parallel_loop3A_317 : i32
      %parallel_loop3A_319 = arith.constant 16 : i32
      %parallel_loop3A_320 = arith.muli %parallel_loop3A_318, %parallel_loop3A_319 : i32
      %parallel_loop3A_321 = arith.constant 16 : i32
      %parallel_loop3A_322 = arith.index_cast %parallel_loop3A_321 : i32 to index
      %parallel_loop3A_323 = arith.index_cast %parallel_loop3A_316 : i32 to index
      %parallel_loop3A_324 = arith.index_cast %parallel_loop3A_320 : i32 to index
      %parallel_loop3A_325 = tpu.vector_load %arg7[%parallel_loop3A_322, %parallel_loop3A_323, %parallel_loop3A_324] {strides = array<i32>} : memref<32x8x256xf32, #tpu.memory_space<vmem>>, vector<16xf32>,
      tpu.vector_store %arg7[%parallel_loop3A_322, %parallel_loop3A_323, %parallel_loop3A_324], %parallel_loop3A_314 {strides = array<i32>} : memref<32x8x256xf32, #tpu.memory_space<vmem>>, vector<16xf32>,
      %parallel_loop3A_326 = arith.constant 16456 : i32
      %parallel_loop3A_327 = tpu.memref_slice %arg5[%parallel_loop3A_326] : memref<30976xf32, #tpu.memory_space<vmem>> -> memref<961xf32, #tpu.memory_space<vmem>>
      %parallel_loop3A_328 = tpu.vector_load_idx %parallel_loop3A_327[%parallel_loop3A_87] : memref<961xf32, #tpu.memory_space<vmem>>[vector<16xi32>], vector<16xf32>,
      %parallel_loop3A_329 = arith.constant 4 : i32
      %parallel_loop3A_330 = arith.shrsi %parallel_loop3A_78, %parallel_loop3A_329 : i32
      %parallel_loop3A_331 = arith.constant 15 : i32
      %parallel_loop3A_332 = arith.andi %parallel_loop3A_78, %parallel_loop3A_331 : i32
      %parallel_loop3A_333 = arith.constant 16 : i32
      %parallel_loop3A_334 = arith.muli %parallel_loop3A_332, %parallel_loop3A_333 : i32
      %parallel_loop3A_335 = arith.constant 17 : i32
      %parallel_loop3A_336 = arith.index_cast %parallel_loop3A_335 : i32 to index
      %parallel_loop3A_337 = arith.index_cast %parallel_loop3A_330 : i32 to index
      %parallel_loop3A_338 = arith.index_cast %parallel_loop3A_334 : i32 to index
      %parallel_loop3A_339 = tpu.vector_load %arg7[%parallel_loop3A_336, %parallel_loop3A_337, %parallel_loop3A_338] {strides = array<i32>} : memref<32x8x256xf32, #tpu.memory_space<vmem>>, vector<16xf32>,
      tpu.vector_store %arg7[%parallel_loop3A_336, %parallel_loop3A_337, %parallel_loop3A_338], %parallel_loop3A_328 {strides = array<i32>} : memref<32x8x256xf32, #tpu.memory_space<vmem>>, vector<16xf32>,
      %parallel_loop3A_340 = arith.constant 17424 : i32
      %parallel_loop3A_341 = tpu.memref_slice %arg5[%parallel_loop3A_340] : memref<30976xf32, #tpu.memory_space<vmem>> -> memref<961xf32, #tpu.memory_space<vmem>>
      %parallel_loop3A_342 = tpu.vector_load_idx %parallel_loop3A_341[%parallel_loop3A_87] : memref<961xf32, #tpu.memory_space<vmem>>[vector<16xi32>], vector<16xf32>,
      %parallel_loop3A_343 = arith.constant 4 : i32
      %parallel_loop3A_344 = arith.shrsi %parallel_loop3A_78, %parallel_loop3A_343 : i32
      %parallel_loop3A_345 = arith.constant 15 : i32
      %parallel_loop3A_346 = arith.andi %parallel_loop3A_78, %parallel_loop3A_345 : i32
      %parallel_loop3A_347 = arith.constant 16 : i32
      %parallel_loop3A_348 = arith.muli %parallel_loop3A_346, %parallel_loop3A_347 : i32
      %parallel_loop3A_349 = arith.constant 18 : i32
      %parallel_loop3A_350 = arith.index_cast %parallel_loop3A_349 : i32 to index
      %parallel_loop3A_351 = arith.index_cast %parallel_loop3A_344 : i32 to index
      %parallel_loop3A_352 = arith.index_cast %parallel_loop3A_348 : i32 to index
      %parallel_loop3A_353 = tpu.vector_load %arg7[%parallel_loop3A_350, %parallel_loop3A_351, %parallel_loop3A_352] {strides = array<i32>} : memref<32x8x256xf32, #tpu.memory_space<vmem>>, vector<16xf32>,
      tpu.vector_store %arg7[%parallel_loop3A_350, %parallel_loop3A_351, %parallel_loop3A_352], %parallel_loop3A_342 {strides = array<i32>} : memref<32x8x256xf32, #tpu.memory_space<vmem>>, vector<16xf32>,
      %parallel_loop3A_354 = arith.constant 18392 : i32
      %parallel_loop3A_355 = tpu.memref_slice %arg5[%parallel_loop3A_354] : memref<30976xf32, #tpu.memory_space<vmem>> -> memref<961xf32, #tpu.memory_space<vmem>>
      %parallel_loop3A_356 = tpu.vector_load_idx %parallel_loop3A_355[%parallel_loop3A_87] : memref<961xf32, #tpu.memory_space<vmem>>[vector<16xi32>], vector<16xf32>,
      %parallel_loop3A_357 = arith.constant 4 : i32
      %parallel_loop3A_358 = arith.shrsi %parallel_loop3A_78, %parallel_loop3A_357 : i32
      %parallel_loop3A_359 = arith.constant 15 : i32
      %parallel_loop3A_360 = arith.andi %parallel_loop3A_78, %parallel_loop3A_359 : i32
      %parallel_loop3A_361 = arith.constant 16 : i32
      %parallel_loop3A_362 = arith.muli %parallel_loop3A_360, %parallel_loop3A_361 : i32
      %parallel_loop3A_363 = arith.constant 19 : i32
      %parallel_loop3A_364 = arith.index_cast %parallel_loop3A_363 : i32 to index
      %parallel_loop3A_365 = arith.index_cast %parallel_loop3A_358 : i32 to index
      %parallel_loop3A_366 = arith.index_cast %parallel_loop3A_362 : i32 to index
      %parallel_loop3A_367 = tpu.vector_load %arg7[%parallel_loop3A_364, %parallel_loop3A_365, %parallel_loop3A_366] {strides = array<i32>} : memref<32x8x256xf32, #tpu.memory_space<vmem>>, vector<16xf32>,
      tpu.vector_store %arg7[%parallel_loop3A_364, %parallel_loop3A_365, %parallel_loop3A_366], %parallel_loop3A_356 {strides = array<i32>} : memref<32x8x256xf32, #tpu.memory_space<vmem>>, vector<16xf32>,
      %parallel_loop3A_368 = arith.constant 19360 : i32
      %parallel_loop3A_369 = tpu.memref_slice %arg5[%parallel_loop3A_368] : memref<30976xf32, #tpu.memory_space<vmem>> -> memref<961xf32, #tpu.memory_space<vmem>>
      %parallel_loop3A_370 = tpu.vector_load_idx %parallel_loop3A_369[%parallel_loop3A_87] : memref<961xf32, #tpu.memory_space<vmem>>[vector<16xi32>], vector<16xf32>,
      %parallel_loop3A_371 = arith.constant 4 : i32
      %parallel_loop3A_372 = arith.shrsi %parallel_loop3A_78, %parallel_loop3A_371 : i32
      %parallel_loop3A_373 = arith.constant 15 : i32
      %parallel_loop3A_374 = arith.andi %parallel_loop3A_78, %parallel_loop3A_373 : i32
      %parallel_loop3A_375 = arith.constant 16 : i32
      %parallel_loop3A_376 = arith.muli %parallel_loop3A_374, %parallel_loop3A_375 : i32
      %parallel_loop3A_377 = arith.constant 20 : i32
      %parallel_loop3A_378 = arith.index_cast %parallel_loop3A_377 : i32 to index
      %parallel_loop3A_379 = arith.index_cast %parallel_loop3A_372 : i32 to index
      %parallel_loop3A_380 = arith.index_cast %parallel_loop3A_376 : i32 to index
      %parallel_loop3A_381 = tpu.vector_load %arg7[%parallel_loop3A_378, %parallel_loop3A_379, %parallel_loop3A_380] {strides = array<i32>} : memref<32x8x256xf32, #tpu.memory_space<vmem>>, vector<16xf32>,
      tpu.vector_store %arg7[%parallel_loop3A_378, %parallel_loop3A_379, %parallel_loop3A_380], %parallel_loop3A_370 {strides = array<i32>} : memref<32x8x256xf32, #tpu.memory_space<vmem>>, vector<16xf32>,
      %parallel_loop3A_382 = arith.constant 20328 : i32
      %parallel_loop3A_383 = tpu.memref_slice %arg5[%parallel_loop3A_382] : memref<30976xf32, #tpu.memory_space<vmem>> -> memref<961xf32, #tpu.memory_space<vmem>>
      %parallel_loop3A_384 = tpu.vector_load_idx %parallel_loop3A_383[%parallel_loop3A_87] : memref<961xf32, #tpu.memory_space<vmem>>[vector<16xi32>], vector<16xf32>,
      %parallel_loop3A_385 = arith.constant 4 : i32
      %parallel_loop3A_386 = arith.shrsi %parallel_loop3A_78, %parallel_loop3A_385 : i32
      %parallel_loop3A_387 = arith.constant 15 : i32
      %parallel_loop3A_388 = arith.andi %parallel_loop3A_78, %parallel_loop3A_387 : i32
      %parallel_loop3A_389 = arith.constant 16 : i32
      %parallel_loop3A_390 = arith.muli %parallel_loop3A_388, %parallel_loop3A_389 : i32
      %parallel_loop3A_391 = arith.constant 21 : i32
      %parallel_loop3A_392 = arith.index_cast %parallel_loop3A_391 : i32 to index
      %parallel_loop3A_393 = arith.index_cast %parallel_loop3A_386 : i32 to index
      %parallel_loop3A_394 = arith.index_cast %parallel_loop3A_390 : i32 to index
      %parallel_loop3A_395 = tpu.vector_load %arg7[%parallel_loop3A_392, %parallel_loop3A_393, %parallel_loop3A_394] {strides = array<i32>} : memref<32x8x256xf32, #tpu.memory_space<vmem>>, vector<16xf32>,
      tpu.vector_store %arg7[%parallel_loop3A_392, %parallel_loop3A_393, %parallel_loop3A_394], %parallel_loop3A_384 {strides = array<i32>} : memref<32x8x256xf32, #tpu.memory_space<vmem>>, vector<16xf32>,
      %parallel_loop3A_396 = arith.constant 21296 : i32
      %parallel_loop3A_397 = tpu.memref_slice %arg5[%parallel_loop3A_396] : memref<30976xf32, #tpu.memory_space<vmem>> -> memref<961xf32, #tpu.memory_space<vmem>>
      %parallel_loop3A_398 = tpu.vector_load_idx %parallel_loop3A_397[%parallel_loop3A_87] : memref<961xf32, #tpu.memory_space<vmem>>[vector<16xi32>], vector<16xf32>,
      %parallel_loop3A_399 = arith.constant 4 : i32
      %parallel_loop3A_400 = arith.shrsi %parallel_loop3A_78, %parallel_loop3A_399 : i32
      %parallel_loop3A_401 = arith.constant 15 : i32
      %parallel_loop3A_402 = arith.andi %parallel_loop3A_78, %parallel_loop3A_401 : i32
      %parallel_loop3A_403 = arith.constant 16 : i32
      %parallel_loop3A_404 = arith.muli %parallel_loop3A_402, %parallel_loop3A_403 : i32
      %parallel_loop3A_405 = arith.constant 22 : i32
      %parallel_loop3A_406 = arith.index_cast %parallel_loop3A_405 : i32 to index
      %parallel_loop3A_407 = arith.index_cast %parallel_loop3A_400 : i32 to index
      %parallel_loop3A_408 = arith.index_cast %parallel_loop3A_404 : i32 to index
      %parallel_loop3A_409 = tpu.vector_load %arg7[%parallel_loop3A_406, %parallel_loop3A_407, %parallel_loop3A_408] {strides = array<i32>} : memref<32x8x256xf32, #tpu.memory_space<vmem>>, vector<16xf32>,
      tpu.vector_store %arg7[%parallel_loop3A_406, %parallel_loop3A_407, %parallel_loop3A_408], %parallel_loop3A_398 {strides = array<i32>} : memref<32x8x256xf32, #tpu.memory_space<vmem>>, vector<16xf32>,
      %parallel_loop3A_410 = arith.constant 22264 : i32
      %parallel_loop3A_411 = tpu.memref_slice %arg5[%parallel_loop3A_410] : memref<30976xf32, #tpu.memory_space<vmem>> -> memref<961xf32, #tpu.memory_space<vmem>>
      %parallel_loop3A_412 = tpu.vector_load_idx %parallel_loop3A_411[%parallel_loop3A_87] : memref<961xf32, #tpu.memory_space<vmem>>[vector<16xi32>], vector<16xf32>,
      %parallel_loop3A_413 = arith.constant 4 : i32
      %parallel_loop3A_414 = arith.shrsi %parallel_loop3A_78, %parallel_loop3A_413 : i32
      %parallel_loop3A_415 = arith.constant 15 : i32
      %parallel_loop3A_416 = arith.andi %parallel_loop3A_78, %parallel_loop3A_415 : i32
      %parallel_loop3A_417 = arith.constant 16 : i32
      %parallel_loop3A_418 = arith.muli %parallel_loop3A_416, %parallel_loop3A_417 : i32
      %parallel_loop3A_419 = arith.constant 23 : i32
      %parallel_loop3A_420 = arith.index_cast %parallel_loop3A_419 : i32 to index
      %parallel_loop3A_421 = arith.index_cast %parallel_loop3A_414 : i32 to index
      %parallel_loop3A_422 = arith.index_cast %parallel_loop3A_418 : i32 to index
      %parallel_loop3A_423 = tpu.vector_load %arg7[%parallel_loop3A_420, %parallel_loop3A_421, %parallel_loop3A_422] {strides = array<i32>} : memref<32x8x256xf32, #tpu.memory_space<vmem>>, vector<16xf32>,
      tpu.vector_store %arg7[%parallel_loop3A_420, %parallel_loop3A_421, %parallel_loop3A_422], %parallel_loop3A_412 {strides = array<i32>} : memref<32x8x256xf32, #tpu.memory_space<vmem>>, vector<16xf32>,
      %parallel_loop3A_424 = arith.constant 23232 : i32
      %parallel_loop3A_425 = tpu.memref_slice %arg5[%parallel_loop3A_424] : memref<30976xf32, #tpu.memory_space<vmem>> -> memref<961xf32, #tpu.memory_space<vmem>>
      %parallel_loop3A_426 = tpu.vector_load_idx %parallel_loop3A_425[%parallel_loop3A_87] : memref<961xf32, #tpu.memory_space<vmem>>[vector<16xi32>], vector<16xf32>,
      %parallel_loop3A_427 = arith.constant 4 : i32
      %parallel_loop3A_428 = arith.shrsi %parallel_loop3A_78, %parallel_loop3A_427 : i32
      %parallel_loop3A_429 = arith.constant 15 : i32
      %parallel_loop3A_430 = arith.andi %parallel_loop3A_78, %parallel_loop3A_429 : i32
      %parallel_loop3A_431 = arith.constant 16 : i32
      %parallel_loop3A_432 = arith.muli %parallel_loop3A_430, %parallel_loop3A_431 : i32
      %parallel_loop3A_433 = arith.constant 24 : i32
      %parallel_loop3A_434 = arith.index_cast %parallel_loop3A_433 : i32 to index
      %parallel_loop3A_435 = arith.index_cast %parallel_loop3A_428 : i32 to index
      %parallel_loop3A_436 = arith.index_cast %parallel_loop3A_432 : i32 to index
      %parallel_loop3A_437 = tpu.vector_load %arg7[%parallel_loop3A_434, %parallel_loop3A_435, %parallel_loop3A_436] {strides = array<i32>} : memref<32x8x256xf32, #tpu.memory_space<vmem>>, vector<16xf32>,
      tpu.vector_store %arg7[%parallel_loop3A_434, %parallel_loop3A_435, %parallel_loop3A_436], %parallel_loop3A_426 {strides = array<i32>} : memref<32x8x256xf32, #tpu.memory_space<vmem>>, vector<16xf32>,
      %parallel_loop3A_438 = arith.constant 24200 : i32
      %parallel_loop3A_439 = tpu.memref_slice %arg5[%parallel_loop3A_438] : memref<30976xf32, #tpu.memory_space<vmem>> -> memref<961xf32, #tpu.memory_space<vmem>>
      %parallel_loop3A_440 = tpu.vector_load_idx %parallel_loop3A_439[%parallel_loop3A_87] : memref<961xf32, #tpu.memory_space<vmem>>[vector<16xi32>], vector<16xf32>,
      %parallel_loop3A_441 = arith.constant 4 : i32
      %parallel_loop3A_442 = arith.shrsi %parallel_loop3A_78, %parallel_loop3A_441 : i32
      %parallel_loop3A_443 = arith.constant 15 : i32
      %parallel_loop3A_444 = arith.andi %parallel_loop3A_78, %parallel_loop3A_443 : i32
      %parallel_loop3A_445 = arith.constant 16 : i32
      %parallel_loop3A_446 = arith.muli %parallel_loop3A_444, %parallel_loop3A_445 : i32
      %parallel_loop3A_447 = arith.constant 25 : i32
      %parallel_loop3A_448 = arith.index_cast %parallel_loop3A_447 : i32 to index
      %parallel_loop3A_449 = arith.index_cast %parallel_loop3A_442 : i32 to index
      %parallel_loop3A_450 = arith.index_cast %parallel_loop3A_446 : i32 to index
      %parallel_loop3A_451 = tpu.vector_load %arg7[%parallel_loop3A_448, %parallel_loop3A_449, %parallel_loop3A_450] {strides = array<i32>} : memref<32x8x256xf32, #tpu.memory_space<vmem>>, vector<16xf32>,
      tpu.vector_store %arg7[%parallel_loop3A_448, %parallel_loop3A_449, %parallel_loop3A_450], %parallel_loop3A_440 {strides = array<i32>} : memref<32x8x256xf32, #tpu.memory_space<vmem>>, vector<16xf32>,
      %parallel_loop3A_452 = arith.constant 25168 : i32
      %parallel_loop3A_453 = tpu.memref_slice %arg5[%parallel_loop3A_452] : memref<30976xf32, #tpu.memory_space<vmem>> -> memref<961xf32, #tpu.memory_space<vmem>>
      %parallel_loop3A_454 = tpu.vector_load_idx %parallel_loop3A_453[%parallel_loop3A_87] : memref<961xf32, #tpu.memory_space<vmem>>[vector<16xi32>], vector<16xf32>,
      %parallel_loop3A_455 = arith.constant 4 : i32
      %parallel_loop3A_456 = arith.shrsi %parallel_loop3A_78, %parallel_loop3A_455 : i32
      %parallel_loop3A_457 = arith.constant 15 : i32
      %parallel_loop3A_458 = arith.andi %parallel_loop3A_78, %parallel_loop3A_457 : i32
      %parallel_loop3A_459 = arith.constant 16 : i32
      %parallel_loop3A_460 = arith.muli %parallel_loop3A_458, %parallel_loop3A_459 : i32
      %parallel_loop3A_461 = arith.constant 26 : i32
      %parallel_loop3A_462 = arith.index_cast %parallel_loop3A_461 : i32 to index
      %parallel_loop3A_463 = arith.index_cast %parallel_loop3A_456 : i32 to index
      %parallel_loop3A_464 = arith.index_cast %parallel_loop3A_460 : i32 to index
      %parallel_loop3A_465 = tpu.vector_load %arg7[%parallel_loop3A_462, %parallel_loop3A_463, %parallel_loop3A_464] {strides = array<i32>} : memref<32x8x256xf32, #tpu.memory_space<vmem>>, vector<16xf32>,
      tpu.vector_store %arg7[%parallel_loop3A_462, %parallel_loop3A_463, %parallel_loop3A_464], %parallel_loop3A_454 {strides = array<i32>} : memref<32x8x256xf32, #tpu.memory_space<vmem>>, vector<16xf32>,
      %parallel_loop3A_466 = arith.constant 26136 : i32
      %parallel_loop3A_467 = tpu.memref_slice %arg5[%parallel_loop3A_466] : memref<30976xf32, #tpu.memory_space<vmem>> -> memref<961xf32, #tpu.memory_space<vmem>>
      %parallel_loop3A_468 = tpu.vector_load_idx %parallel_loop3A_467[%parallel_loop3A_87] : memref<961xf32, #tpu.memory_space<vmem>>[vector<16xi32>], vector<16xf32>,
      %parallel_loop3A_469 = arith.constant 4 : i32
      %parallel_loop3A_470 = arith.shrsi %parallel_loop3A_78, %parallel_loop3A_469 : i32
      %parallel_loop3A_471 = arith.constant 15 : i32
      %parallel_loop3A_472 = arith.andi %parallel_loop3A_78, %parallel_loop3A_471 : i32
      %parallel_loop3A_473 = arith.constant 16 : i32
      %parallel_loop3A_474 = arith.muli %parallel_loop3A_472, %parallel_loop3A_473 : i32
      %parallel_loop3A_475 = arith.constant 27 : i32
      %parallel_loop3A_476 = arith.index_cast %parallel_loop3A_475 : i32 to index
      %parallel_loop3A_477 = arith.index_cast %parallel_loop3A_470 : i32 to index
      %parallel_loop3A_478 = arith.index_cast %parallel_loop3A_474 : i32 to index
      %parallel_loop3A_479 = tpu.vector_load %arg7[%parallel_loop3A_476, %parallel_loop3A_477, %parallel_loop3A_478] {strides = array<i32>} : memref<32x8x256xf32, #tpu.memory_space<vmem>>, vector<16xf32>,
      tpu.vector_store %arg7[%parallel_loop3A_476, %parallel_loop3A_477, %parallel_loop3A_478], %parallel_loop3A_468 {strides = array<i32>} : memref<32x8x256xf32, #tpu.memory_space<vmem>>, vector<16xf32>,
      %parallel_loop3A_480 = arith.constant 27104 : i32
      %parallel_loop3A_481 = tpu.memref_slice %arg5[%parallel_loop3A_480] : memref<30976xf32, #tpu.memory_space<vmem>> -> memref<961xf32, #tpu.memory_space<vmem>>
      %parallel_loop3A_482 = tpu.vector_load_idx %parallel_loop3A_481[%parallel_loop3A_87] : memref<961xf32, #tpu.memory_space<vmem>>[vector<16xi32>], vector<16xf32>,
      %parallel_loop3A_483 = arith.constant 4 : i32
      %parallel_loop3A_484 = arith.shrsi %parallel_loop3A_78, %parallel_loop3A_483 : i32
      %parallel_loop3A_485 = arith.constant 15 : i32
      %parallel_loop3A_486 = arith.andi %parallel_loop3A_78, %parallel_loop3A_485 : i32
      %parallel_loop3A_487 = arith.constant 16 : i32
      %parallel_loop3A_488 = arith.muli %parallel_loop3A_486, %parallel_loop3A_487 : i32
      %parallel_loop3A_489 = arith.constant 28 : i32
      %parallel_loop3A_490 = arith.index_cast %parallel_loop3A_489 : i32 to index
      %parallel_loop3A_491 = arith.index_cast %parallel_loop3A_484 : i32 to index
      %parallel_loop3A_492 = arith.index_cast %parallel_loop3A_488 : i32 to index
      %parallel_loop3A_493 = tpu.vector_load %arg7[%parallel_loop3A_490, %parallel_loop3A_491, %parallel_loop3A_492] {strides = array<i32>} : memref<32x8x256xf32, #tpu.memory_space<vmem>>, vector<16xf32>,
      tpu.vector_store %arg7[%parallel_loop3A_490, %parallel_loop3A_491, %parallel_loop3A_492], %parallel_loop3A_482 {strides = array<i32>} : memref<32x8x256xf32, #tpu.memory_space<vmem>>, vector<16xf32>,
      %parallel_loop3A_494 = arith.constant 28072 : i32
      %parallel_loop3A_495 = tpu.memref_slice %arg5[%parallel_loop3A_494] : memref<30976xf32, #tpu.memory_space<vmem>> -> memref<961xf32, #tpu.memory_space<vmem>>
      %parallel_loop3A_496 = tpu.vector_load_idx %parallel_loop3A_495[%parallel_loop3A_87] : memref<961xf32, #tpu.memory_space<vmem>>[vector<16xi32>], vector<16xf32>,
      %parallel_loop3A_497 = arith.constant 4 : i32
      %parallel_loop3A_498 = arith.shrsi %parallel_loop3A_78, %parallel_loop3A_497 : i32
      %parallel_loop3A_499 = arith.constant 15 : i32
      %parallel_loop3A_500 = arith.andi %parallel_loop3A_78, %parallel_loop3A_499 : i32
      %parallel_loop3A_501 = arith.constant 16 : i32
      %parallel_loop3A_502 = arith.muli %parallel_loop3A_500, %parallel_loop3A_501 : i32
      %parallel_loop3A_503 = arith.constant 29 : i32
      %parallel_loop3A_504 = arith.index_cast %parallel_loop3A_503 : i32 to index
      %parallel_loop3A_505 = arith.index_cast %parallel_loop3A_498 : i32 to index
      %parallel_loop3A_506 = arith.index_cast %parallel_loop3A_502 : i32 to index
      %parallel_loop3A_507 = tpu.vector_load %arg7[%parallel_loop3A_504, %parallel_loop3A_505, %parallel_loop3A_506] {strides = array<i32>} : memref<32x8x256xf32, #tpu.memory_space<vmem>>, vector<16xf32>,
      tpu.vector_store %arg7[%parallel_loop3A_504, %parallel_loop3A_505, %parallel_loop3A_506], %parallel_loop3A_496 {strides = array<i32>} : memref<32x8x256xf32, #tpu.memory_space<vmem>>, vector<16xf32>,
      %parallel_loop3A_508 = arith.constant 29040 : i32
      %parallel_loop3A_509 = tpu.memref_slice %arg5[%parallel_loop3A_508] : memref<30976xf32, #tpu.memory_space<vmem>> -> memref<961xf32, #tpu.memory_space<vmem>>
      %parallel_loop3A_510 = tpu.vector_load_idx %parallel_loop3A_509[%parallel_loop3A_87] : memref<961xf32, #tpu.memory_space<vmem>>[vector<16xi32>], vector<16xf32>,
      %parallel_loop3A_511 = arith.constant 4 : i32
      %parallel_loop3A_512 = arith.shrsi %parallel_loop3A_78, %parallel_loop3A_511 : i32
      %parallel_loop3A_513 = arith.constant 15 : i32
      %parallel_loop3A_514 = arith.andi %parallel_loop3A_78, %parallel_loop3A_513 : i32
      %parallel_loop3A_515 = arith.constant 16 : i32
      %parallel_loop3A_516 = arith.muli %parallel_loop3A_514, %parallel_loop3A_515 : i32
      %parallel_loop3A_517 = arith.constant 30 : i32
      %parallel_loop3A_518 = arith.index_cast %parallel_loop3A_517 : i32 to index
      %parallel_loop3A_519 = arith.index_cast %parallel_loop3A_512 : i32 to index
      %parallel_loop3A_520 = arith.index_cast %parallel_loop3A_516 : i32 to index
      %parallel_loop3A_521 = tpu.vector_load %arg7[%parallel_loop3A_518, %parallel_loop3A_519, %parallel_loop3A_520] {strides = array<i32>} : memref<32x8x256xf32, #tpu.memory_space<vmem>>, vector<16xf32>,
      tpu.vector_store %arg7[%parallel_loop3A_518, %parallel_loop3A_519, %parallel_loop3A_520], %parallel_loop3A_510 {strides = array<i32>} : memref<32x8x256xf32, #tpu.memory_space<vmem>>, vector<16xf32>,
      %parallel_loop3A_522 = arith.constant 30008 : i32
      %parallel_loop3A_523 = tpu.memref_slice %arg5[%parallel_loop3A_522] : memref<30976xf32, #tpu.memory_space<vmem>> -> memref<961xf32, #tpu.memory_space<vmem>>
      %parallel_loop3A_524 = tpu.vector_load_idx %parallel_loop3A_523[%parallel_loop3A_87] : memref<961xf32, #tpu.memory_space<vmem>>[vector<16xi32>], vector<16xf32>,
      %parallel_loop3A_525 = arith.constant 4 : i32
      %parallel_loop3A_526 = arith.shrsi %parallel_loop3A_78, %parallel_loop3A_525 : i32
      %parallel_loop3A_527 = arith.constant 15 : i32
      %parallel_loop3A_528 = arith.andi %parallel_loop3A_78, %parallel_loop3A_527 : i32
      %parallel_loop3A_529 = arith.constant 16 : i32
      %parallel_loop3A_530 = arith.muli %parallel_loop3A_528, %parallel_loop3A_529 : i32
      %parallel_loop3A_531 = arith.constant 31 : i32
      %parallel_loop3A_532 = arith.index_cast %parallel_loop3A_531 : i32 to index
      %parallel_loop3A_533 = arith.index_cast %parallel_loop3A_526 : i32 to index
      %parallel_loop3A_534 = arith.index_cast %parallel_loop3A_530 : i32 to index
      %parallel_loop3A_535 = tpu.vector_load %arg7[%parallel_loop3A_532, %parallel_loop3A_533, %parallel_loop3A_534] {strides = array<i32>} : memref<32x8x256xf32, #tpu.memory_space<vmem>>, vector<16xf32>,
      tpu.vector_store %arg7[%parallel_loop3A_532, %parallel_loop3A_533, %parallel_loop3A_534], %parallel_loop3A_524 {strides = array<i32>} : memref<32x8x256xf32, #tpu.memory_space<vmem>>, vector<16xf32>,
    } {sc.loop_unroll_factor = 1 : i64, sc.parallel_access}
    %mul3A_11 = arith.constant 8 : i32
    %mul3A_12 = arith.muli %add3A, %mul3A_11 : i32
    %add3A_13 = arith.constant 0 : i32
    %add3A_14 = arith.addi %mul3A_12, %add3A_13 : i32
    %dma_start3A_15 = arith.constant 0 : i32
    %dma_start3A_16 = arith.constant 0 : i32
    %dma_start3A_17 = arith.constant 0 : i32
    %dma_start3A_18 = tpu.memref_slice %arg7[%dma_start3A_15, %dma_start3A_16, %dma_start3A_17] : memref<32x8x256xf32, #tpu.memory_space<vmem>> -> memref<32x4x256xf32, #tpu.memory_space<vmem>>
    %dma_start3A_19 = arith.constant 0 : i32
    %dma_start3A_20 = arith.constant 0 : i32
    %dma_start3A_21 = tpu.memref_slice %arg4[%dma_start3A_19, %add3A_14, %dma_start3A_20] : memref<32x256x256xf32, #tpu.memory_space<hbm>> -> memref<32x4x256xf32, #tpu.memory_space<hbm>>
    %dma_start3A_22 = arith.constant 0 : i32
    %dma_start3A_23 = arith.constant 0 : i32
    %dma_start3A_24 = tpu.memref_slice %arg4[%dma_start3A_22, %add3A_14, %dma_start3A_23] : memref<32x256x256xf32, #tpu.memory_space<hbm>> -> memref<32x4x256xf32, #tpu.memory_space<hbm>>
    %dma_start3A_25 = arith.constant 0 : i32
    %dma_start3A_26 = arith.constant 0 : i32
    %dma_start3A_27 = arith.constant 0 : i32
    %dma_start3A_28 = tpu.memref_slice %arg7[%dma_start3A_25, %dma_start3A_26, %dma_start3A_27] : memref<32x8x256xf32, #tpu.memory_space<vmem>> -> memref<32x4x256xf32, #tpu.memory_space<vmem>>
    tpu.enqueue_dma source(%dma_start3A_28 : memref<32x4x256xf32, #tpu.memory_space<vmem>>) target(%dma_start3A_24 : memref<32x4x256xf32, #tpu.memory_space<hbm>>) target_semaphore(%arg10 : memref<!tpu.dma_semaphore, #tpu.memory_space<semaphore_mem>>)
    %parallel_loop3A_29 = arith.constant 64 : i32
    %parallel_loop3A_30 = arith.constant 128 : i32
    %parallel_loop3A_31 = arith.constant 1 : i32
    scf.for %parallel_loop3A_78 = %parallel_loop3A_29 to %parallel_loop3A_30 step %parallel_loop3A_31  : i32 {
      %parallel_loop3A_79 = arith.constant 4 : i32
      %parallel_loop3A_80 = arith.shrsi %parallel_loop3A_78, %parallel_loop3A_79 : i32
      %parallel_loop3A_81 = arith.constant 15 : i32
      %parallel_loop3A_82 = arith.andi %parallel_loop3A_78, %parallel_loop3A_81 : i32
      %parallel_loop3A_83 = arith.constant 16 : i32
      %parallel_loop3A_84 = arith.muli %parallel_loop3A_82, %parallel_loop3A_83 : i32
      %parallel_loop3A_85 = arith.index_cast %parallel_loop3A_80 : i32 to index
      %parallel_loop3A_86 = arith.index_cast %parallel_loop3A_84 : i32 to index
      %parallel_loop3A_87 = tpu.vector_load %arg6[%parallel_loop3A_85, %parallel_loop3A_86] {strides = array<i32>} : memref<8x256xi32, #tpu.memory_space<vmem>>, vector<16xi32>,
      %parallel_loop3A_88 = arith.constant 0 : i32
      %parallel_loop3A_89 = tpu.memref_slice %arg5[%parallel_loop3A_88] : memref<30976xf32, #tpu.memory_space<vmem>> -> memref<961xf32, #tpu.memory_space<vmem>>
      %parallel_loop3A_90 = tpu.vector_load_idx %parallel_loop3A_89[%parallel_loop3A_87] : memref<961xf32, #tpu.memory_space<vmem>>[vector<16xi32>], vector<16xf32>,
      %parallel_loop3A_91 = arith.constant 4 : i32
      %parallel_loop3A_92 = arith.shrsi %parallel_loop3A_78, %parallel_loop3A_91 : i32
      %parallel_loop3A_93 = arith.constant 15 : i32
      %parallel_loop3A_94 = arith.andi %parallel_loop3A_78, %parallel_loop3A_93 : i32
      %parallel_loop3A_95 = arith.constant 16 : i32
      %parallel_loop3A_96 = arith.muli %parallel_loop3A_94, %parallel_loop3A_95 : i32
      %parallel_loop3A_97 = arith.constant 0 : i32
      %parallel_loop3A_98 = arith.index_cast %parallel_loop3A_97 : i32 to index
      %parallel_loop3A_99 = arith.index_cast %parallel_loop3A_92 : i32 to index
      %parallel_loop3A_100 = arith.index_cast %parallel_loop3A_96 : i32 to index
      %parallel_loop3A_101 = tpu.vector_load %arg7[%parallel_loop3A_98, %parallel_loop3A_99, %parallel_loop3A_100] {strides = array<i32>} : memref<32x8x256xf32, #tpu.memory_space<vmem>>, vector<16xf32>,
      tpu.vector_store %arg7[%parallel_loop3A_98, %parallel_loop3A_99, %parallel_loop3A_100], %parallel_loop3A_90 {strides = array<i32>} : memref<32x8x256xf32, #tpu.memory_space<vmem>>, vector<16xf32>,
      %parallel_loop3A_102 = arith.constant 968 : i32
      %parallel_loop3A_103 = tpu.memref_slice %arg5[%parallel_loop3A_102] : memref<30976xf32, #tpu.memory_space<vmem>> -> memref<961xf32, #tpu.memory_space<vmem>>
      %parallel_loop3A_104 = tpu.vector_load_idx %parallel_loop3A_103[%parallel_loop3A_87] : memref<961xf32, #tpu.memory_space<vmem>>[vector<16xi32>], vector<16xf32>,
      %parallel_loop3A_105 = arith.constant 4 : i32
      %parallel_loop3A_106 = arith.shrsi %parallel_loop3A_78, %parallel_loop3A_105 : i32
      %parallel_loop3A_107 = arith.constant 15 : i32
      %parallel_loop3A_108 = arith.andi %parallel_loop3A_78, %parallel_loop3A_107 : i32
      %parallel_loop3A_109 = arith.constant 16 : i32
      %parallel_loop3A_110 = arith.muli %parallel_loop3A_108, %parallel_loop3A_109 : i32
      %parallel_loop3A_111 = arith.constant 1 : i32
      %parallel_loop3A_112 = arith.index_cast %parallel_loop3A_111 : i32 to index
      %parallel_loop3A_113 = arith.index_cast %parallel_loop3A_106 : i32 to index
      %parallel_loop3A_114 = arith.index_cast %parallel_loop3A_110 : i32 to index
      %parallel_loop3A_115 = tpu.vector_load %arg7[%parallel_loop3A_112, %parallel_loop3A_113, %parallel_loop3A_114] {strides = array<i32>} : memref<32x8x256xf32, #tpu.memory_space<vmem>>, vector<16xf32>,
      tpu.vector_store %arg7[%parallel_loop3A_112, %parallel_loop3A_113, %parallel_loop3A_114], %parallel_loop3A_104 {strides = array<i32>} : memref<32x8x256xf32, #tpu.memory_space<vmem>>, vector<16xf32>,
      %parallel_loop3A_116 = arith.constant 1936 : i32
      %parallel_loop3A_117 = tpu.memref_slice %arg5[%parallel_loop3A_116] : memref<30976xf32, #tpu.memory_space<vmem>> -> memref<961xf32, #tpu.memory_space<vmem>>
      %parallel_loop3A_118 = tpu.vector_load_idx %parallel_loop3A_117[%parallel_loop3A_87] : memref<961xf32, #tpu.memory_space<vmem>>[vector<16xi32>], vector<16xf32>,
      %parallel_loop3A_119 = arith.constant 4 : i32
      %parallel_loop3A_120 = arith.shrsi %parallel_loop3A_78, %parallel_loop3A_119 : i32
      %parallel_loop3A_121 = arith.constant 15 : i32
      %parallel_loop3A_122 = arith.andi %parallel_loop3A_78, %parallel_loop3A_121 : i32
      %parallel_loop3A_123 = arith.constant 16 : i32
      %parallel_loop3A_124 = arith.muli %parallel_loop3A_122, %parallel_loop3A_123 : i32
      %parallel_loop3A_125 = arith.constant 2 : i32
      %parallel_loop3A_126 = arith.index_cast %parallel_loop3A_125 : i32 to index
      %parallel_loop3A_127 = arith.index_cast %parallel_loop3A_120 : i32 to index
      %parallel_loop3A_128 = arith.index_cast %parallel_loop3A_124 : i32 to index
      %parallel_loop3A_129 = tpu.vector_load %arg7[%parallel_loop3A_126, %parallel_loop3A_127, %parallel_loop3A_128] {strides = array<i32>} : memref<32x8x256xf32, #tpu.memory_space<vmem>>, vector<16xf32>,
      tpu.vector_store %arg7[%parallel_loop3A_126, %parallel_loop3A_127, %parallel_loop3A_128], %parallel_loop3A_118 {strides = array<i32>} : memref<32x8x256xf32, #tpu.memory_space<vmem>>, vector<16xf32>,
      %parallel_loop3A_130 = arith.constant 2904 : i32
      %parallel_loop3A_131 = tpu.memref_slice %arg5[%parallel_loop3A_130] : memref<30976xf32, #tpu.memory_space<vmem>> -> memref<961xf32, #tpu.memory_space<vmem>>
      %parallel_loop3A_132 = tpu.vector_load_idx %parallel_loop3A_131[%parallel_loop3A_87] : memref<961xf32, #tpu.memory_space<vmem>>[vector<16xi32>], vector<16xf32>,
      %parallel_loop3A_133 = arith.constant 4 : i32
      %parallel_loop3A_134 = arith.shrsi %parallel_loop3A_78, %parallel_loop3A_133 : i32
      %parallel_loop3A_135 = arith.constant 15 : i32
      %parallel_loop3A_136 = arith.andi %parallel_loop3A_78, %parallel_loop3A_135 : i32
      %parallel_loop3A_137 = arith.constant 16 : i32
      %parallel_loop3A_138 = arith.muli %parallel_loop3A_136, %parallel_loop3A_137 : i32
      %parallel_loop3A_139 = arith.constant 3 : i32
      %parallel_loop3A_140 = arith.index_cast %parallel_loop3A_139 : i32 to index
      %parallel_loop3A_141 = arith.index_cast %parallel_loop3A_134 : i32 to index
      %parallel_loop3A_142 = arith.index_cast %parallel_loop3A_138 : i32 to index
      %parallel_loop3A_143 = tpu.vector_load %arg7[%parallel_loop3A_140, %parallel_loop3A_141, %parallel_loop3A_142] {strides = array<i32>} : memref<32x8x256xf32, #tpu.memory_space<vmem>>, vector<16xf32>,
      tpu.vector_store %arg7[%parallel_loop3A_140, %parallel_loop3A_141, %parallel_loop3A_142], %parallel_loop3A_132 {strides = array<i32>} : memref<32x8x256xf32, #tpu.memory_space<vmem>>, vector<16xf32>,
      %parallel_loop3A_144 = arith.constant 3872 : i32
      %parallel_loop3A_145 = tpu.memref_slice %arg5[%parallel_loop3A_144] : memref<30976xf32, #tpu.memory_space<vmem>> -> memref<961xf32, #tpu.memory_space<vmem>>
      %parallel_loop3A_146 = tpu.vector_load_idx %parallel_loop3A_145[%parallel_loop3A_87] : memref<961xf32, #tpu.memory_space<vmem>>[vector<16xi32>], vector<16xf32>,
      %parallel_loop3A_147 = arith.constant 4 : i32
      %parallel_loop3A_148 = arith.shrsi %parallel_loop3A_78, %parallel_loop3A_147 : i32
      %parallel_loop3A_149 = arith.constant 15 : i32
      %parallel_loop3A_150 = arith.andi %parallel_loop3A_78, %parallel_loop3A_149 : i32
      %parallel_loop3A_151 = arith.constant 16 : i32
      %parallel_loop3A_152 = arith.muli %parallel_loop3A_150, %parallel_loop3A_151 : i32
      %parallel_loop3A_153 = arith.constant 4 : i32
      %parallel_loop3A_154 = arith.index_cast %parallel_loop3A_153 : i32 to index
      %parallel_loop3A_155 = arith.index_cast %parallel_loop3A_148 : i32 to index
      %parallel_loop3A_156 = arith.index_cast %parallel_loop3A_152 : i32 to index
      %parallel_loop3A_157 = tpu.vector_load %arg7[%parallel_loop3A_154, %parallel_loop3A_155, %parallel_loop3A_156] {strides = array<i32>} : memref<32x8x256xf32, #tpu.memory_space<vmem>>, vector<16xf32>,
      tpu.vector_store %arg7[%parallel_loop3A_154, %parallel_loop3A_155, %parallel_loop3A_156], %parallel_loop3A_146 {strides = array<i32>} : memref<32x8x256xf32, #tpu.memory_space<vmem>>, vector<16xf32>,
      %parallel_loop3A_158 = arith.constant 4840 : i32
      %parallel_loop3A_159 = tpu.memref_slice %arg5[%parallel_loop3A_158] : memref<30976xf32, #tpu.memory_space<vmem>> -> memref<961xf32, #tpu.memory_space<vmem>>
      %parallel_loop3A_160 = tpu.vector_load_idx %parallel_loop3A_159[%parallel_loop3A_87] : memref<961xf32, #tpu.memory_space<vmem>>[vector<16xi32>], vector<16xf32>,
      %parallel_loop3A_161 = arith.constant 4 : i32
      %parallel_loop3A_162 = arith.shrsi %parallel_loop3A_78, %parallel_loop3A_161 : i32
      %parallel_loop3A_163 = arith.constant 15 : i32
      %parallel_loop3A_164 = arith.andi %parallel_loop3A_78, %parallel_loop3A_163 : i32
      %parallel_loop3A_165 = arith.constant 16 : i32
      %parallel_loop3A_166 = arith.muli %parallel_loop3A_164, %parallel_loop3A_165 : i32
      %parallel_loop3A_167 = arith.constant 5 : i32
      %parallel_loop3A_168 = arith.index_cast %parallel_loop3A_167 : i32 to index
      %parallel_loop3A_169 = arith.index_cast %parallel_loop3A_162 : i32 to index
      %parallel_loop3A_170 = arith.index_cast %parallel_loop3A_166 : i32 to index
      %parallel_loop3A_171 = tpu.vector_load %arg7[%parallel_loop3A_168, %parallel_loop3A_169, %parallel_loop3A_170] {strides = array<i32>} : memref<32x8x256xf32, #tpu.memory_space<vmem>>, vector<16xf32>,
      tpu.vector_store %arg7[%parallel_loop3A_168, %parallel_loop3A_169, %parallel_loop3A_170], %parallel_loop3A_160 {strides = array<i32>} : memref<32x8x256xf32, #tpu.memory_space<vmem>>, vector<16xf32>,
      %parallel_loop3A_172 = arith.constant 5808 : i32
      %parallel_loop3A_173 = tpu.memref_slice %arg5[%parallel_loop3A_172] : memref<30976xf32, #tpu.memory_space<vmem>> -> memref<961xf32, #tpu.memory_space<vmem>>
      %parallel_loop3A_174 = tpu.vector_load_idx %parallel_loop3A_173[%parallel_loop3A_87] : memref<961xf32, #tpu.memory_space<vmem>>[vector<16xi32>], vector<16xf32>,
      %parallel_loop3A_175 = arith.constant 4 : i32
      %parallel_loop3A_176 = arith.shrsi %parallel_loop3A_78, %parallel_loop3A_175 : i32
      %parallel_loop3A_177 = arith.constant 15 : i32
      %parallel_loop3A_178 = arith.andi %parallel_loop3A_78, %parallel_loop3A_177 : i32
      %parallel_loop3A_179 = arith.constant 16 : i32
      %parallel_loop3A_180 = arith.muli %parallel_loop3A_178, %parallel_loop3A_179 : i32
      %parallel_loop3A_181 = arith.constant 6 : i32
      %parallel_loop3A_182 = arith.index_cast %parallel_loop3A_181 : i32 to index
      %parallel_loop3A_183 = arith.index_cast %parallel_loop3A_176 : i32 to index
      %parallel_loop3A_184 = arith.index_cast %parallel_loop3A_180 : i32 to index
      %parallel_loop3A_185 = tpu.vector_load %arg7[%parallel_loop3A_182, %parallel_loop3A_183, %parallel_loop3A_184] {strides = array<i32>} : memref<32x8x256xf32, #tpu.memory_space<vmem>>, vector<16xf32>,
      tpu.vector_store %arg7[%parallel_loop3A_182, %parallel_loop3A_183, %parallel_loop3A_184], %parallel_loop3A_174 {strides = array<i32>} : memref<32x8x256xf32, #tpu.memory_space<vmem>>, vector<16xf32>,
      %parallel_loop3A_186 = arith.constant 6776 : i32
      %parallel_loop3A_187 = tpu.memref_slice %arg5[%parallel_loop3A_186] : memref<30976xf32, #tpu.memory_space<vmem>> -> memref<961xf32, #tpu.memory_space<vmem>>
      %parallel_loop3A_188 = tpu.vector_load_idx %parallel_loop3A_187[%parallel_loop3A_87] : memref<961xf32, #tpu.memory_space<vmem>>[vector<16xi32>], vector<16xf32>,
      %parallel_loop3A_189 = arith.constant 4 : i32
      %parallel_loop3A_190 = arith.shrsi %parallel_loop3A_78, %parallel_loop3A_189 : i32
      %parallel_loop3A_191 = arith.constant 15 : i32
      %parallel_loop3A_192 = arith.andi %parallel_loop3A_78, %parallel_loop3A_191 : i32
      %parallel_loop3A_193 = arith.constant 16 : i32
      %parallel_loop3A_194 = arith.muli %parallel_loop3A_192, %parallel_loop3A_193 : i32
      %parallel_loop3A_195 = arith.constant 7 : i32
      %parallel_loop3A_196 = arith.index_cast %parallel_loop3A_195 : i32 to index
      %parallel_loop3A_197 = arith.index_cast %parallel_loop3A_190 : i32 to index
      %parallel_loop3A_198 = arith.index_cast %parallel_loop3A_194 : i32 to index
      %parallel_loop3A_199 = tpu.vector_load %arg7[%parallel_loop3A_196, %parallel_loop3A_197, %parallel_loop3A_198] {strides = array<i32>} : memref<32x8x256xf32, #tpu.memory_space<vmem>>, vector<16xf32>,
      tpu.vector_store %arg7[%parallel_loop3A_196, %parallel_loop3A_197, %parallel_loop3A_198], %parallel_loop3A_188 {strides = array<i32>} : memref<32x8x256xf32, #tpu.memory_space<vmem>>, vector<16xf32>,
      %parallel_loop3A_200 = arith.constant 7744 : i32
      %parallel_loop3A_201 = tpu.memref_slice %arg5[%parallel_loop3A_200] : memref<30976xf32, #tpu.memory_space<vmem>> -> memref<961xf32, #tpu.memory_space<vmem>>
      %parallel_loop3A_202 = tpu.vector_load_idx %parallel_loop3A_201[%parallel_loop3A_87] : memref<961xf32, #tpu.memory_space<vmem>>[vector<16xi32>], vector<16xf32>,
      %parallel_loop3A_203 = arith.constant 4 : i32
      %parallel_loop3A_204 = arith.shrsi %parallel_loop3A_78, %parallel_loop3A_203 : i32
      %parallel_loop3A_205 = arith.constant 15 : i32
      %parallel_loop3A_206 = arith.andi %parallel_loop3A_78, %parallel_loop3A_205 : i32
      %parallel_loop3A_207 = arith.constant 16 : i32
      %parallel_loop3A_208 = arith.muli %parallel_loop3A_206, %parallel_loop3A_207 : i32
      %parallel_loop3A_209 = arith.constant 8 : i32
      %parallel_loop3A_210 = arith.index_cast %parallel_loop3A_209 : i32 to index
      %parallel_loop3A_211 = arith.index_cast %parallel_loop3A_204 : i32 to index
      %parallel_loop3A_212 = arith.index_cast %parallel_loop3A_208 : i32 to index
      %parallel_loop3A_213 = tpu.vector_load %arg7[%parallel_loop3A_210, %parallel_loop3A_211, %parallel_loop3A_212] {strides = array<i32>} : memref<32x8x256xf32, #tpu.memory_space<vmem>>, vector<16xf32>,
      tpu.vector_store %arg7[%parallel_loop3A_210, %parallel_loop3A_211, %parallel_loop3A_212], %parallel_loop3A_202 {strides = array<i32>} : memref<32x8x256xf32, #tpu.memory_space<vmem>>, vector<16xf32>,
      %parallel_loop3A_214 = arith.constant 8712 : i32
      %parallel_loop3A_215 = tpu.memref_slice %arg5[%parallel_loop3A_214] : memref<30976xf32, #tpu.memory_space<vmem>> -> memref<961xf32, #tpu.memory_space<vmem>>
      %parallel_loop3A_216 = tpu.vector_load_idx %parallel_loop3A_215[%parallel_loop3A_87] : memref<961xf32, #tpu.memory_space<vmem>>[vector<16xi32>], vector<16xf32>,
      %parallel_loop3A_217 = arith.constant 4 : i32
      %parallel_loop3A_218 = arith.shrsi %parallel_loop3A_78, %parallel_loop3A_217 : i32
      %parallel_loop3A_219 = arith.constant 15 : i32
      %parallel_loop3A_220 = arith.andi %parallel_loop3A_78, %parallel_loop3A_219 : i32
      %parallel_loop3A_221 = arith.constant 16 : i32
      %parallel_loop3A_222 = arith.muli %parallel_loop3A_220, %parallel_loop3A_221 : i32
      %parallel_loop3A_223 = arith.constant 9 : i32
      %parallel_loop3A_224 = arith.index_cast %parallel_loop3A_223 : i32 to index
      %parallel_loop3A_225 = arith.index_cast %parallel_loop3A_218 : i32 to index
      %parallel_loop3A_226 = arith.index_cast %parallel_loop3A_222 : i32 to index
      %parallel_loop3A_227 = tpu.vector_load %arg7[%parallel_loop3A_224, %parallel_loop3A_225, %parallel_loop3A_226] {strides = array<i32>} : memref<32x8x256xf32, #tpu.memory_space<vmem>>, vector<16xf32>,
      tpu.vector_store %arg7[%parallel_loop3A_224, %parallel_loop3A_225, %parallel_loop3A_226], %parallel_loop3A_216 {strides = array<i32>} : memref<32x8x256xf32, #tpu.memory_space<vmem>>, vector<16xf32>,
      %parallel_loop3A_228 = arith.constant 9680 : i32
      %parallel_loop3A_229 = tpu.memref_slice %arg5[%parallel_loop3A_228] : memref<30976xf32, #tpu.memory_space<vmem>> -> memref<961xf32, #tpu.memory_space<vmem>>
      %parallel_loop3A_230 = tpu.vector_load_idx %parallel_loop3A_229[%parallel_loop3A_87] : memref<961xf32, #tpu.memory_space<vmem>>[vector<16xi32>], vector<16xf32>,
      %parallel_loop3A_231 = arith.constant 4 : i32
      %parallel_loop3A_232 = arith.shrsi %parallel_loop3A_78, %parallel_loop3A_231 : i32
      %parallel_loop3A_233 = arith.constant 15 : i32
      %parallel_loop3A_234 = arith.andi %parallel_loop3A_78, %parallel_loop3A_233 : i32
      %parallel_loop3A_235 = arith.constant 16 : i32
      %parallel_loop3A_236 = arith.muli %parallel_loop3A_234, %parallel_loop3A_235 : i32
      %parallel_loop3A_237 = arith.constant 10 : i32
      %parallel_loop3A_238 = arith.index_cast %parallel_loop3A_237 : i32 to index
      %parallel_loop3A_239 = arith.index_cast %parallel_loop3A_232 : i32 to index
      %parallel_loop3A_240 = arith.index_cast %parallel_loop3A_236 : i32 to index
      %parallel_loop3A_241 = tpu.vector_load %arg7[%parallel_loop3A_238, %parallel_loop3A_239, %parallel_loop3A_240] {strides = array<i32>} : memref<32x8x256xf32, #tpu.memory_space<vmem>>, vector<16xf32>,
      tpu.vector_store %arg7[%parallel_loop3A_238, %parallel_loop3A_239, %parallel_loop3A_240], %parallel_loop3A_230 {strides = array<i32>} : memref<32x8x256xf32, #tpu.memory_space<vmem>>, vector<16xf32>,
      %parallel_loop3A_242 = arith.constant 10648 : i32
      %parallel_loop3A_243 = tpu.memref_slice %arg5[%parallel_loop3A_242] : memref<30976xf32, #tpu.memory_space<vmem>> -> memref<961xf32, #tpu.memory_space<vmem>>
      %parallel_loop3A_244 = tpu.vector_load_idx %parallel_loop3A_243[%parallel_loop3A_87] : memref<961xf32, #tpu.memory_space<vmem>>[vector<16xi32>], vector<16xf32>,
      %parallel_loop3A_245 = arith.constant 4 : i32
      %parallel_loop3A_246 = arith.shrsi %parallel_loop3A_78, %parallel_loop3A_245 : i32
      %parallel_loop3A_247 = arith.constant 15 : i32
      %parallel_loop3A_248 = arith.andi %parallel_loop3A_78, %parallel_loop3A_247 : i32
      %parallel_loop3A_249 = arith.constant 16 : i32
      %parallel_loop3A_250 = arith.muli %parallel_loop3A_248, %parallel_loop3A_249 : i32
      %parallel_loop3A_251 = arith.constant 11 : i32
      %parallel_loop3A_252 = arith.index_cast %parallel_loop3A_251 : i32 to index
      %parallel_loop3A_253 = arith.index_cast %parallel_loop3A_246 : i32 to index
      %parallel_loop3A_254 = arith.index_cast %parallel_loop3A_250 : i32 to index
      %parallel_loop3A_255 = tpu.vector_load %arg7[%parallel_loop3A_252, %parallel_loop3A_253, %parallel_loop3A_254] {strides = array<i32>} : memref<32x8x256xf32, #tpu.memory_space<vmem>>, vector<16xf32>,
      tpu.vector_store %arg7[%parallel_loop3A_252, %parallel_loop3A_253, %parallel_loop3A_254], %parallel_loop3A_244 {strides = array<i32>} : memref<32x8x256xf32, #tpu.memory_space<vmem>>, vector<16xf32>,
      %parallel_loop3A_256 = arith.constant 11616 : i32
      %parallel_loop3A_257 = tpu.memref_slice %arg5[%parallel_loop3A_256] : memref<30976xf32, #tpu.memory_space<vmem>> -> memref<961xf32, #tpu.memory_space<vmem>>
      %parallel_loop3A_258 = tpu.vector_load_idx %parallel_loop3A_257[%parallel_loop3A_87] : memref<961xf32, #tpu.memory_space<vmem>>[vector<16xi32>], vector<16xf32>,
      %parallel_loop3A_259 = arith.constant 4 : i32
      %parallel_loop3A_260 = arith.shrsi %parallel_loop3A_78, %parallel_loop3A_259 : i32
      %parallel_loop3A_261 = arith.constant 15 : i32
      %parallel_loop3A_262 = arith.andi %parallel_loop3A_78, %parallel_loop3A_261 : i32
      %parallel_loop3A_263 = arith.constant 16 : i32
      %parallel_loop3A_264 = arith.muli %parallel_loop3A_262, %parallel_loop3A_263 : i32
      %parallel_loop3A_265 = arith.constant 12 : i32
      %parallel_loop3A_266 = arith.index_cast %parallel_loop3A_265 : i32 to index
      %parallel_loop3A_267 = arith.index_cast %parallel_loop3A_260 : i32 to index
      %parallel_loop3A_268 = arith.index_cast %parallel_loop3A_264 : i32 to index
      %parallel_loop3A_269 = tpu.vector_load %arg7[%parallel_loop3A_266, %parallel_loop3A_267, %parallel_loop3A_268] {strides = array<i32>} : memref<32x8x256xf32, #tpu.memory_space<vmem>>, vector<16xf32>,
      tpu.vector_store %arg7[%parallel_loop3A_266, %parallel_loop3A_267, %parallel_loop3A_268], %parallel_loop3A_258 {strides = array<i32>} : memref<32x8x256xf32, #tpu.memory_space<vmem>>, vector<16xf32>,
      %parallel_loop3A_270 = arith.constant 12584 : i32
      %parallel_loop3A_271 = tpu.memref_slice %arg5[%parallel_loop3A_270] : memref<30976xf32, #tpu.memory_space<vmem>> -> memref<961xf32, #tpu.memory_space<vmem>>
      %parallel_loop3A_272 = tpu.vector_load_idx %parallel_loop3A_271[%parallel_loop3A_87] : memref<961xf32, #tpu.memory_space<vmem>>[vector<16xi32>], vector<16xf32>,
      %parallel_loop3A_273 = arith.constant 4 : i32
      %parallel_loop3A_274 = arith.shrsi %parallel_loop3A_78, %parallel_loop3A_273 : i32
      %parallel_loop3A_275 = arith.constant 15 : i32
      %parallel_loop3A_276 = arith.andi %parallel_loop3A_78, %parallel_loop3A_275 : i32
      %parallel_loop3A_277 = arith.constant 16 : i32
      %parallel_loop3A_278 = arith.muli %parallel_loop3A_276, %parallel_loop3A_277 : i32
      %parallel_loop3A_279 = arith.constant 13 : i32
      %parallel_loop3A_280 = arith.index_cast %parallel_loop3A_279 : i32 to index
      %parallel_loop3A_281 = arith.index_cast %parallel_loop3A_274 : i32 to index
      %parallel_loop3A_282 = arith.index_cast %parallel_loop3A_278 : i32 to index
      %parallel_loop3A_283 = tpu.vector_load %arg7[%parallel_loop3A_280, %parallel_loop3A_281, %parallel_loop3A_282] {strides = array<i32>} : memref<32x8x256xf32, #tpu.memory_space<vmem>>, vector<16xf32>,
      tpu.vector_store %arg7[%parallel_loop3A_280, %parallel_loop3A_281, %parallel_loop3A_282], %parallel_loop3A_272 {strides = array<i32>} : memref<32x8x256xf32, #tpu.memory_space<vmem>>, vector<16xf32>,
      %parallel_loop3A_284 = arith.constant 13552 : i32
      %parallel_loop3A_285 = tpu.memref_slice %arg5[%parallel_loop3A_284] : memref<30976xf32, #tpu.memory_space<vmem>> -> memref<961xf32, #tpu.memory_space<vmem>>
      %parallel_loop3A_286 = tpu.vector_load_idx %parallel_loop3A_285[%parallel_loop3A_87] : memref<961xf32, #tpu.memory_space<vmem>>[vector<16xi32>], vector<16xf32>,
      %parallel_loop3A_287 = arith.constant 4 : i32
      %parallel_loop3A_288 = arith.shrsi %parallel_loop3A_78, %parallel_loop3A_287 : i32
      %parallel_loop3A_289 = arith.constant 15 : i32
      %parallel_loop3A_290 = arith.andi %parallel_loop3A_78, %parallel_loop3A_289 : i32
      %parallel_loop3A_291 = arith.constant 16 : i32
      %parallel_loop3A_292 = arith.muli %parallel_loop3A_290, %parallel_loop3A_291 : i32
      %parallel_loop3A_293 = arith.constant 14 : i32
      %parallel_loop3A_294 = arith.index_cast %parallel_loop3A_293 : i32 to index
      %parallel_loop3A_295 = arith.index_cast %parallel_loop3A_288 : i32 to index
      %parallel_loop3A_296 = arith.index_cast %parallel_loop3A_292 : i32 to index
      %parallel_loop3A_297 = tpu.vector_load %arg7[%parallel_loop3A_294, %parallel_loop3A_295, %parallel_loop3A_296] {strides = array<i32>} : memref<32x8x256xf32, #tpu.memory_space<vmem>>, vector<16xf32>,
      tpu.vector_store %arg7[%parallel_loop3A_294, %parallel_loop3A_295, %parallel_loop3A_296], %parallel_loop3A_286 {strides = array<i32>} : memref<32x8x256xf32, #tpu.memory_space<vmem>>, vector<16xf32>,
      %parallel_loop3A_298 = arith.constant 14520 : i32
      %parallel_loop3A_299 = tpu.memref_slice %arg5[%parallel_loop3A_298] : memref<30976xf32, #tpu.memory_space<vmem>> -> memref<961xf32, #tpu.memory_space<vmem>>
      %parallel_loop3A_300 = tpu.vector_load_idx %parallel_loop3A_299[%parallel_loop3A_87] : memref<961xf32, #tpu.memory_space<vmem>>[vector<16xi32>], vector<16xf32>,
      %parallel_loop3A_301 = arith.constant 4 : i32
      %parallel_loop3A_302 = arith.shrsi %parallel_loop3A_78, %parallel_loop3A_301 : i32
      %parallel_loop3A_303 = arith.constant 15 : i32
      %parallel_loop3A_304 = arith.andi %parallel_loop3A_78, %parallel_loop3A_303 : i32
      %parallel_loop3A_305 = arith.constant 16 : i32
      %parallel_loop3A_306 = arith.muli %parallel_loop3A_304, %parallel_loop3A_305 : i32
      %parallel_loop3A_307 = arith.constant 15 : i32
      %parallel_loop3A_308 = arith.index_cast %parallel_loop3A_307 : i32 to index
      %parallel_loop3A_309 = arith.index_cast %parallel_loop3A_302 : i32 to index
      %parallel_loop3A_310 = arith.index_cast %parallel_loop3A_306 : i32 to index
      %parallel_loop3A_311 = tpu.vector_load %arg7[%parallel_loop3A_308, %parallel_loop3A_309, %parallel_loop3A_310] {strides = array<i32>} : memref<32x8x256xf32, #tpu.memory_space<vmem>>, vector<16xf32>,
      tpu.vector_store %arg7[%parallel_loop3A_308, %parallel_loop3A_309, %parallel_loop3A_310], %parallel_loop3A_300 {strides = array<i32>} : memref<32x8x256xf32, #tpu.memory_space<vmem>>, vector<16xf32>,
      %parallel_loop3A_312 = arith.constant 15488 : i32
      %parallel_loop3A_313 = tpu.memref_slice %arg5[%parallel_loop3A_312] : memref<30976xf32, #tpu.memory_space<vmem>> -> memref<961xf32, #tpu.memory_space<vmem>>
      %parallel_loop3A_314 = tpu.vector_load_idx %parallel_loop3A_313[%parallel_loop3A_87] : memref<961xf32, #tpu.memory_space<vmem>>[vector<16xi32>], vector<16xf32>,
      %parallel_loop3A_315 = arith.constant 4 : i32
      %parallel_loop3A_316 = arith.shrsi %parallel_loop3A_78, %parallel_loop3A_315 : i32
      %parallel_loop3A_317 = arith.constant 15 : i32
      %parallel_loop3A_318 = arith.andi %parallel_loop3A_78, %parallel_loop3A_317 : i32
      %parallel_loop3A_319 = arith.constant 16 : i32
      %parallel_loop3A_320 = arith.muli %parallel_loop3A_318, %parallel_loop3A_319 : i32
      %parallel_loop3A_321 = arith.constant 16 : i32
      %parallel_loop3A_322 = arith.index_cast %parallel_loop3A_321 : i32 to index
      %parallel_loop3A_323 = arith.index_cast %parallel_loop3A_316 : i32 to index
      %parallel_loop3A_324 = arith.index_cast %parallel_loop3A_320 : i32 to index
      %parallel_loop3A_325 = tpu.vector_load %arg7[%parallel_loop3A_322, %parallel_loop3A_323, %parallel_loop3A_324] {strides = array<i32>} : memref<32x8x256xf32, #tpu.memory_space<vmem>>, vector<16xf32>,
      tpu.vector_store %arg7[%parallel_loop3A_322, %parallel_loop3A_323, %parallel_loop3A_324], %parallel_loop3A_314 {strides = array<i32>} : memref<32x8x256xf32, #tpu.memory_space<vmem>>, vector<16xf32>,
      %parallel_loop3A_326 = arith.constant 16456 : i32
      %parallel_loop3A_327 = tpu.memref_slice %arg5[%parallel_loop3A_326] : memref<30976xf32, #tpu.memory_space<vmem>> -> memref<961xf32, #tpu.memory_space<vmem>>
      %parallel_loop3A_328 = tpu.vector_load_idx %parallel_loop3A_327[%parallel_loop3A_87] : memref<961xf32, #tpu.memory_space<vmem>>[vector<16xi32>], vector<16xf32>,
      %parallel_loop3A_329 = arith.constant 4 : i32
      %parallel_loop3A_330 = arith.shrsi %parallel_loop3A_78, %parallel_loop3A_329 : i32
      %parallel_loop3A_331 = arith.constant 15 : i32
      %parallel_loop3A_332 = arith.andi %parallel_loop3A_78, %parallel_loop3A_331 : i32
      %parallel_loop3A_333 = arith.constant 16 : i32
      %parallel_loop3A_334 = arith.muli %parallel_loop3A_332, %parallel_loop3A_333 : i32
      %parallel_loop3A_335 = arith.constant 17 : i32
      %parallel_loop3A_336 = arith.index_cast %parallel_loop3A_335 : i32 to index
      %parallel_loop3A_337 = arith.index_cast %parallel_loop3A_330 : i32 to index
      %parallel_loop3A_338 = arith.index_cast %parallel_loop3A_334 : i32 to index
      %parallel_loop3A_339 = tpu.vector_load %arg7[%parallel_loop3A_336, %parallel_loop3A_337, %parallel_loop3A_338] {strides = array<i32>} : memref<32x8x256xf32, #tpu.memory_space<vmem>>, vector<16xf32>,
      tpu.vector_store %arg7[%parallel_loop3A_336, %parallel_loop3A_337, %parallel_loop3A_338], %parallel_loop3A_328 {strides = array<i32>} : memref<32x8x256xf32, #tpu.memory_space<vmem>>, vector<16xf32>,
      %parallel_loop3A_340 = arith.constant 17424 : i32
      %parallel_loop3A_341 = tpu.memref_slice %arg5[%parallel_loop3A_340] : memref<30976xf32, #tpu.memory_space<vmem>> -> memref<961xf32, #tpu.memory_space<vmem>>
      %parallel_loop3A_342 = tpu.vector_load_idx %parallel_loop3A_341[%parallel_loop3A_87] : memref<961xf32, #tpu.memory_space<vmem>>[vector<16xi32>], vector<16xf32>,
      %parallel_loop3A_343 = arith.constant 4 : i32
      %parallel_loop3A_344 = arith.shrsi %parallel_loop3A_78, %parallel_loop3A_343 : i32
      %parallel_loop3A_345 = arith.constant 15 : i32
      %parallel_loop3A_346 = arith.andi %parallel_loop3A_78, %parallel_loop3A_345 : i32
      %parallel_loop3A_347 = arith.constant 16 : i32
      %parallel_loop3A_348 = arith.muli %parallel_loop3A_346, %parallel_loop3A_347 : i32
      %parallel_loop3A_349 = arith.constant 18 : i32
      %parallel_loop3A_350 = arith.index_cast %parallel_loop3A_349 : i32 to index
      %parallel_loop3A_351 = arith.index_cast %parallel_loop3A_344 : i32 to index
      %parallel_loop3A_352 = arith.index_cast %parallel_loop3A_348 : i32 to index
      %parallel_loop3A_353 = tpu.vector_load %arg7[%parallel_loop3A_350, %parallel_loop3A_351, %parallel_loop3A_352] {strides = array<i32>} : memref<32x8x256xf32, #tpu.memory_space<vmem>>, vector<16xf32>,
      tpu.vector_store %arg7[%parallel_loop3A_350, %parallel_loop3A_351, %parallel_loop3A_352], %parallel_loop3A_342 {strides = array<i32>} : memref<32x8x256xf32, #tpu.memory_space<vmem>>, vector<16xf32>,
      %parallel_loop3A_354 = arith.constant 18392 : i32
      %parallel_loop3A_355 = tpu.memref_slice %arg5[%parallel_loop3A_354] : memref<30976xf32, #tpu.memory_space<vmem>> -> memref<961xf32, #tpu.memory_space<vmem>>
      %parallel_loop3A_356 = tpu.vector_load_idx %parallel_loop3A_355[%parallel_loop3A_87] : memref<961xf32, #tpu.memory_space<vmem>>[vector<16xi32>], vector<16xf32>,
      %parallel_loop3A_357 = arith.constant 4 : i32
      %parallel_loop3A_358 = arith.shrsi %parallel_loop3A_78, %parallel_loop3A_357 : i32
      %parallel_loop3A_359 = arith.constant 15 : i32
      %parallel_loop3A_360 = arith.andi %parallel_loop3A_78, %parallel_loop3A_359 : i32
      %parallel_loop3A_361 = arith.constant 16 : i32
      %parallel_loop3A_362 = arith.muli %parallel_loop3A_360, %parallel_loop3A_361 : i32
      %parallel_loop3A_363 = arith.constant 19 : i32
      %parallel_loop3A_364 = arith.index_cast %parallel_loop3A_363 : i32 to index
      %parallel_loop3A_365 = arith.index_cast %parallel_loop3A_358 : i32 to index
      %parallel_loop3A_366 = arith.index_cast %parallel_loop3A_362 : i32 to index
      %parallel_loop3A_367 = tpu.vector_load %arg7[%parallel_loop3A_364, %parallel_loop3A_365, %parallel_loop3A_366] {strides = array<i32>} : memref<32x8x256xf32, #tpu.memory_space<vmem>>, vector<16xf32>,
      tpu.vector_store %arg7[%parallel_loop3A_364, %parallel_loop3A_365, %parallel_loop3A_366], %parallel_loop3A_356 {strides = array<i32>} : memref<32x8x256xf32, #tpu.memory_space<vmem>>, vector<16xf32>,
      %parallel_loop3A_368 = arith.constant 19360 : i32
      %parallel_loop3A_369 = tpu.memref_slice %arg5[%parallel_loop3A_368] : memref<30976xf32, #tpu.memory_space<vmem>> -> memref<961xf32, #tpu.memory_space<vmem>>
      %parallel_loop3A_370 = tpu.vector_load_idx %parallel_loop3A_369[%parallel_loop3A_87] : memref<961xf32, #tpu.memory_space<vmem>>[vector<16xi32>], vector<16xf32>,
      %parallel_loop3A_371 = arith.constant 4 : i32
      %parallel_loop3A_372 = arith.shrsi %parallel_loop3A_78, %parallel_loop3A_371 : i32
      %parallel_loop3A_373 = arith.constant 15 : i32
      %parallel_loop3A_374 = arith.andi %parallel_loop3A_78, %parallel_loop3A_373 : i32
      %parallel_loop3A_375 = arith.constant 16 : i32
      %parallel_loop3A_376 = arith.muli %parallel_loop3A_374, %parallel_loop3A_375 : i32
      %parallel_loop3A_377 = arith.constant 20 : i32
      %parallel_loop3A_378 = arith.index_cast %parallel_loop3A_377 : i32 to index
      %parallel_loop3A_379 = arith.index_cast %parallel_loop3A_372 : i32 to index
      %parallel_loop3A_380 = arith.index_cast %parallel_loop3A_376 : i32 to index
      %parallel_loop3A_381 = tpu.vector_load %arg7[%parallel_loop3A_378, %parallel_loop3A_379, %parallel_loop3A_380] {strides = array<i32>} : memref<32x8x256xf32, #tpu.memory_space<vmem>>, vector<16xf32>,
      tpu.vector_store %arg7[%parallel_loop3A_378, %parallel_loop3A_379, %parallel_loop3A_380], %parallel_loop3A_370 {strides = array<i32>} : memref<32x8x256xf32, #tpu.memory_space<vmem>>, vector<16xf32>,
      %parallel_loop3A_382 = arith.constant 20328 : i32
      %parallel_loop3A_383 = tpu.memref_slice %arg5[%parallel_loop3A_382] : memref<30976xf32, #tpu.memory_space<vmem>> -> memref<961xf32, #tpu.memory_space<vmem>>
      %parallel_loop3A_384 = tpu.vector_load_idx %parallel_loop3A_383[%parallel_loop3A_87] : memref<961xf32, #tpu.memory_space<vmem>>[vector<16xi32>], vector<16xf32>,
      %parallel_loop3A_385 = arith.constant 4 : i32
      %parallel_loop3A_386 = arith.shrsi %parallel_loop3A_78, %parallel_loop3A_385 : i32
      %parallel_loop3A_387 = arith.constant 15 : i32
      %parallel_loop3A_388 = arith.andi %parallel_loop3A_78, %parallel_loop3A_387 : i32
      %parallel_loop3A_389 = arith.constant 16 : i32
      %parallel_loop3A_390 = arith.muli %parallel_loop3A_388, %parallel_loop3A_389 : i32
      %parallel_loop3A_391 = arith.constant 21 : i32
      %parallel_loop3A_392 = arith.index_cast %parallel_loop3A_391 : i32 to index
      %parallel_loop3A_393 = arith.index_cast %parallel_loop3A_386 : i32 to index
      %parallel_loop3A_394 = arith.index_cast %parallel_loop3A_390 : i32 to index
      %parallel_loop3A_395 = tpu.vector_load %arg7[%parallel_loop3A_392, %parallel_loop3A_393, %parallel_loop3A_394] {strides = array<i32>} : memref<32x8x256xf32, #tpu.memory_space<vmem>>, vector<16xf32>,
      tpu.vector_store %arg7[%parallel_loop3A_392, %parallel_loop3A_393, %parallel_loop3A_394], %parallel_loop3A_384 {strides = array<i32>} : memref<32x8x256xf32, #tpu.memory_space<vmem>>, vector<16xf32>,
      %parallel_loop3A_396 = arith.constant 21296 : i32
      %parallel_loop3A_397 = tpu.memref_slice %arg5[%parallel_loop3A_396] : memref<30976xf32, #tpu.memory_space<vmem>> -> memref<961xf32, #tpu.memory_space<vmem>>
      %parallel_loop3A_398 = tpu.vector_load_idx %parallel_loop3A_397[%parallel_loop3A_87] : memref<961xf32, #tpu.memory_space<vmem>>[vector<16xi32>], vector<16xf32>,
      %parallel_loop3A_399 = arith.constant 4 : i32
      %parallel_loop3A_400 = arith.shrsi %parallel_loop3A_78, %parallel_loop3A_399 : i32
      %parallel_loop3A_401 = arith.constant 15 : i32
      %parallel_loop3A_402 = arith.andi %parallel_loop3A_78, %parallel_loop3A_401 : i32
      %parallel_loop3A_403 = arith.constant 16 : i32
      %parallel_loop3A_404 = arith.muli %parallel_loop3A_402, %parallel_loop3A_403 : i32
      %parallel_loop3A_405 = arith.constant 22 : i32
      %parallel_loop3A_406 = arith.index_cast %parallel_loop3A_405 : i32 to index
      %parallel_loop3A_407 = arith.index_cast %parallel_loop3A_400 : i32 to index
      %parallel_loop3A_408 = arith.index_cast %parallel_loop3A_404 : i32 to index
      %parallel_loop3A_409 = tpu.vector_load %arg7[%parallel_loop3A_406, %parallel_loop3A_407, %parallel_loop3A_408] {strides = array<i32>} : memref<32x8x256xf32, #tpu.memory_space<vmem>>, vector<16xf32>,
      tpu.vector_store %arg7[%parallel_loop3A_406, %parallel_loop3A_407, %parallel_loop3A_408], %parallel_loop3A_398 {strides = array<i32>} : memref<32x8x256xf32, #tpu.memory_space<vmem>>, vector<16xf32>,
      %parallel_loop3A_410 = arith.constant 22264 : i32
      %parallel_loop3A_411 = tpu.memref_slice %arg5[%parallel_loop3A_410] : memref<30976xf32, #tpu.memory_space<vmem>> -> memref<961xf32, #tpu.memory_space<vmem>>
      %parallel_loop3A_412 = tpu.vector_load_idx %parallel_loop3A_411[%parallel_loop3A_87] : memref<961xf32, #tpu.memory_space<vmem>>[vector<16xi32>], vector<16xf32>,
      %parallel_loop3A_413 = arith.constant 4 : i32
      %parallel_loop3A_414 = arith.shrsi %parallel_loop3A_78, %parallel_loop3A_413 : i32
      %parallel_loop3A_415 = arith.constant 15 : i32
      %parallel_loop3A_416 = arith.andi %parallel_loop3A_78, %parallel_loop3A_415 : i32
      %parallel_loop3A_417 = arith.constant 16 : i32
      %parallel_loop3A_418 = arith.muli %parallel_loop3A_416, %parallel_loop3A_417 : i32
      %parallel_loop3A_419 = arith.constant 23 : i32
      %parallel_loop3A_420 = arith.index_cast %parallel_loop3A_419 : i32 to index
      %parallel_loop3A_421 = arith.index_cast %parallel_loop3A_414 : i32 to index
      %parallel_loop3A_422 = arith.index_cast %parallel_loop3A_418 : i32 to index
      %parallel_loop3A_423 = tpu.vector_load %arg7[%parallel_loop3A_420, %parallel_loop3A_421, %parallel_loop3A_422] {strides = array<i32>} : memref<32x8x256xf32, #tpu.memory_space<vmem>>, vector<16xf32>,
      tpu.vector_store %arg7[%parallel_loop3A_420, %parallel_loop3A_421, %parallel_loop3A_422], %parallel_loop3A_412 {strides = array<i32>} : memref<32x8x256xf32, #tpu.memory_space<vmem>>, vector<16xf32>,
      %parallel_loop3A_424 = arith.constant 23232 : i32
      %parallel_loop3A_425 = tpu.memref_slice %arg5[%parallel_loop3A_424] : memref<30976xf32, #tpu.memory_space<vmem>> -> memref<961xf32, #tpu.memory_space<vmem>>
      %parallel_loop3A_426 = tpu.vector_load_idx %parallel_loop3A_425[%parallel_loop3A_87] : memref<961xf32, #tpu.memory_space<vmem>>[vector<16xi32>], vector<16xf32>,
      %parallel_loop3A_427 = arith.constant 4 : i32
      %parallel_loop3A_428 = arith.shrsi %parallel_loop3A_78, %parallel_loop3A_427 : i32
      %parallel_loop3A_429 = arith.constant 15 : i32
      %parallel_loop3A_430 = arith.andi %parallel_loop3A_78, %parallel_loop3A_429 : i32
      %parallel_loop3A_431 = arith.constant 16 : i32
      %parallel_loop3A_432 = arith.muli %parallel_loop3A_430, %parallel_loop3A_431 : i32
      %parallel_loop3A_433 = arith.constant 24 : i32
      %parallel_loop3A_434 = arith.index_cast %parallel_loop3A_433 : i32 to index
      %parallel_loop3A_435 = arith.index_cast %parallel_loop3A_428 : i32 to index
      %parallel_loop3A_436 = arith.index_cast %parallel_loop3A_432 : i32 to index
      %parallel_loop3A_437 = tpu.vector_load %arg7[%parallel_loop3A_434, %parallel_loop3A_435, %parallel_loop3A_436] {strides = array<i32>} : memref<32x8x256xf32, #tpu.memory_space<vmem>>, vector<16xf32>,
      tpu.vector_store %arg7[%parallel_loop3A_434, %parallel_loop3A_435, %parallel_loop3A_436], %parallel_loop3A_426 {strides = array<i32>} : memref<32x8x256xf32, #tpu.memory_space<vmem>>, vector<16xf32>,
      %parallel_loop3A_438 = arith.constant 24200 : i32
      %parallel_loop3A_439 = tpu.memref_slice %arg5[%parallel_loop3A_438] : memref<30976xf32, #tpu.memory_space<vmem>> -> memref<961xf32, #tpu.memory_space<vmem>>
      %parallel_loop3A_440 = tpu.vector_load_idx %parallel_loop3A_439[%parallel_loop3A_87] : memref<961xf32, #tpu.memory_space<vmem>>[vector<16xi32>], vector<16xf32>,
      %parallel_loop3A_441 = arith.constant 4 : i32
      %parallel_loop3A_442 = arith.shrsi %parallel_loop3A_78, %parallel_loop3A_441 : i32
      %parallel_loop3A_443 = arith.constant 15 : i32
      %parallel_loop3A_444 = arith.andi %parallel_loop3A_78, %parallel_loop3A_443 : i32
      %parallel_loop3A_445 = arith.constant 16 : i32
      %parallel_loop3A_446 = arith.muli %parallel_loop3A_444, %parallel_loop3A_445 : i32
      %parallel_loop3A_447 = arith.constant 25 : i32
      %parallel_loop3A_448 = arith.index_cast %parallel_loop3A_447 : i32 to index
      %parallel_loop3A_449 = arith.index_cast %parallel_loop3A_442 : i32 to index
      %parallel_loop3A_450 = arith.index_cast %parallel_loop3A_446 : i32 to index
      %parallel_loop3A_451 = tpu.vector_load %arg7[%parallel_loop3A_448, %parallel_loop3A_449, %parallel_loop3A_450] {strides = array<i32>} : memref<32x8x256xf32, #tpu.memory_space<vmem>>, vector<16xf32>,
      tpu.vector_store %arg7[%parallel_loop3A_448, %parallel_loop3A_449, %parallel_loop3A_450], %parallel_loop3A_440 {strides = array<i32>} : memref<32x8x256xf32, #tpu.memory_space<vmem>>, vector<16xf32>,
      %parallel_loop3A_452 = arith.constant 25168 : i32
      %parallel_loop3A_453 = tpu.memref_slice %arg5[%parallel_loop3A_452] : memref<30976xf32, #tpu.memory_space<vmem>> -> memref<961xf32, #tpu.memory_space<vmem>>
      %parallel_loop3A_454 = tpu.vector_load_idx %parallel_loop3A_453[%parallel_loop3A_87] : memref<961xf32, #tpu.memory_space<vmem>>[vector<16xi32>], vector<16xf32>,
      %parallel_loop3A_455 = arith.constant 4 : i32
      %parallel_loop3A_456 = arith.shrsi %parallel_loop3A_78, %parallel_loop3A_455 : i32
      %parallel_loop3A_457 = arith.constant 15 : i32
      %parallel_loop3A_458 = arith.andi %parallel_loop3A_78, %parallel_loop3A_457 : i32
      %parallel_loop3A_459 = arith.constant 16 : i32
      %parallel_loop3A_460 = arith.muli %parallel_loop3A_458, %parallel_loop3A_459 : i32
      %parallel_loop3A_461 = arith.constant 26 : i32
      %parallel_loop3A_462 = arith.index_cast %parallel_loop3A_461 : i32 to index
      %parallel_loop3A_463 = arith.index_cast %parallel_loop3A_456 : i32 to index
      %parallel_loop3A_464 = arith.index_cast %parallel_loop3A_460 : i32 to index
      %parallel_loop3A_465 = tpu.vector_load %arg7[%parallel_loop3A_462, %parallel_loop3A_463, %parallel_loop3A_464] {strides = array<i32>} : memref<32x8x256xf32, #tpu.memory_space<vmem>>, vector<16xf32>,
      tpu.vector_store %arg7[%parallel_loop3A_462, %parallel_loop3A_463, %parallel_loop3A_464], %parallel_loop3A_454 {strides = array<i32>} : memref<32x8x256xf32, #tpu.memory_space<vmem>>, vector<16xf32>,
      %parallel_loop3A_466 = arith.constant 26136 : i32
      %parallel_loop3A_467 = tpu.memref_slice %arg5[%parallel_loop3A_466] : memref<30976xf32, #tpu.memory_space<vmem>> -> memref<961xf32, #tpu.memory_space<vmem>>
      %parallel_loop3A_468 = tpu.vector_load_idx %parallel_loop3A_467[%parallel_loop3A_87] : memref<961xf32, #tpu.memory_space<vmem>>[vector<16xi32>], vector<16xf32>,
      %parallel_loop3A_469 = arith.constant 4 : i32
      %parallel_loop3A_470 = arith.shrsi %parallel_loop3A_78, %parallel_loop3A_469 : i32
      %parallel_loop3A_471 = arith.constant 15 : i32
      %parallel_loop3A_472 = arith.andi %parallel_loop3A_78, %parallel_loop3A_471 : i32
      %parallel_loop3A_473 = arith.constant 16 : i32
      %parallel_loop3A_474 = arith.muli %parallel_loop3A_472, %parallel_loop3A_473 : i32
      %parallel_loop3A_475 = arith.constant 27 : i32
      %parallel_loop3A_476 = arith.index_cast %parallel_loop3A_475 : i32 to index
      %parallel_loop3A_477 = arith.index_cast %parallel_loop3A_470 : i32 to index
      %parallel_loop3A_478 = arith.index_cast %parallel_loop3A_474 : i32 to index
      %parallel_loop3A_479 = tpu.vector_load %arg7[%parallel_loop3A_476, %parallel_loop3A_477, %parallel_loop3A_478] {strides = array<i32>} : memref<32x8x256xf32, #tpu.memory_space<vmem>>, vector<16xf32>,
      tpu.vector_store %arg7[%parallel_loop3A_476, %parallel_loop3A_477, %parallel_loop3A_478], %parallel_loop3A_468 {strides = array<i32>} : memref<32x8x256xf32, #tpu.memory_space<vmem>>, vector<16xf32>,
      %parallel_loop3A_480 = arith.constant 27104 : i32
      %parallel_loop3A_481 = tpu.memref_slice %arg5[%parallel_loop3A_480] : memref<30976xf32, #tpu.memory_space<vmem>> -> memref<961xf32, #tpu.memory_space<vmem>>
      %parallel_loop3A_482 = tpu.vector_load_idx %parallel_loop3A_481[%parallel_loop3A_87] : memref<961xf32, #tpu.memory_space<vmem>>[vector<16xi32>], vector<16xf32>,
      %parallel_loop3A_483 = arith.constant 4 : i32
      %parallel_loop3A_484 = arith.shrsi %parallel_loop3A_78, %parallel_loop3A_483 : i32
      %parallel_loop3A_485 = arith.constant 15 : i32
      %parallel_loop3A_486 = arith.andi %parallel_loop3A_78, %parallel_loop3A_485 : i32
      %parallel_loop3A_487 = arith.constant 16 : i32
      %parallel_loop3A_488 = arith.muli %parallel_loop3A_486, %parallel_loop3A_487 : i32
      %parallel_loop3A_489 = arith.constant 28 : i32
      %parallel_loop3A_490 = arith.index_cast %parallel_loop3A_489 : i32 to index
      %parallel_loop3A_491 = arith.index_cast %parallel_loop3A_484 : i32 to index
      %parallel_loop3A_492 = arith.index_cast %parallel_loop3A_488 : i32 to index
      %parallel_loop3A_493 = tpu.vector_load %arg7[%parallel_loop3A_490, %parallel_loop3A_491, %parallel_loop3A_492] {strides = array<i32>} : memref<32x8x256xf32, #tpu.memory_space<vmem>>, vector<16xf32>,
      tpu.vector_store %arg7[%parallel_loop3A_490, %parallel_loop3A_491, %parallel_loop3A_492], %parallel_loop3A_482 {strides = array<i32>} : memref<32x8x256xf32, #tpu.memory_space<vmem>>, vector<16xf32>,
      %parallel_loop3A_494 = arith.constant 28072 : i32
      %parallel_loop3A_495 = tpu.memref_slice %arg5[%parallel_loop3A_494] : memref<30976xf32, #tpu.memory_space<vmem>> -> memref<961xf32, #tpu.memory_space<vmem>>
      %parallel_loop3A_496 = tpu.vector_load_idx %parallel_loop3A_495[%parallel_loop3A_87] : memref<961xf32, #tpu.memory_space<vmem>>[vector<16xi32>], vector<16xf32>,
      %parallel_loop3A_497 = arith.constant 4 : i32
      %parallel_loop3A_498 = arith.shrsi %parallel_loop3A_78, %parallel_loop3A_497 : i32
      %parallel_loop3A_499 = arith.constant 15 : i32
      %parallel_loop3A_500 = arith.andi %parallel_loop3A_78, %parallel_loop3A_499 : i32
      %parallel_loop3A_501 = arith.constant 16 : i32
      %parallel_loop3A_502 = arith.muli %parallel_loop3A_500, %parallel_loop3A_501 : i32
      %parallel_loop3A_503 = arith.constant 29 : i32
      %parallel_loop3A_504 = arith.index_cast %parallel_loop3A_503 : i32 to index
      %parallel_loop3A_505 = arith.index_cast %parallel_loop3A_498 : i32 to index
      %parallel_loop3A_506 = arith.index_cast %parallel_loop3A_502 : i32 to index
      %parallel_loop3A_507 = tpu.vector_load %arg7[%parallel_loop3A_504, %parallel_loop3A_505, %parallel_loop3A_506] {strides = array<i32>} : memref<32x8x256xf32, #tpu.memory_space<vmem>>, vector<16xf32>,
      tpu.vector_store %arg7[%parallel_loop3A_504, %parallel_loop3A_505, %parallel_loop3A_506], %parallel_loop3A_496 {strides = array<i32>} : memref<32x8x256xf32, #tpu.memory_space<vmem>>, vector<16xf32>,
      %parallel_loop3A_508 = arith.constant 29040 : i32
      %parallel_loop3A_509 = tpu.memref_slice %arg5[%parallel_loop3A_508] : memref<30976xf32, #tpu.memory_space<vmem>> -> memref<961xf32, #tpu.memory_space<vmem>>
      %parallel_loop3A_510 = tpu.vector_load_idx %parallel_loop3A_509[%parallel_loop3A_87] : memref<961xf32, #tpu.memory_space<vmem>>[vector<16xi32>], vector<16xf32>,
      %parallel_loop3A_511 = arith.constant 4 : i32
      %parallel_loop3A_512 = arith.shrsi %parallel_loop3A_78, %parallel_loop3A_511 : i32
      %parallel_loop3A_513 = arith.constant 15 : i32
      %parallel_loop3A_514 = arith.andi %parallel_loop3A_78, %parallel_loop3A_513 : i32
      %parallel_loop3A_515 = arith.constant 16 : i32
      %parallel_loop3A_516 = arith.muli %parallel_loop3A_514, %parallel_loop3A_515 : i32
      %parallel_loop3A_517 = arith.constant 30 : i32
      %parallel_loop3A_518 = arith.index_cast %parallel_loop3A_517 : i32 to index
      %parallel_loop3A_519 = arith.index_cast %parallel_loop3A_512 : i32 to index
      %parallel_loop3A_520 = arith.index_cast %parallel_loop3A_516 : i32 to index
      %parallel_loop3A_521 = tpu.vector_load %arg7[%parallel_loop3A_518, %parallel_loop3A_519, %parallel_loop3A_520] {strides = array<i32>} : memref<32x8x256xf32, #tpu.memory_space<vmem>>, vector<16xf32>,
      tpu.vector_store %arg7[%parallel_loop3A_518, %parallel_loop3A_519, %parallel_loop3A_520], %parallel_loop3A_510 {strides = array<i32>} : memref<32x8x256xf32, #tpu.memory_space<vmem>>, vector<16xf32>,
      %parallel_loop3A_522 = arith.constant 30008 : i32
      %parallel_loop3A_523 = tpu.memref_slice %arg5[%parallel_loop3A_522] : memref<30976xf32, #tpu.memory_space<vmem>> -> memref<961xf32, #tpu.memory_space<vmem>>
      %parallel_loop3A_524 = tpu.vector_load_idx %parallel_loop3A_523[%parallel_loop3A_87] : memref<961xf32, #tpu.memory_space<vmem>>[vector<16xi32>], vector<16xf32>,
      %parallel_loop3A_525 = arith.constant 4 : i32
      %parallel_loop3A_526 = arith.shrsi %parallel_loop3A_78, %parallel_loop3A_525 : i32
      %parallel_loop3A_527 = arith.constant 15 : i32
      %parallel_loop3A_528 = arith.andi %parallel_loop3A_78, %parallel_loop3A_527 : i32
      %parallel_loop3A_529 = arith.constant 16 : i32
      %parallel_loop3A_530 = arith.muli %parallel_loop3A_528, %parallel_loop3A_529 : i32
      %parallel_loop3A_531 = arith.constant 31 : i32
      %parallel_loop3A_532 = arith.index_cast %parallel_loop3A_531 : i32 to index
      %parallel_loop3A_533 = arith.index_cast %parallel_loop3A_526 : i32 to index
      %parallel_loop3A_534 = arith.index_cast %parallel_loop3A_530 : i32 to index
      %parallel_loop3A_535 = tpu.vector_load %arg7[%parallel_loop3A_532, %parallel_loop3A_533, %parallel_loop3A_534] {strides = array<i32>} : memref<32x8x256xf32, #tpu.memory_space<vmem>>, vector<16xf32>,
      tpu.vector_store %arg7[%parallel_loop3A_532, %parallel_loop3A_533, %parallel_loop3A_534], %parallel_loop3A_524 {strides = array<i32>} : memref<32x8x256xf32, #tpu.memory_space<vmem>>, vector<16xf32>,
    } {sc.loop_unroll_factor = 1 : i64, sc.parallel_access}
    %mul3A_32 = arith.constant 8 : i32
    %mul3A_33 = arith.muli %add3A, %mul3A_32 : i32
    %add3A_34 = arith.constant 4 : i32
    %add3A_35 = arith.addi %mul3A_33, %add3A_34 : i32
    %dma_start3A_36 = arith.constant 0 : i32
    %dma_start3A_37 = arith.constant 4 : i32
    %dma_start3A_38 = arith.constant 0 : i32
    %dma_start3A_39 = tpu.memref_slice %arg7[%dma_start3A_36, %dma_start3A_37, %dma_start3A_38] : memref<32x8x256xf32, #tpu.memory_space<vmem>> -> memref<32x4x256xf32, #tpu.memory_space<vmem>>
    %dma_start3A_40 = arith.constant 0 : i32
    %dma_start3A_41 = arith.constant 0 : i32
    %dma_start3A_42 = tpu.memref_slice %arg4[%dma_start3A_40, %add3A_35, %dma_start3A_41] : memref<32x256x256xf32, #tpu.memory_space<hbm>> -> memref<32x4x256xf32, #tpu.memory_space<hbm>>
    %dma_start3A_43 = arith.constant 0 : i32
    %dma_start3A_44 = arith.constant 0 : i32
    %dma_start3A_45 = tpu.memref_slice %arg4[%dma_start3A_43, %add3A_35, %dma_start3A_44] : memref<32x256x256xf32, #tpu.memory_space<hbm>> -> memref<32x4x256xf32, #tpu.memory_space<hbm>>
    %dma_start3A_46 = arith.constant 0 : i32
    %dma_start3A_47 = arith.constant 4 : i32
    %dma_start3A_48 = arith.constant 0 : i32
    %dma_start3A_49 = tpu.memref_slice %arg7[%dma_start3A_46, %dma_start3A_47, %dma_start3A_48] : memref<32x8x256xf32, #tpu.memory_space<vmem>> -> memref<32x4x256xf32, #tpu.memory_space<vmem>>
    tpu.enqueue_dma source(%dma_start3A_49 : memref<32x4x256xf32, #tpu.memory_space<vmem>>) target(%dma_start3A_45 : memref<32x4x256xf32, #tpu.memory_space<hbm>>) target_semaphore(%arg10 : memref<!tpu.dma_semaphore, #tpu.memory_space<semaphore_mem>>)
    %dma_wait3A_50 = arith.constant 0 : i32
    %dma_wait3A_51 = arith.constant 0 : i32
    %dma_wait3A_52 = arith.constant 0 : i32
    %dma_wait3A_53 = tpu.memref_slice %arg7[%dma_wait3A_50, %dma_wait3A_51, %dma_wait3A_52] : memref<32x8x256xf32, #tpu.memory_space<vmem>> -> memref<32x4x256xf32, #tpu.memory_space<vmem>>
    %dma_wait3A_54 = arith.constant 0 : i32
    %dma_wait3A_55 = arith.constant 0 : i32
    %dma_wait3A_56 = tpu.memref_slice %arg4[%dma_wait3A_54, %add3A_14, %dma_wait3A_55] : memref<32x256x256xf32, #tpu.memory_space<hbm>> -> memref<32x4x256xf32, #tpu.memory_space<hbm>>
    %dma_wait3A_57 = arith.constant 0 : i32
    %dma_wait3A_58 = arith.constant 0 : i32
    %dma_wait3A_59 = tpu.memref_slice %arg4[%dma_wait3A_57, %add3A_14, %dma_wait3A_58] : memref<32x256x256xf32, #tpu.memory_space<hbm>> -> memref<32x4x256xf32, #tpu.memory_space<hbm>>
    %dma_wait3A_60 = arith.constant 0 : i32
    %dma_wait3A_61 = arith.constant 0 : i32
    %dma_wait3A_62 = arith.constant 0 : i32
    %dma_wait3A_63 = tpu.memref_slice %arg7[%dma_wait3A_60, %dma_wait3A_61, %dma_wait3A_62] : memref<32x8x256xf32, #tpu.memory_space<vmem>> -> memref<32x4x256xf32, #tpu.memory_space<vmem>>
    tpu.wait_dma2 semaphore(%arg10 : memref<!tpu.dma_semaphore, #tpu.memory_space<semaphore_mem>>) src(%dma_wait3A_63 : memref<32x4x256xf32, #tpu.memory_space<vmem>>) dst(%dma_wait3A_59 : memref<32x4x256xf32, #tpu.memory_space<hbm>>)
    %dma_wait3A_64 = arith.constant 0 : i32
    %dma_wait3A_65 = arith.constant 4 : i32
    %dma_wait3A_66 = arith.constant 0 : i32
    %dma_wait3A_67 = tpu.memref_slice %arg7[%dma_wait3A_64, %dma_wait3A_65, %dma_wait3A_66] : memref<32x8x256xf32, #tpu.memory_space<vmem>> -> memref<32x4x256xf32, #tpu.memory_space<vmem>>
    %dma_wait3A_68 = arith.constant 0 : i32
    %dma_wait3A_69 = arith.constant 0 : i32
    %dma_wait3A_70 = tpu.memref_slice %arg4[%dma_wait3A_68, %add3A_35, %dma_wait3A_69] : memref<32x256x256xf32, #tpu.memory_space<hbm>> -> memref<32x4x256xf32, #tpu.memory_space<hbm>>
    %dma_wait3A_71 = arith.constant 0 : i32
    %dma_wait3A_72 = arith.constant 0 : i32
    %dma_wait3A_73 = tpu.memref_slice %arg4[%dma_wait3A_71, %add3A_35, %dma_wait3A_72] : memref<32x256x256xf32, #tpu.memory_space<hbm>> -> memref<32x4x256xf32, #tpu.memory_space<hbm>>
    %dma_wait3A_74 = arith.constant 0 : i32
    %dma_wait3A_75 = arith.constant 4 : i32
    %dma_wait3A_76 = arith.constant 0 : i32
    %dma_wait3A_77 = tpu.memref_slice %arg7[%dma_wait3A_74, %dma_wait3A_75, %dma_wait3A_76] : memref<32x8x256xf32, #tpu.memory_space<vmem>> -> memref<32x4x256xf32, #tpu.memory_space<vmem>>
    tpu.wait_dma2 semaphore(%arg10 : memref<!tpu.dma_semaphore, #tpu.memory_space<semaphore_mem>>) src(%dma_wait3A_77 : memref<32x4x256xf32, #tpu.memory_space<vmem>>) dst(%dma_wait3A_73 : memref<32x4x256xf32, #tpu.memory_space<hbm>>)
    return
  }
}

</mosaic_0001>

<sc_bundles>
// kernel: relative_position_bias_sc.3.cloned.1.call-start
scs
__scs_entry_jumppad:
0x0: {  	(pc) =	sbr.rel $0x88, $3  }
0x1: {  	(tag) =	ssettag $0x0;
	lr =	simm.s32 $0x1  }
0x2: {  	[smem:$0x3F9F] =	sst lr;
	_ =	strace $0xD0000000  }
0x3: {  	_ = 	snop  }
0x4: {  	_ = 	snop  }
0x5: {  	_ = 	snop  }
0x6: {  	_ = 	snop  }
0x7: {  	_ = 	snop  }
__scs_overlays_trampoline_lowered:
0x8: {  	[smem:$0x3FAE] =	sst s0  }
0x9: {  	[smem:$0x3FAF] =	sst s1  }
0xa: {  	[smem:$0x3FB0] =	sst s2  }
0xb: {  	[smem:$0x3FB1] =	sst s3  }
0xc: {  	[smem:$0x3FB2] =	sst s4  }
0xd: {  	[smem:$0x3FB3] =	sst s5  }
0xe: {  	[smem:$0x3FB4] =	sst s6  }
0xf: {  	[smem:$0x3FB5] =	sst s7  }
0x10: {  	[smem:$0x3FB6] =	sst s8  }
0x11: {  	[smem:$0x3FB7] =	sst s9;
	s0 =	simm.s32 @!p0 $0x0  }
0x12: {  	s1 =	sld [smem:$0x3F9D];
	s0 =	simm.s32 @p0 $0x1  }
0x13: {  	[smem:$0x3FB8] =	sst s0;
	s0 =	simm.s32 @!p1 $0x0  }
0x14: {  	s2 =	sld [smem:$0x3F9C];
	s0 =	simm.s32 @p1 $0x1  }
0x15: {  	[smem:$0x3FB9] =	sst s0;
	s0 =	simm.s32 @!p2 $0x0  }
0x16: {  	s3 =	sld [smem:$0x3FDB];
	s0 =	simm.s32 @p2 $0x1  }
0x17: {  	s4 =	simm.s32 $0x1BF5;
	[smem:$0x3FBB] =	sst s0  }
0x18: {  	s0 =	sld [smem:$0x3F9E];
	_ =	swait.ge [sflag:s4], $0x0  }
0x19: {  	s7 =	sld [smem:$0x3F9F]  }
0x1a: {  	s8 =	sadd.s32 $0xFFFFE003, lr  }
0x1b: {  	s9 =	sadd.s32 $0xFFFFFEF7, lr;
	s5 =	simm.s32 $0xFFFFFFFF;
	p2 =	slt.u32 s8, $0xFFFFF086  }
0x1c: {  	p1 =	slt.u32 s9, $0xF7A;
	s5 =	simm.s32 @!p2 $0x0  }
0x1d: {  	s5 =	simm.s32 @p1 $0x1;
	p0 =	seq.s32 s7, s2  }
0x1e: {  	s7 =	smul.u32 @!p0 $0xF7A, s2;
	p2 =	seq.s32 @!p0 s5, $0x0  }
0x1f: {  	s9 =	smul.u32 $0xF7A, s1;
	s8 =	simm.s32 @!p0 $0x1BF5;
	p2 =	por !p2, p0  }
0x20: {  	[sflag:s8] =	ssyncset.s32 @!p0 $0xFFFFF086;
	s6 =	sadd.s32 @!p0 s3, s7;
	s7 =	simm.s32 @!p0 $0x108  }
0x21: {  	s3 =	sadd.s32 s3, s9;
	s6 =	sadd.s32 @!p0 $0x88, s6;
	s7 =	simm.s32 @p2 $0x1082  }
0x22: {  	[simem:s7], [sflag:s8] =	dma.local @!p0 [hbm:s6], $0xF7A  }
0x23: {  	s9 =	sor.u32 $0xD0000000, s2;
	s6 =	simm.s32 $0x108;
	_ =	swait.ge @!p0 [sflag:s8], $0x0  }
0x24: {  	s3 =	sadd.s32 $0x88, s3;
	s6 =	simm.s32 @!p1 $0x1082;
	[sflag:s4] =	ssyncset.s32 $0xFFFFF086  }
0x25: {  	[simem:s6], [sflag:s4] =	dma.local [hbm:s3], $0xF7A  }
0x26: {  	[smem:$0x3F9F] =	sst s1;
	(tag) =	ssettag s2;
	_ =	strace s9  }
0x27: {  	s1 =	sld [smem:$0x3FAF]  }
0x28: {  	s2 =	sld [smem:$0x3FB0]  }
0x29: {  	s4 =	sld [smem:$0x3FB2]  }
0x2a: {  	p0 =	seq.s32 s5, $0x0;
	s5 =	sld [smem:$0x3FB3]  }
0x2b: {  	s6 =	sld [smem:$0x3FB4]  }
0x2c: {  	s7 =	sld [smem:$0x3FB5]  }
0x2d: {  	s3 =	simm.s32 $0x108;
	s8 =	sld [smem:$0x3FB6]  }
0x2e: {  	s3 =	simm.s32 @!p0 $0x1082;
	s9 =	sld [smem:$0x3FB7]  }
0x2f: {  	lr =	sadd.s32 s0, s3;
	s0 =	sld [smem:$0x3FAE]  }
0x30: {  	s3 =	sld [smem:$0x3FB1]  }
0x31: {  	[smem:$0x3FBA] =	sst s10  }
0x32: {  	s10 =	sld [smem:$0x3FB8];
	_ =	sdelay $0x3  }
0x33: {  	p0 =	seq.s32 s10, $0x1;
	s10 =	sld [smem:$0x3FBA];
	_ =	sdelay $0x3  }
0x34: {  	[smem:$0x3FBA] =	sst s10  }
0x35: {  	s10 =	sld [smem:$0x3FB9];
	_ =	sdelay $0x3  }
0x36: {  	p1 =	seq.s32 s10, $0x1;
	s10 =	sld [smem:$0x3FBA];
	_ =	sdelay $0x3  }
0x37: {  	[smem:$0x3FBA] =	sst s10  }
0x38: {  	s10 =	sld [smem:$0x3FBB]  }
0x39: {  	_ = 	snop;
	(pc) =	sbr.ind lr, $3  }
0x3a: {  	_ = 	snop  }
0x3b: {  	_ = 	snop  }
0x3c: {  	p2 =	seq.s32 s10, $0x1;
	s10 =	sld [smem:$0x3FBA]  }
0x3d: {  	_ =	shalt  }
0x3e: {  	_ =	shalt  }
0x3f: {  	_ =	shalt  }
0x40: {  	_ =	shalt  }
0x41: {  	_ =	shalt  }
0x42: {  	_ =	shalt  }
0x43: {  	_ =	shalt  }
0x44: {  	_ =	shalt  }
0x45: {  	_ =	shalt  }
0x46: {  	_ =	shalt  }
0x47: {  	_ =	shalt  }
0x48: {  	_ =	shalt  }
0x49: {  	_ =	shalt  }
0x4a: {  	_ =	shalt  }
0x4b: {  	_ =	shalt  }
0x4c: {  	_ =	shalt  }
0x4d: {  	_ =	shalt  }
0x4e: {  	_ =	shalt  }
0x4f: {  	_ =	shalt  }
0x50: {  	_ =	shalt  }
0x51: {  	_ =	shalt  }
0x52: {  	_ =	shalt  }
0x53: {  	_ =	shalt  }
0x54: {  	_ =	shalt  }
0x55: {  	_ =	shalt  }
0x56: {  	_ =	shalt  }
0x57: {  	_ =	shalt  }
0x58: {  	_ =	shalt  }
0x59: {  	_ =	shalt  }
0x5a: {  	_ =	shalt  }
0x5b: {  	_ =	shalt  }
0x5c: {  	_ =	shalt  }
0x5d: {  	_ =	shalt  }
0x5e: {  	_ =	shalt  }
0x5f: {  	_ =	shalt  }
0x60: {  	_ =	shalt  }
0x61: {  	_ =	shalt  }
0x62: {  	_ =	shalt  }
0x63: {  	_ =	shalt  }
0x64: {  	_ =	shalt  }
0x65: {  	_ =	shalt  }
0x66: {  	_ =	shalt  }
0x67: {  	_ =	shalt  }
0x68: {  	_ =	shalt  }
0x69: {  	_ =	shalt  }
0x6a: {  	_ =	shalt  }
0x6b: {  	_ =	shalt  }
0x6c: {  	_ =	shalt  }
0x6d: {  	_ =	shalt  }
0x6e: {  	_ =	shalt  }
0x6f: {  	_ =	shalt  }
0x70: {  	_ =	shalt  }
0x71: {  	_ =	shalt  }
0x72: {  	_ =	shalt  }
0x73: {  	_ =	shalt  }
0x74: {  	_ =	shalt  }
0x75: {  	_ =	shalt  }
0x76: {  	_ =	shalt  }
0x77: {  	_ =	shalt  }
0x78: {  	_ =	shalt  }
0x79: {  	_ =	shalt  }
0x7a: {  	_ =	shalt  }
0x7b: {  	_ =	shalt  }
0x7c: {  	_ =	shalt  }
0x7d: {  	_ =	shalt  }
0x7e: {  	_ =	shalt  }
0x7f: {  	_ =	shalt  }
0x80: {  	_ =	shalt  }
0x81: {  	_ =	shalt  }
0x82: {  	_ =	shalt  }
0x83: {  	_ =	shalt  }
0x84: {  	_ =	shalt  }
0x85: {  	_ =	shalt  }
0x86: {  	_ =	shalt  }
0x87: {  	_ =	shalt  }
.Lfunc_end0:
.L_simem_size_0:
called_computation_lowered:
.L_overlay_start_0:
0x88: {  	s2 =	sld [smem:$0x3FD9]  }
0x89: {  	s3 =	sld [smem:$0x3FFE];
	_ =	sdelay $0x1  }
0x8a: {  	s1 =	srdreg.scid  }
0x8b: {  	s0 =	sand.u32 $0x1, s1  }
0x8c: {  	s17 =	sshll.u32 s0, $0xA;
	s2 =	sadd.s32 s3, s2  }
0x8d: {  	s2 =	sadd.s32 s2, s17  }
0x8e: {  	[smem:$0x3FC6] =	sst s2  }
0x8f: {  	_ = 	snop  }
0x90: {  	s2 =	sld [smem:$0x3FC8]  }
0x91: {  	s18 =	sld [smem:$0x3FD0];
	(tm) =	ssettm $0x1  }
0x92: {  	s4 =	sld [smem:$0x3FFB];
	_ =	sdelay $0x3  }
0x93: {  	_ =	strace s4  }
0x94: {  	s4 =	sld [smem:$0x3FFC];
	_ =	sdelay $0x3  }
0x95: {  	_ =	strace s4  }
0x96: {  	s4 =	sld [smem:$0x3FFD];
	_ =	sdelay $0x3  }
0x97: {  	_ =	strace s4  }
0x98: {  	_ =	strace $0x8FFFFFFF  }
0x99: {  	s19 =	sld [smem:$0x3FDB];
	_ =	sdelay $0x1  }
0x9a: {  	s5 =	simm.s32 $_scs_section_size  }
0x9b: {  	s6 =	simm.s32 $_size__tile_overlayer_lowered;
	s7 =	simm.s32 $_tile_overlayer_lowered  }
0x9c: {  	s22 =	simm.s32 $0x1BFF;
	s21 =	sshll.u32 s7, $0x1;
	s4 =	sadd.s32 s5, s19  }
0x9d: {  	s8 =	simm.s32 $0x0;
	s20 =	sshll.u32 s6, $0x1;
	s6 =	sadd.s32 s21, s4  }
0x9e: {  	[timem:s8], [sflag:s22] =	dma.local [hbm:s6], s20  }
0x9f: {  	_ =	swait.ge [sflag:s22], s20  }
0xa0: {  	s5 =	ssub.s32 $0x0, s20;
	[sflag:s22] =	ssyncset.done $0x0  }
0xa1: {  	[sflag:s22] =	ssyncadd.s32 s5;
	_ =	sdelay $0x1  }
0xa2: {  	s23 =	simm.s32 $0x1B8B  }
0xa3: {  	_ =	swait.ge [sflag:s23], $0x1  }
0xa4: {  	[sflag:s23] =	ssyncset.done $0x0  }
0xa5: {  	s25 =	simm.s32 $0x1B8E;
	s24 =	sld [smem:$0x3FFE];
	[sflag:s23] =	ssyncadd.s32 $0xFFFFFFFF  }
0xa6: {  	s26 =	simm.s32 $execute0_lowered;
	[smem:$0x3FD2] =	sst s25  }
0xa7: {  	s6 =	sshll.u32 s26, $0x1;
	_ =	strace $0x80000046;
	[dreg:$0x1] =	wrdreg $0xFFFFFFFF  }
0xa8: {  	s28 =	simm.s32 $_size_execute0_lowered;
	s4 =	sadd.s32 s4, s6;
	[dreg:$0x0] =	wrdreg $0x0  }
0xa9: {  	s6 =	sshll.u32 s28, $0x1;
	[dreg:$0x2] =	wrdreg s4  }
0xaa: {  	[dreg:$0x3] =	wrdreg s6  }
0xab: {  	[dreg:$0x4] =	wrdreg $0xC0  }
0xac: {  	_ =	task [dreg:s8], $0x5FFFF  }
0xad: {  	[dreg:$0x1] =	wrdreg $0xFFFFFFFF  }
0xae: {  	[dreg:$0x0] =	wrdreg $0x60  }
0xaf: {  	[dreg:$0x2] =	wrdreg s24  }
0xb0: {  	[dreg:$0x3] =	wrdreg s2  }
0xb1: {  	[dreg:$0x4] =	wrdreg s18  }
0xb2: {  	[dreg:$0x5] =	wrdreg $0x9  }
0xb3: {  	_ =	task.clear_ibuf [dreg:s8], $0x6FFFF;
	_ =	strace $0x90000046  }
0xb4: {  	s29 =	simm.s32 $0x9;
	_ =	strace $0x80000048  }
0xb5: {  	_ =	swait.ge [sflag:s29], $0x1  }
0xb6: {  	[sflag:s29] =	ssyncadd.s32 $0xFFFFFFFF  }
0xb7: {  	_ =	strace $0x90000048  }
0xb8: {  	_ =	sfence  }
0xb9: {  	s30 =	sld [smem:$0x0];
	_ =	sdelay $0x2  }
0xba: {  	s31 =	sshll.u32 s1, $0xD;
	s1 =	sshrl.u32 s1, $0x2  }
0xbb: {  	s3 =	sand.u32 $0x4000, s31;
	s1 =	sadd.s32 s1, s30  }
0xbc: {  	s0 =	sor.u32 s3, s0;
	s1 =	sshll.u32 s1, $0x11  }
0xbd: {  	s0 =	sor.u32 s1, s0  }
0xbe: {  	s0 =	sadd.s32 $0x8F2B, s0  }
0xbf: {  	[sflag:s0] =	ssyncadd.remote.s32 $0x1  }
0xc0: {  	_ =	sfence.sel $0xFFFF  }
0xc1: {  	[dreg:$0x0] =	wrdreg $0xFFFFFFFF;
	(pc) =	sbr.abs _section_cstart, $3  }
0xc2: {  	[dreg:$0x1] =	wrdreg $0xFFFFFFFF  }
0xc3: {  	_ =	task.clear_ibuf [dreg:s8], $0x2FFFF;
	_ =	strace $0x9FFFFFFF  }
0xc4: {  	(tm) =	ssettm $0x7FFFFFFF  }
0xc5: {  	_ =	shalt  }
tec
execute0_lowered:
.L_overlay_start_1:
0x0: {  	(tag) =	ssettag $0x1  }
0x1: {  	s0 =	rddreg [dreg:$0x0]  }
0x2: {  	s1 =	rddreg [dreg:$0x1]  }
0x3: {  	s3 =	rddreg [dreg:$0x2];
	s2 =	simm.s32 $0x0;
	s4 =	srdreg.scid  }
0x4: {  	s6 =	stileid.u32;
	s23 =	simm.s32 $0x3C8;
	s24 =	simm.s32 $0x790  }
0x5: {  	s25 =	simm.s32 $0xB58;
	s22 =	simm.s32 $0xF20;
	s28 =	simm.s32 $0x16B0  }
0x6: {  	s29 =	simm.s32 $0x1A78;
	s30 =	simm.s32 $0x1E40;
	s31 =	simm.s32 $0x2208  }
0x7: {  	s8 =	simm.s32 $0x2D60;
	s10 =	simm.s32 $0x4048;
	s20 =	simm.s32 $0x4F68  }
0x8: {  	s14 =	simm.s32 $0x0;
	[smem:$0x7FF] =	sst s2;
	s4 =	sand.u32 $0x1, s4  }
0x9: {  	s6 =	sshll.u32 s6, $0x9;
	s0 =	sadd.s32 $0x400, s0;
	s5 =	ssub.s32 $0x2, s4  }
0xa: {  	s4 =	sshll.u32 s4, $0x8;
	_ =	strace $0x80000047;
	[dreg:$0x4] =	wrdreg s0  }
0xb: {  	s7 =	sshrl.u32 s5, $0x1;
	s4 =	sor.u32 s4, s6;
	s6 =	simm.s32 $0x3C80  }
0xc: {  	s26 =	ssub.s32 s5, s7;
	s3 =	sadd.s32 s3, s4;
	s1 =	sadd.s32 s1, s4  }
0xd: {  	s7 =	simm.s32 $0x34F0;
	s5 =	simm.s32 $0x38B8;
	[dreg:$0x6] =	wrdreg s1  }
0xe: {  	[dreg:$0x5] =	wrdreg s3;
	s17 =	sadd.s32 $0x40, s3;
	s0 =	smax.u32 s26, $0x1  }
0xf: {  	s26 =	simm.s32 $0x12E8;
	s1 =	simm.s32 $0x2998;
	[dreg:$0x8] =	wrdreg s0  }
0x10: {  	s3 =	simm.s32 $0x3128;
	s0 =	simm.s32 $0x25D0;
	[dreg:$0x7] =	wrdreg s17  }
.LBB2_1:
0x11: {  	[dreg:$0x9] =	wrdreg s14  }
0x12: {  	s12 =	rddreg [dreg:$0x4]  }
0x13: {  	[tilespmem:s2], [sflag:$0x1] =	stream.linear.gather [hbm4b:s12+s2], $0x7900, $0x38;
	[tilespmem:$0x18100] =	vst v63  }
0x14: {  	s19 =	rddreg [dreg:$0x6];
	s13 =	simm.s32 $0x7900;
	s21 =	simm.s32 $0x2  }
0x15: {  	[tilespmem:s13], [sflag:$0x2] =	stream.linear.gather [hbm4b:s19+s2], $0x800, $0x38;
	[tilespmem:$0x18100] =	vst v63  }
0x16: {  	_ =	swait.ge [sflag:s21], $0x800  }
0x17: {  	[sflag:s21] =	ssyncset.done $0x0  }
0x18: {  	s15 =	simm.s32 $0x1;
	[sflag:s21] =	ssyncadd.s32 $0xFFFFF800  }
0x19: {  	s4 =	sand.u32 $0x400, s2;
	s9 =	sand.u32 $0x180, s2;
	_ =	swait.ge [sflag:s15], $0x7900  }
0x1a: {  	s11 =	sand.u32 $0x70, s2;
	s12 =	sor.u32 s9, s4;
	[sflag:s15] =	ssyncset.done $0x0  }
0x1b: {  	s17 =	sor.u32 s11, s12;
	[sflag:s15] =	ssyncadd.s32 $0xFFFF8700  }
0x1c: {  	v6 =	vld [tilespmem:s17+$0x7900]  }
0x1d: {  	s16 =	simm.s32 $0x8;
	s15 =	simm.s32 $0x80  }
0x1e: {  	s18 =	simm.s32 $0x10;
	s13 =	sand.u32 $0x180, s16;
	s12 =	sand.u32 $0x400, s15  }
0x1f: {  	s14 =	sand.u32 $0x70, s18;
	s12 =	sor.u32 s13, s12  }
0x20: {  	s15 =	sor.u32 s14, s12  }
0x21: {  	v2 =	vld [tilespmem:s15+$0x7900];
	_ =	sdelay $0x2  }
0x22: {  	v0 =	vld.idx.msk [tilespmem:v6+s2+$0x0], $0xffff;
	_ =	sdelay $0x4  }
0x23: {  	v1 =	vld.idx.msk [tilespmem:v2+s2+$0x0], $0xffff;
	[tilespmem:s17+$0x8100] =	vst v0  }
0x24: {  	v0 =	vld.idx.msk [tilespmem:v6+s23+$0x0], $0xffff;
	_ =	sdelay $0x3  }
0x25: {  	[tilespmem:s15+$0x8100] =	vst v1  }
0x26: {  	v1 =	vld.idx.msk [tilespmem:v2+s23+$0x0], $0xffff;
	[tilespmem:s17+$0x8900] =	vst v0  }
0x27: {  	v0 =	vld.idx.msk [tilespmem:v6+s24+$0x0], $0xffff;
	_ =	sdelay $0x3  }
0x28: {  	[tilespmem:s15+$0x8900] =	vst v1  }
0x29: {  	v1 =	vld.idx.msk [tilespmem:v2+s24+$0x0], $0xffff;
	[tilespmem:s17+$0x9100] =	vst v0  }
0x2a: {  	v0 =	vld.idx.msk [tilespmem:v6+s25+$0x0], $0xffff;
	_ =	sdelay $0x3  }
0x2b: {  	[tilespmem:s15+$0x9100] =	vst v1  }
0x2c: {  	v1 =	vld.idx.msk [tilespmem:v2+s25+$0x0], $0xffff;
	[tilespmem:s17+$0x9900] =	vst v0  }
0x2d: {  	v0 =	vld.idx.msk [tilespmem:v6+s22+$0x0], $0xffff;
	_ =	sdelay $0x3  }
0x2e: {  	[tilespmem:s15+$0x9900] =	vst v1  }
0x2f: {  	v1 =	vld.idx.msk [tilespmem:v2+s22+$0x0], $0xffff;
	[tilespmem:s17+$0xA100] =	vst v0  }
0x30: {  	v0 =	vld.idx.msk [tilespmem:v6+s26+$0x0], $0xffff;
	_ =	sdelay $0x3  }
0x31: {  	[tilespmem:s15+$0xA100] =	vst v1  }
0x32: {  	v1 =	vld.idx.msk [tilespmem:v2+s26+$0x0], $0xffff;
	[tilespmem:s17+$0xA900] =	vst v0  }
0x33: {  	v0 =	vld.idx.msk [tilespmem:v6+s28+$0x0], $0xffff;
	_ =	sdelay $0x2  }
0x34: {  	s19 =	simm.s32 $0x100;
	s21 =	simm.s32 $0x10  }
0x35: {  	s4 =	simm.s32 $0x20;
	s13 =	sand.u32 $0x180, s21;
	s12 =	sand.u32 $0x400, s19;
	[tilespmem:s15+$0xA900] =	vst v1  }
0x36: {  	s14 =	sand.u32 $0x70, s4;
	s12 =	sor.u32 s13, s12;
	v1 =	vld.idx.msk [tilespmem:v2+s28+$0x0], $0xffff;
	[tilespmem:s17+$0xB100] =	vst v0  }
0x37: {  	s12 =	sor.u32 s14, s12;
	v3 =	vld.idx.msk [tilespmem:v6+s29+$0x0], $0xffff  }
0x38: {  	v0 =	vld [tilespmem:s12+$0x7900];
	_ =	sdelay $0x2  }
0x39: {  	[tilespmem:s15+$0xB100] =	vst v1  }
0x3a: {  	v1 =	vld.idx.msk [tilespmem:v2+s29+$0x0], $0xffff;
	[tilespmem:s17+$0xB900] =	vst v3  }
0x3b: {  	v3 =	vld.idx.msk [tilespmem:v6+s30+$0x0], $0xffff  }
0x3c: {  	s9 =	simm.s32 $0x180;
	s11 =	simm.s32 $0x18  }
0x3d: {  	s16 =	simm.s32 $0x30;
	s13 =	sand.u32 $0x400, s9;
	s14 =	sand.u32 $0x180, s11  }
0x3e: {  	s16 =	sand.u32 $0x70, s16;
	s13 =	sor.u32 s14, s13;
	v4 =	vld.idx.msk [tilespmem:v0+s2+$0x0], $0xffff  }
0x3f: {  	s13 =	sor.u32 s16, s13;
	[tilespmem:s15+$0xB900] =	vst v1  }
0x40: {  	v1 =	vld [tilespmem:s13+$0x7900];
	[tilespmem:s17+$0xC100] =	vst v3  }
0x41: {  	v3 =	vld.idx.msk [tilespmem:v6+s31+$0x0], $0xffff;
	_ =	sdelay $0x1  }
0x42: {  	[tilespmem:s12+$0x8100] =	vst v4  }
0x43: {  	v4 =	vld.idx.msk [tilespmem:v0+s23+$0x0], $0xffff;
	_ =	sdelay $0x1  }
0x44: {  	[tilespmem:s17+$0xC900] =	vst v3  }
0x45: {  	v3 =	vld.idx.msk [tilespmem:v6+s0+$0x0], $0xffff  }
0x46: {  	v7 =	vld.idx.msk [tilespmem:v1+s2+$0x0], $0xffff  }
0x47: {  	[tilespmem:s12+$0x8900] =	vst v4  }
0x48: {  	v4 =	vld.idx.msk [tilespmem:v0+s24+$0x0], $0xffff;
	_ =	sdelay $0x1  }
0x49: {  	[tilespmem:s17+$0xD100] =	vst v3  }
0x4a: {  	[tilespmem:s13+$0x8100] =	vst v7;
	v3 =	vld.idx.msk [tilespmem:v6+s1+$0x0], $0xffff  }
0x4b: {  	v7 =	vld.idx.msk [tilespmem:v1+s23+$0x0], $0xffff  }
0x4c: {  	[tilespmem:s12+$0x9100] =	vst v4  }
0x4d: {  	v4 =	vld.idx.msk [tilespmem:v0+s25+$0x0], $0xffff  }
0x4e: {  	v5 =	vld.idx.msk [tilespmem:v2+s30+$0x0], $0xffff  }
0x4f: {  	[tilespmem:s17+$0xD900] =	vst v3  }
0x50: {  	[tilespmem:s13+$0x8900] =	vst v7;
	v3 =	vld.idx.msk [tilespmem:v6+s8+$0x0], $0xffff  }
0x51: {  	v7 =	vld.idx.msk [tilespmem:v1+s24+$0x0], $0xffff  }
0x52: {  	[tilespmem:s12+$0x9900] =	vst v4  }
0x53: {  	[tilespmem:s15+$0xC100] =	vst v5;
	v4 =	vld.idx.msk [tilespmem:v0+s22+$0x0], $0xffff  }
0x54: {  	v5 =	vld.idx.msk [tilespmem:v2+s31+$0x0], $0xffff  }
0x55: {  	[tilespmem:s17+$0xE100] =	vst v3  }
0x56: {  	[tilespmem:s13+$0x9100] =	vst v7;
	v3 =	vld.idx.msk [tilespmem:v6+s3+$0x0], $0xffff  }
0x57: {  	v8 =	vld.idx.msk [tilespmem:v1+s25+$0x0], $0xffff  }
0x58: {  	[tilespmem:s12+$0xA100] =	vst v4  }
0x59: {  	[tilespmem:s15+$0xC900] =	vst v5;
	v4 =	vld.idx.msk [tilespmem:v0+s26+$0x0], $0xffff  }
0x5a: {  	v5 =	vld.idx.msk [tilespmem:v2+s0+$0x0], $0xffff  }
0x5b: {  	[tilespmem:s17+$0xE900] =	vst v3  }
0x5c: {  	[tilespmem:s13+$0x9900] =	vst v8;
	v3 =	vld.idx.msk [tilespmem:v6+s7+$0x0], $0xffff  }
0x5d: {  	v8 =	vld.idx.msk [tilespmem:v1+s22+$0x0], $0xffff  }
0x5e: {  	[tilespmem:s12+$0xA900] =	vst v4  }
0x5f: {  	[tilespmem:s15+$0xD100] =	vst v5;
	v4 =	vld.idx.msk [tilespmem:v0+s28+$0x0], $0xffff  }
0x60: {  	v5 =	vld.idx.msk [tilespmem:v2+s1+$0x0], $0xffff  }
0x61: {  	[tilespmem:s17+$0xF100] =	vst v3  }
0x62: {  	[tilespmem:s13+$0xA100] =	vst v8;
	v3 =	vld.idx.msk [tilespmem:v6+s5+$0x0], $0xffff  }
0x63: {  	v8 =	vld.idx.msk [tilespmem:v1+s26+$0x0], $0xffff  }
0x64: {  	[tilespmem:s12+$0xB100] =	vst v4  }
0x65: {  	[tilespmem:s15+$0xD900] =	vst v5;
	v4 =	vld.idx.msk [tilespmem:v0+s29+$0x0], $0xffff  }
0x66: {  	v5 =	vld.idx.msk [tilespmem:v2+s8+$0x0], $0xffff  }
0x67: {  	[tilespmem:s17+$0xF900] =	vst v3  }
0x68: {  	[tilespmem:s13+$0xA900] =	vst v8;
	v3 =	vld.idx.msk [tilespmem:v6+s6+$0x0], $0xffff  }
0x69: {  	s19 =	simm.s32 $0x20;
	s16 =	simm.s32 $0x200;
	v8 =	vld.idx.msk [tilespmem:v1+s28+$0x0], $0xffff  }
0x6a: {  	s18 =	simm.s32 $0x40;
	s14 =	sand.u32 $0x400, s16;
	s16 =	sand.u32 $0x180, s19;
	[tilespmem:s12+$0xB900] =	vst v4  }
0x6b: {  	s18 =	sand.u32 $0x70, s18;
	s14 =	sor.u32 s16, s14;
	[tilespmem:s15+$0xE100] =	vst v5;
	v4 =	vld.idx.msk [tilespmem:v0+s30+$0x0], $0xffff  }
0x6c: {  	s14 =	sor.u32 s18, s14;
	v5 =	vld.idx.msk [tilespmem:v2+s3+$0x0], $0xffff  }
0x6d: {  	[tilespmem:s17+$0x10100] =	vst v3;
	v3 =	vld [tilespmem:s14+$0x7900]  }
0x6e: {  	[tilespmem:s13+$0xB100] =	vst v8;
	v7 =	vld.idx.msk [tilespmem:v6+s10+$0x0], $0xffff  }
0x6f: {  	v8 =	vld.idx.msk [tilespmem:v1+s29+$0x0], $0xffff  }
0x70: {  	[tilespmem:s12+$0xC100] =	vst v4  }
0x71: {  	[tilespmem:s15+$0xE900] =	vst v5;
	v4 =	vld.idx.msk [tilespmem:v0+s31+$0x0], $0xffff  }
0x72: {  	v5 =	vld.idx.msk [tilespmem:v2+s7+$0x0], $0xffff  }
0x73: {  	s4 =	simm.s32 $0x4410;
	[tilespmem:s17+$0x10900] =	vst v7  }
0x74: {  	[tilespmem:s13+$0xB900] =	vst v8;
	v7 =	vld.idx.msk [tilespmem:v6+s4+$0x0], $0xffff  }
0x75: {  	v8 =	vld.idx.msk [tilespmem:v1+s30+$0x0], $0xffff  }
0x76: {  	[tilespmem:s12+$0xC900] =	vst v4;
	v9 =	vld.idx.msk [tilespmem:v3+s2+$0x0], $0xffff  }
0x77: {  	[tilespmem:s15+$0xF100] =	vst v5;
	v4 =	vld.idx.msk [tilespmem:v0+s0+$0x0], $0xffff  }
0x78: {  	v5 =	vld.idx.msk [tilespmem:v2+s5+$0x0], $0xffff  }
0x79: {  	s11 =	simm.s32 $0x47D8;
	[tilespmem:s17+$0x11100] =	vst v7  }
0x7a: {  	[tilespmem:s13+$0xC100] =	vst v8;
	v7 =	vld.idx.msk [tilespmem:v6+s11+$0x0], $0xffff  }
0x7b: {  	v8 =	vld.idx.msk [tilespmem:v1+s31+$0x0], $0xffff;
	[tilespmem:s14+$0x8100] =	vst v9  }
0x7c: {  	[tilespmem:s12+$0xD100] =	vst v4;
	v9 =	vld.idx.msk [tilespmem:v3+s23+$0x0], $0xffff  }
0x7d: {  	[tilespmem:s15+$0xF900] =	vst v5;
	v4 =	vld.idx.msk [tilespmem:v0+s1+$0x0], $0xffff  }
0x7e: {  	s21 =	simm.s32 $0x280;
	s9 =	simm.s32 $0x4BA0;
	v5 =	vld.idx.msk [tilespmem:v2+s6+$0x0], $0xffff;
	s6 =	simm.s32 $0x28  }
0x7f: {  	s19 =	simm.s32 $0x50;
	s16 =	sand.u32 $0x400, s21;
	s18 =	sand.u32 $0x180, s6;
	[tilespmem:s17+$0x11900] =	vst v7  }
0x80: {  	s19 =	sand.u32 $0x70, s19;
	s16 =	sor.u32 s18, s16;
	[tilespmem:s13+$0xC900] =	vst v8;
	v7 =	vld.idx.msk [tilespmem:v6+s9+$0x0], $0xffff  }
0x81: {  	s16 =	sor.u32 s19, s16;
	v8 =	vld.idx.msk [tilespmem:v1+s0+$0x0], $0xffff;
	[tilespmem:s14+$0x8900] =	vst v9  }
0x82: {  	[tilespmem:s12+$0xD900] =	vst v4;
	v4 =	vld [tilespmem:s16+$0x7900]  }
0x83: {  	v9 =	vld.idx.msk [tilespmem:v3+s24+$0x0], $0xffff  }
0x84: {  	v10 =	vld.idx.msk [tilespmem:v0+s8+$0x0], $0xffff  }
0x85: {  	[tilespmem:s17+$0x12100] =	vst v7  }
0x86: {  	[tilespmem:s13+$0xD100] =	vst v8;
	v7 =	vld.idx.msk [tilespmem:v6+s20+$0x0], $0xffff  }
0x87: {  	[tilespmem:s15+$0x10100] =	vst v5;
	v8 =	vld.idx.msk [tilespmem:v1+s1+$0x0], $0xffff  }
0x88: {  	[tilespmem:s14+$0x9100] =	vst v9;
	v9 =	vld.idx.msk [tilespmem:v2+s10+$0x0], $0xffff  }
0x89: {  	s19 =	simm.s32 $0x300;
	s20 =	simm.s32 $0x30;
	[tilespmem:s12+$0xE100] =	vst v10;
	v11 =	vld.idx.msk [tilespmem:v3+s25+$0x0], $0xffff  }
0x8a: {  	s6 =	simm.s32 $0x60;
	s18 =	sand.u32 $0x400, s19;
	s19 =	sand.u32 $0x180, s20;
	v10 =	vld.idx.msk [tilespmem:v0+s3+$0x0], $0xffff  }
0x8b: {  	s10 =	simm.s32 $0x5330;
	s20 =	sand.u32 $0x70, s6;
	s18 =	sor.u32 s19, s18;
	v12 =	vld.idx.msk [tilespmem:v4+s2+$0x0], $0xffff;
	[tilespmem:s17+$0x12900] =	vst v7  }
0x8c: {  	s18 =	sor.u32 s20, s18;
	v7 =	vld.idx.msk [tilespmem:v6+s10+$0x0], $0xffff  }
0x8d: {  	[tilespmem:s13+$0xD900] =	vst v8;
	v5 =	vld [tilespmem:s18+$0x7900]  }
0x8e: {  	v8 =	vld.idx.msk [tilespmem:v1+s8+$0x0], $0xffff;
	[tilespmem:s15+$0x10900] =	vst v9  }
0x8f: {  	[tilespmem:s14+$0x9900] =	vst v11;
	v9 =	vld.idx.msk [tilespmem:v2+s4+$0x0], $0xffff  }
0x90: {  	[tilespmem:s12+$0xE900] =	vst v10;
	v11 =	vld.idx.msk [tilespmem:v3+s22+$0x0], $0xffff  }
0x91: {  	s4 =	simm.s32 $0x56F8;
	v10 =	vld.idx.msk [tilespmem:v0+s7+$0x0], $0xffff;
	[tilespmem:s17+$0x13100] =	vst v7  }
0x92: {  	[tilespmem:s16+$0x8100] =	vst v12;
	v7 =	vld.idx.msk [tilespmem:v6+s4+$0x0], $0xffff  }
0x93: {  	v12 =	vld.idx.msk [tilespmem:v4+s23+$0x0], $0xffff;
	[tilespmem:s13+$0xE100] =	vst v8  }
0x94: {  	v8 =	vld.idx.msk [tilespmem:v1+s3+$0x0], $0xffff;
	[tilespmem:s15+$0x11100] =	vst v9  }
0x95: {  	v9 =	vld.idx.msk [tilespmem:v2+s11+$0x0], $0xffff  }
0x96: {  	[tilespmem:s14+$0xA100] =	vst v11;
	v14 =	vld.idx.msk [tilespmem:v5+s2+$0x0], $0xffff  }
0x97: {  	s6 =	simm.s32 $0x5AC0;
	v11 =	vld.idx.msk [tilespmem:v3+s26+$0x0], $0xffff;
	[tilespmem:s17+$0x13900] =	vst v7  }
0x98: {  	[tilespmem:s12+$0xF100] =	vst v10;
	v7 =	vld.idx.msk [tilespmem:v6+s6+$0x0], $0xffff  }
0x99: {  	v10 =	vld.idx.msk [tilespmem:v0+s5+$0x0], $0xffff;
	[tilespmem:s16+$0x8900] =	vst v12  }
0x9a: {  	v12 =	vld.idx.msk [tilespmem:v4+s24+$0x0], $0xffff;
	[tilespmem:s13+$0xE900] =	vst v8  }
0x9b: {  	v8 =	vld.idx.msk [tilespmem:v1+s7+$0x0], $0xffff;
	[tilespmem:s15+$0x11900] =	vst v9  }
0x9c: {  	[tilespmem:s14+$0xA900] =	vst v11;
	v9 =	vld.idx.msk [tilespmem:v2+s9+$0x0], $0xffff  }
0x9d: {  	s9 =	simm.s32 $0x5E88;
	v11 =	vld.idx.msk [tilespmem:v3+s28+$0x0], $0xffff;
	[tilespmem:s17+$0x14100] =	vst v7  }
0x9e: {  	s20 =	simm.s32 $0x3C80;
	[tilespmem:s12+$0xF900] =	vst v10;
	v7 =	vld.idx.msk [tilespmem:v6+s9+$0x0], $0xffff  }
0x9f: {  	[tilespmem:s18+$0x8100] =	vst v14;
	v10 =	vld.idx.msk [tilespmem:v0+s20+$0x0], $0xffff  }
0xa0: {  	v14 =	vld.idx.msk [tilespmem:v5+s23+$0x0], $0xffff;
	[tilespmem:s16+$0x9100] =	vst v12  }
0xa1: {  	s21 =	simm.s32 $0x4F68;
	v13 =	vld.idx.msk [tilespmem:v4+s25+$0x0], $0xffff;
	[tilespmem:s15+$0x12100] =	vst v9  }
0xa2: {  	[tilespmem:s14+$0xB100] =	vst v11;
	v9 =	vld.idx.msk [tilespmem:v2+s21+$0x0], $0xffff  }
0xa3: {  	s5 =	simm.s32 $0x6250;
	v11 =	vld.idx.msk [tilespmem:v3+s29+$0x0], $0xffff;
	[tilespmem:s17+$0x14900] =	vst v7  }
0xa4: {  	s19 =	simm.s32 $0x4048;
	[tilespmem:s12+$0x10100] =	vst v10;
	v7 =	vld.idx.msk [tilespmem:v6+s5+$0x0], $0xffff  }
0xa5: {  	[tilespmem:s18+$0x8900] =	vst v14;
	v12 =	vld.idx.msk [tilespmem:v0+s19+$0x0], $0xffff  }
0xa6: {  	v14 =	vld.idx.msk [tilespmem:v5+s24+$0x0], $0xffff;
	[tilespmem:s16+$0x9900] =	vst v13  }
0xa7: {  	s20 =	simm.s32 $0x380;
	v13 =	vld.idx.msk [tilespmem:v4+s22+$0x0], $0xffff;
	[tilespmem:s15+$0x12900] =	vst v9  }
0xa8: {  	s21 =	simm.s32 $0x38;
	s19 =	sand.u32 $0x400, s20;
	[tilespmem:s14+$0xB900] =	vst v11;
	v9 =	vld.idx.msk [tilespmem:v2+s10+$0x0], $0xffff;
	s10 =	simm.s32 $0x70  }
0xa9: {  	s20 =	sand.u32 $0x180, s21;
	v11 =	vld.idx.msk [tilespmem:v3+s30+$0x0], $0xffff;
	s21 =	sand.u32 $0x70, s10;
	s10 =	simm.s32 $0x6618;
	[tilespmem:s17+$0x15100] =	vst v7  }
0xaa: {  	s11 =	simm.s32 $0x4410;
	[tilespmem:s12+$0x10900] =	vst v12;
	v7 =	vld.idx.msk [tilespmem:v6+s10+$0x0], $0xffff  }
0xab: {  	[tilespmem:s18+$0x9100] =	vst v14;
	v12 =	vld.idx.msk [tilespmem:v0+s11+$0x0], $0xffff  }
0xac: {  	v21 =	vld.idx.msk [tilespmem:v5+s25+$0x0], $0xffff;
	[tilespmem:s16+$0xA100] =	vst v13  }
0xad: {  	v13 =	vld.idx.msk [tilespmem:v4+s26+$0x0], $0xffff;
	[tilespmem:s15+$0x13100] =	vst v9  }
0xae: {  	[tilespmem:s14+$0xC100] =	vst v11;
	v9 =	vld.idx.msk [tilespmem:v2+s4+$0x0], $0xffff  }
0xaf: {  	s22 =	simm.s32 $0x69E0;
	v11 =	vld.idx.msk [tilespmem:v3+s31+$0x0], $0xffff;
	[tilespmem:s17+$0x15900] =	vst v7  }
0xb0: {  	s19 =	sor.u32 s20, s19;
	[tilespmem:s12+$0x11100] =	vst v12;
	s4 =	simm.s32 $0x47D8;
	v7 =	vld.idx.msk [tilespmem:v6+s22+$0x0], $0xffff  }
0xb1: {  	s19 =	sor.u32 s21, s19;
	v12 =	vld.idx.msk [tilespmem:v0+s4+$0x0], $0xffff  }
0xb2: {  	[tilespmem:s13+$0xF100] =	vst v8;
	v10 =	vld [tilespmem:s19+$0x7900];
	s10 =	simm.s32 $0x38B8  }
0xb3: {  	v8 =	vld.idx.msk [tilespmem:v1+s10+$0x0], $0xffff;
	[tilespmem:s15+$0x13900] =	vst v9  }
0xb4: {  	[tilespmem:s14+$0xC900] =	vst v11;
	v9 =	vld.idx.msk [tilespmem:v2+s6+$0x0], $0xffff  }
0xb5: {  	s7 =	simm.s32 $0x6DA8;
	v11 =	vld.idx.msk [tilespmem:v3+s0+$0x0], $0xffff;
	[tilespmem:s17+$0x16100] =	vst v7  }
0xb6: {  	s11 =	simm.s32 $0x4BA0;
	[tilespmem:s12+$0x11900] =	vst v12;
	v7 =	vld.idx.msk [tilespmem:v6+s7+$0x0], $0xffff  }
0xb7: {  	[tilespmem:s16+$0xA900] =	vst v13;
	v12 =	vld.idx.msk [tilespmem:v0+s11+$0x0], $0xffff  }
0xb8: {  	s21 =	simm.s32 $0x3C80;
	v13 =	vld.idx.msk [tilespmem:v4+s28+$0x0], $0xffff;
	[tilespmem:s13+$0xF900] =	vst v8  }
0xb9: {  	v8 =	vld.idx.msk [tilespmem:v1+s21+$0x0], $0xffff;
	[tilespmem:s15+$0x14100] =	vst v9  }
0xba: {  	[tilespmem:s14+$0xD100] =	vst v11;
	v9 =	vld.idx.msk [tilespmem:v2+s9+$0x0], $0xffff  }
0xbb: {  	s20 =	simm.s32 $0x7170;
	v11 =	vld.idx.msk [tilespmem:v3+s1+$0x0], $0xffff;
	[tilespmem:s17+$0x16900] =	vst v7  }
0xbc: {  	s3 =	simm.s32 $0x2D60;
	s22 =	simm.s32 $0x4F68;
	[tilespmem:s12+$0x12100] =	vst v12;
	v7 =	vld.idx.msk [tilespmem:v6+s20+$0x0], $0xffff  }
0xbd: {  	s2 =	simm.s32 $0x1E40;
	s23 =	simm.s32 $0x7538;
	s24 =	simm.s32 $0x4048;
	[tilespmem:s16+$0xB100] =	vst v13;
	v12 =	vld.idx.msk [tilespmem:v0+s22+$0x0], $0xffff  }
0xbe: {  	s25 =	simm.s32 $0x5330;
	s30 =	simm.s32 $0x3128;
	s26 =	simm.s32 $0x1A78;
	v13 =	vld.idx.msk [tilespmem:v4+s29+$0x0], $0xffff;
	[tilespmem:s13+$0x10100] =	vst v8  }
0xbf: {  	s10 =	simm.s32 $0x4048;
	s31 =	simm.s32 $0x38B8;
	s4 =	simm.s32 $0x5330;
	v15 =	vld.idx.msk [tilespmem:v1+s24+$0x0], $0xffff;
	[tilespmem:s15+$0x14900] =	vst v9  }
0xc0: {  	v14 =	vmov v4;
	s28 =	simm.s32 $0x25D0;
	s6 =	simm.s32 $0x34F0;
	s21 =	simm.s32 $0x80;
	[tilespmem:s14+$0xD900] =	vst v11;
	v17 =	vld.idx.msk [tilespmem:v2+s5+$0x0], $0xffff  }
0xc1: {  	s11 =	simm.s32 $0x4410;
	s0 =	simm.s32 $0x3C80;
	s29 =	simm.s32 $0x2998;
	v20 =	vld.idx.msk [tilespmem:v3+s8+$0x0], $0xffff;
	[tilespmem:s17+$0x17100] =	vst v7  }
0xc2: {  	v18 =	vmov v10;
	s9 =	simm.s32 $0x2208;
	s7 =	simm.s32 $0x16B0;
	s1 =	simm.s32 $0xF20;
	[tilespmem:s12+$0x12900] =	vst v12;
	v7 =	vmov v3;
	v16 =	vld.idx.msk [tilespmem:v6+s23+$0x0], $0xffff  }
0xc3: {  	v8 =	vmovc v5;
	s22 =	simm.s32 $0x40;
	[tilespmem:s16+$0xB900] =	vst v13;
	v9 =	vmovc v4;
	s20 =	simm.s32 $0x400;
	v12 =	vmov v3;
	v11 =	vmov v1;
	s8 =	simm.s32 $0x12E8;
	v13 =	vld.idx.msk [tilespmem:v0+s25+$0x0], $0xffff;
	v6 =	vmov v10  }
.LBB2_2:
0xc4: {  	v19 =	vmovc v3;
	v3 =	vmov v4;
	v4 =	vmov v5;
	v5 =	vmov v10;
	s23 =	sand.u32 $0x400, s20;
	s24 =	sand.u32 $0x180, s22;
	p0 =	sne.s32 s22, $0x1F8  }
0xc5: {  	s25 =	sand.u32 $0x70, s21;
	s5 =	simm.s32 $0x6618;
	v22 =	vld.idx.msk [tilespmem:v14+s2+$0x0], $0xffff;
	[tilespmem:s15+$0x15100] =	vst v17;
	v14 =	vmov v4;
	s23 =	sor.u32 s24, s23  }
0xc6: {  	s24 =	simm.s32 $0x790;
	[tilespmem:s14+$0xE100] =	vst v20;
	v17 =	vld.idx.msk [tilespmem:v2+s5+$0x0], $0xffff;
	s23 =	sor.u32 s25, s23;
	s25 =	simm.s32 $0xB58  }
0xc7: {  	v20 =	vld.idx.msk [tilespmem:v7+s30+$0x0], $0xffff;
	[tilespmem:s17+$0x17900] =	vst v16;
	s17 =	smov.u32 s15;
	s15 =	smov.u32 s12;
	s12 =	smov.u32 s13  }
0xc8: {  	v10 =	vld [tilespmem:s23+$0x7900];
	[tilespmem:s13+$0x10900] =	vst v15;
	s13 =	smov.u32 s14;
	s14 =	smov.u32 s16;
	s16 =	smov.u32 s18  }
0xc9: {  	[tilespmem:s18+$0x9900] =	vst v21;
	v15 =	vld.idx.msk [tilespmem:v1+s11+$0x0], $0xffff;
	s18 =	smov.u32 s19;
	s19 =	smov.u32 s23;
	s23 =	simm.s32 $0x3C8  }
0xca: {  	s5 =	simm.s32 $0x56F8;
	v16 =	vld.idx.msk [tilespmem:v8+s1+$0x0], $0xffff;
	[tilespmem:s15+$0x13100] =	vst v13  }
0xcb: {  	[tilespmem:s14+$0xC100] =	vst v22;
	v13 =	vld.idx.msk [tilespmem:v0+s5+$0x0], $0xffff  }
0xcc: {  	s5 =	simm.s32 $0x69E0;
	v21 =	vld.idx.msk [tilespmem:v9+s9+$0x0], $0xffff;
	[tilespmem:s17+$0x15900] =	vst v17  }
0xcd: {  	[tilespmem:s13+$0xE900] =	vst v20;
	v17 =	vld.idx.msk [tilespmem:v2+s5+$0x0], $0xffff  }
0xce: {  	s5 =	simm.s32 $0x0;
	v20 =	vld.idx.msk [tilespmem:v7+s6+$0x0], $0xffff  }
0xcf: {  	v22 =	vld.idx.msk [tilespmem:v6+s5+$0x0], $0xffff;
	[tilespmem:s12+$0x11100] =	vst v15;
	s5 =	simm.s32 $0x47D8  }
0xd0: {  	[tilespmem:s16+$0xA100] =	vst v16;
	v15 =	vld.idx.msk [tilespmem:v1+s5+$0x0], $0xffff  }
0xd1: {  	s5 =	simm.s32 $0x5AC0;
	v16 =	vld.idx.msk [tilespmem:v8+s8+$0x0], $0xffff;
	[tilespmem:s15+$0x13900] =	vst v13  }
0xd2: {  	[tilespmem:s14+$0xC900] =	vst v21;
	v13 =	vld.idx.msk [tilespmem:v0+s5+$0x0], $0xffff  }
0xd3: {  	s5 =	simm.s32 $0x6DA8;
	v21 =	vld.idx.msk [tilespmem:v9+s28+$0x0], $0xffff;
	[tilespmem:s17+$0x16100] =	vst v17  }
0xd4: {  	[tilespmem:s13+$0xF100] =	vst v20;
	v17 =	vld.idx.msk [tilespmem:v2+s5+$0x0], $0xffff  }
0xd5: {  	[tilespmem:s18+$0x8100] =	vst v22;
	v20 =	vld.idx.msk [tilespmem:v7+s31+$0x0], $0xffff  }
0xd6: {  	s5 =	simm.s32 $0x4BA0;
	v22 =	vld.idx.msk [tilespmem:v6+s23+$0x0], $0xffff;
	[tilespmem:s12+$0x11900] =	vst v15  }
0xd7: {  	[tilespmem:s16+$0xA900] =	vst v16;
	v15 =	vld.idx.msk [tilespmem:v1+s5+$0x0], $0xffff  }
0xd8: {  	s5 =	simm.s32 $0x5E88;
	v16 =	vld.idx.msk [tilespmem:v8+s7+$0x0], $0xffff;
	[tilespmem:s15+$0x14100] =	vst v13  }
0xd9: {  	[tilespmem:s14+$0xD100] =	vst v21;
	v13 =	vld.idx.msk [tilespmem:v0+s5+$0x0], $0xffff  }
0xda: {  	s5 =	simm.s32 $0x7170;
	v21 =	vld.idx.msk [tilespmem:v9+s29+$0x0], $0xffff;
	[tilespmem:s17+$0x16900] =	vst v17  }
0xdb: {  	[tilespmem:s13+$0xF900] =	vst v20;
	v23 =	vld.idx.msk [tilespmem:v2+s5+$0x0], $0xffff  }
0xdc: {  	[tilespmem:s18+$0x8900] =	vst v22;
	v22 =	vld.idx.msk [tilespmem:v7+s0+$0x0], $0xffff  }
0xdd: {  	s5 =	simm.s32 $0x4F68;
	v24 =	vld.idx.msk [tilespmem:v6+s24+$0x0], $0xffff;
	[tilespmem:s12+$0x12100] =	vst v15  }
0xde: {  	[tilespmem:s16+$0xB100] =	vst v16;
	v25 =	vld.idx.msk [tilespmem:v1+s5+$0x0], $0xffff  }
0xdf: {  	s5 =	simm.s32 $0x6250;
	v26 =	vld.idx.msk [tilespmem:v8+s26+$0x0], $0xffff;
	[tilespmem:s15+$0x14900] =	vst v13  }
0xe0: {  	[tilespmem:s14+$0xD900] =	vst v21;
	v17 =	vld.idx.msk [tilespmem:v0+s5+$0x0], $0xffff  }
.Ltmp0:
0xe1: {  	s5 =	simm.s32 $0x7538;
	v20 =	vld.idx.msk [tilespmem:v9+s3+$0x0], $0xffff;
	[tilespmem:s17+$0x17100] =	vst v23;
	(pc) =	sbr.rel @p0 .LBB2_2-.Ltmp0, $4  }
0xe2: {  	[tilespmem:s13+$0x10100] =	vst v22;
	v16 =	vld.idx.msk [tilespmem:v2+s5+$0x0], $0xffff;
	v2 =	vmovc v0;
	v0 =	vmovc v1;
	v1 =	vmov v7;
	v7 =	vmov v9;
	v9 =	vmov v8  }
0xe3: {  	v8 =	vmov v6;
	v6 =	vmov v10;
	[tilespmem:s18+$0x9100] =	vst v24;
	v15 =	vld.idx.msk [tilespmem:v12+s10+$0x0], $0xffff;
	v12 =	vmov v3  }
0xe4: {  	v21 =	vld.idx.msk [tilespmem:v18+s25+$0x0], $0xffff;
	[tilespmem:s12+$0x12900] =	vst v25;
	v18 =	vmov v10  }
0xe5: {  	s20 =	sadd.s32 $0x80, s20;
	s21 =	sadd.s32 $0x10, s21;
	s22 =	sadd.s32 $0x8, s22;
	[tilespmem:s16+$0xB900] =	vst v26;
	v13 =	vld.idx.msk [tilespmem:v11+s4+$0x0], $0xffff;
	v11 =	vmov v19  }
0xe6: {  	_ =	sdelay $0x2  }
0xe7: {  	s2 =	simm.s32 $0x0  }
0xe8: {  	v19 =	vld.idx.msk [tilespmem:v6+s2+$0x0], $0xffff;
	_ =	sdelay $0x4  }
0xe9: {  	[tilespmem:s19+$0x8100] =	vst v19  }
0xea: {  	v19 =	vld.idx.msk [tilespmem:v6+s23+$0x0], $0xffff;
	_ =	sdelay $0x4  }
0xeb: {  	[tilespmem:s19+$0x8900] =	vst v19  }
0xec: {  	v19 =	vld.idx.msk [tilespmem:v6+s24+$0x0], $0xffff;
	_ =	sdelay $0x4  }
0xed: {  	[tilespmem:s19+$0x9100] =	vst v19  }
0xee: {  	v18 =	vld.idx.msk [tilespmem:v18+s25+$0x0], $0xffff;
	_ =	sdelay $0x2  }
0xef: {  	s0 =	simm.s32 $0xF20;
	[tilespmem:s18+$0x9900] =	vst v21  }
0xf0: {  	v45 =	vld.idx.msk [tilespmem:v8+s0+$0x0], $0xffff  }
0xf1: {  	[tilespmem:s19+$0x9900] =	vst v18  }
0xf2: {  	v18 =	vld.idx.msk [tilespmem:v6+s0+$0x0], $0xffff;
	_ =	sdelay $0x2  }
0xf3: {  	s11 =	simm.s32 $0x12E8;
	[tilespmem:s18+$0xA100] =	vst v45  }
0xf4: {  	v19 =	vld.idx.msk [tilespmem:v8+s11+$0x0], $0xffff  }
0xf5: {  	[tilespmem:s19+$0xA100] =	vst v18  }
0xf6: {  	v18 =	vld.idx.msk [tilespmem:v6+s11+$0x0], $0xffff;
	_ =	sdelay $0x2  }
0xf7: {  	s20 =	simm.s32 $0x16B0;
	[tilespmem:s18+$0xA900] =	vst v19  }
0xf8: {  	v19 =	vld.idx.msk [tilespmem:v8+s20+$0x0], $0xffff  }
0xf9: {  	[tilespmem:s19+$0xA900] =	vst v18  }
0xfa: {  	v18 =	vld.idx.msk [tilespmem:v6+s20+$0x0], $0xffff;
	_ =	sdelay $0x2  }
0xfb: {  	s21 =	simm.s32 $0x1A78;
	[tilespmem:s18+$0xB100] =	vst v19  }
0xfc: {  	v19 =	vld.idx.msk [tilespmem:v8+s21+$0x0], $0xffff  }
0xfd: {  	[tilespmem:s19+$0xB100] =	vst v18  }
0xfe: {  	v18 =	vld.idx.msk [tilespmem:v6+s21+$0x0], $0xffff;
	_ =	sdelay $0x1  }
0xff: {  	s22 =	simm.s32 $0x1E40  }
0x100: {  	v14 =	vld.idx.msk [tilespmem:v14+s22+$0x0], $0xffff;
	[tilespmem:s18+$0xB900] =	vst v19  }
0x101: {  	v19 =	vld.idx.msk [tilespmem:v5+s22+$0x0], $0xffff  }
0x102: {  	[tilespmem:s19+$0xB900] =	vst v18  }
0x103: {  	v18 =	vld.idx.msk [tilespmem:v10+s22+$0x0], $0xffff;
	_ =	sdelay $0x1  }
0x104: {  	s26 =	simm.s32 $0x2208;
	[tilespmem:s16+$0xC100] =	vst v14  }
0x105: {  	v14 =	vld.idx.msk [tilespmem:v9+s26+$0x0], $0xffff;
	[tilespmem:s18+$0xC100] =	vst v19  }
0x106: {  	v19 =	vld.idx.msk [tilespmem:v8+s26+$0x0], $0xffff  }
0x107: {  	[tilespmem:s19+$0xC100] =	vst v18  }
0x108: {  	v18 =	vld.idx.msk [tilespmem:v6+s26+$0x0], $0xffff;
	_ =	sdelay $0x1  }
0x109: {  	s29 =	simm.s32 $0x25D0;
	[tilespmem:s16+$0xC900] =	vst v14  }
0x10a: {  	v14 =	vld.idx.msk [tilespmem:v9+s29+$0x0], $0xffff;
	[tilespmem:s18+$0xC900] =	vst v19  }
0x10b: {  	v19 =	vld.idx.msk [tilespmem:v8+s29+$0x0], $0xffff  }
0x10c: {  	[tilespmem:s19+$0xC900] =	vst v18  }
0x10d: {  	v18 =	vld.idx.msk [tilespmem:v6+s29+$0x0], $0xffff;
	_ =	sdelay $0x1  }
0x10e: {  	s30 =	simm.s32 $0x2998;
	[tilespmem:s16+$0xD100] =	vst v14  }
0x10f: {  	v14 =	vld.idx.msk [tilespmem:v9+s30+$0x0], $0xffff;
	[tilespmem:s18+$0xD100] =	vst v19  }
0x110: {  	v19 =	vld.idx.msk [tilespmem:v8+s30+$0x0], $0xffff  }
0x111: {  	[tilespmem:s19+$0xD100] =	vst v18  }
0x112: {  	v18 =	vld.idx.msk [tilespmem:v6+s30+$0x0], $0xffff;
	_ =	sdelay $0x1  }
0x113: {  	s1 =	simm.s32 $0x2D60;
	[tilespmem:s16+$0xD900] =	vst v14  }
0x114: {  	v14 =	vld.idx.msk [tilespmem:v9+s1+$0x0], $0xffff;
	[tilespmem:s18+$0xD900] =	vst v19  }
0x115: {  	v19 =	vld.idx.msk [tilespmem:v8+s1+$0x0], $0xffff  }
0x116: {  	[tilespmem:s19+$0xD900] =	vst v18  }
0x117: {  	v18 =	vld.idx.msk [tilespmem:v6+s1+$0x0], $0xffff  }
0x118: {  	[tilespmem:s14+$0xE100] =	vst v20;
	s3 =	simm.s32 $0x3128  }
0x119: {  	v20 =	vld.idx.msk [tilespmem:v7+s3+$0x0], $0xffff;
	[tilespmem:s16+$0xE100] =	vst v14  }
0x11a: {  	v14 =	vld.idx.msk [tilespmem:v9+s3+$0x0], $0xffff;
	[tilespmem:s18+$0xE100] =	vst v19  }
0x11b: {  	v19 =	vld.idx.msk [tilespmem:v8+s3+$0x0], $0xffff  }
0x11c: {  	[tilespmem:s19+$0xE100] =	vst v18  }
0x11d: {  	v18 =	vld.idx.msk [tilespmem:v6+s3+$0x0], $0xffff  }
0x11e: {  	s4 =	simm.s32 $0x34F0;
	[tilespmem:s14+$0xE900] =	vst v20  }
0x11f: {  	v20 =	vld.idx.msk [tilespmem:v7+s4+$0x0], $0xffff;
	[tilespmem:s16+$0xE900] =	vst v14  }
0x120: {  	v14 =	vld.idx.msk [tilespmem:v9+s4+$0x0], $0xffff;
	[tilespmem:s18+$0xE900] =	vst v19  }
0x121: {  	v19 =	vld.idx.msk [tilespmem:v8+s4+$0x0], $0xffff  }
0x122: {  	[tilespmem:s19+$0xE900] =	vst v18  }
0x123: {  	v18 =	vld.idx.msk [tilespmem:v6+s4+$0x0], $0xffff  }
0x124: {  	s5 =	simm.s32 $0x38B8;
	[tilespmem:s14+$0xF100] =	vst v20  }
0x125: {  	v20 =	vld.idx.msk [tilespmem:v7+s5+$0x0], $0xffff;
	[tilespmem:s16+$0xF100] =	vst v14  }
0x126: {  	v14 =	vld.idx.msk [tilespmem:v9+s5+$0x0], $0xffff;
	[tilespmem:s18+$0xF100] =	vst v19  }
0x127: {  	v19 =	vld.idx.msk [tilespmem:v8+s5+$0x0], $0xffff  }
0x128: {  	[tilespmem:s19+$0xF100] =	vst v18  }
0x129: {  	v18 =	vld.idx.msk [tilespmem:v6+s5+$0x0], $0xffff  }
0x12a: {  	s6 =	simm.s32 $0x3C80;
	[tilespmem:s14+$0xF900] =	vst v20  }
0x12b: {  	v20 =	vld.idx.msk [tilespmem:v7+s6+$0x0], $0xffff;
	[tilespmem:s16+$0xF900] =	vst v14  }
0x12c: {  	v14 =	vld.idx.msk [tilespmem:v9+s6+$0x0], $0xffff;
	[tilespmem:s18+$0xF900] =	vst v19  }
0x12d: {  	v19 =	vld.idx.msk [tilespmem:v8+s6+$0x0], $0xffff  }
0x12e: {  	[tilespmem:s19+$0xF900] =	vst v18  }
0x12f: {  	s8 =	simm.s32 $0x4410;
	[tilespmem:s13+$0x10900] =	vst v15;
	v46 =	vld.idx.msk [tilespmem:v6+s6+$0x0], $0xffff  }
0x130: {  	s7 =	simm.s32 $0x4048;
	v51 =	vld.idx.msk [tilespmem:v1+s8+$0x0], $0xffff;
	[tilespmem:s14+$0x10100] =	vst v20  }
0x131: {  	v12 =	vld.idx.msk [tilespmem:v12+s7+$0x0], $0xffff;
	[tilespmem:s16+$0x10100] =	vst v14  }
0x132: {  	v14 =	vld.idx.msk [tilespmem:v4+s7+$0x0], $0xffff;
	[tilespmem:s18+$0x10100] =	vst v19  }
0x133: {  	[tilespmem:s15+$0x15100] =	vst v17;
	v48 =	vld.idx.msk [tilespmem:v5+s7+$0x0], $0xffff  }
0x134: {  	[tilespmem:s19+$0x10100] =	vst v46  }
0x135: {  	s9 =	simm.s32 $0x47D8;
	[tilespmem:s13+$0x11100] =	vst v51;
	v49 =	vld.idx.msk [tilespmem:v10+s7+$0x0], $0xffff  }
0x136: {  	v17 =	vld.idx.msk [tilespmem:v1+s9+$0x0], $0xffff;
	[tilespmem:s14+$0x10900] =	vst v12  }
0x137: {  	v12 =	vld.idx.msk [tilespmem:v7+s8+$0x0], $0xffff;
	[tilespmem:s16+$0x10900] =	vst v14  }
0x138: {  	v14 =	vld.idx.msk [tilespmem:v9+s8+$0x0], $0xffff;
	[tilespmem:s18+$0x10900] =	vst v48  }
0x139: {  	[tilespmem:s17+$0x17900] =	vst v16;
	s1 =	simm.s32 $0x6618;
	v18 =	vld.idx.msk [tilespmem:v8+s8+$0x0], $0xffff  }
0x13a: {  	v47 =	vld.idx.msk [tilespmem:v2+s1+$0x0], $0xffff;
	[tilespmem:s19+$0x10900] =	vst v49  }
0x13b: {  	s10 =	simm.s32 $0x4BA0;
	[tilespmem:s13+$0x11900] =	vst v17;
	v52 =	vld.idx.msk [tilespmem:v6+s8+$0x0], $0xffff  }
0x13c: {  	v17 =	vld.idx.msk [tilespmem:v1+s10+$0x0], $0xffff;
	[tilespmem:s14+$0x11100] =	vst v12  }
0x13d: {  	v12 =	vld.idx.msk [tilespmem:v7+s9+$0x0], $0xffff;
	[tilespmem:s16+$0x11100] =	vst v14  }
0x13e: {  	v14 =	vld.idx.msk [tilespmem:v9+s9+$0x0], $0xffff;
	[tilespmem:s18+$0x11100] =	vst v18  }
0x13f: {  	[tilespmem:s15+$0x15900] =	vst v47;
	s3 =	simm.s32 $0x69E0;
	v18 =	vld.idx.msk [tilespmem:v8+s9+$0x0], $0xffff  }
0x140: {  	v50 =	vld.idx.msk [tilespmem:v2+s3+$0x0], $0xffff;
	[tilespmem:s19+$0x11100] =	vst v52  }
0x141: {  	[tilespmem:s13+$0x12100] =	vst v17;
	s11 =	simm.s32 $0x4F68;
	v15 =	vld.idx.msk [tilespmem:v6+s9+$0x0], $0xffff  }
0x142: {  	v55 =	vld.idx.msk [tilespmem:v1+s11+$0x0], $0xffff;
	[tilespmem:s14+$0x11900] =	vst v12  }
0x143: {  	v12 =	vld.idx.msk [tilespmem:v7+s10+$0x0], $0xffff;
	[tilespmem:s16+$0x11900] =	vst v14  }
0x144: {  	v14 =	vld.idx.msk [tilespmem:v9+s10+$0x0], $0xffff;
	[tilespmem:s18+$0x11900] =	vst v18  }
0x145: {  	[tilespmem:s15+$0x16100] =	vst v50;
	s4 =	simm.s32 $0x6DA8;
	v18 =	vld.idx.msk [tilespmem:v8+s10+$0x0], $0xffff  }
0x146: {  	v53 =	vld.idx.msk [tilespmem:v2+s4+$0x0], $0xffff;
	[tilespmem:s19+$0x11900] =	vst v15  }
0x147: {  	s17 =	simm.s32 $0x5330;
	[tilespmem:s13+$0x12900] =	vst v55;
	v15 =	vld.idx.msk [tilespmem:v6+s10+$0x0], $0xffff  }
0x148: {  	v11 =	vld.idx.msk [tilespmem:v11+s17+$0x0], $0xffff;
	[tilespmem:s14+$0x12100] =	vst v12  }
0x149: {  	v12 =	vld.idx.msk [tilespmem:v7+s11+$0x0], $0xffff;
	[tilespmem:s16+$0x12100] =	vst v14  }
0x14a: {  	v14 =	vld.idx.msk [tilespmem:v9+s11+$0x0], $0xffff;
	[tilespmem:s18+$0x12100] =	vst v18  }
0x14b: {  	[tilespmem:s15+$0x16900] =	vst v53;
	s5 =	simm.s32 $0x7170;
	v56 =	vld.idx.msk [tilespmem:v8+s11+$0x0], $0xffff  }
0x14c: {  	v16 =	vld.idx.msk [tilespmem:v2+s5+$0x0], $0xffff;
	[tilespmem:s19+$0x12100] =	vst v15  }
0x14d: {  	s20 =	simm.s32 $0x56F8;
	[tilespmem:s13+$0x13100] =	vst v11;
	v57 =	vld.idx.msk [tilespmem:v6+s11+$0x0], $0xffff  }
0x14e: {  	v11 =	vld.idx.msk [tilespmem:v1+s20+$0x0], $0xffff;
	[tilespmem:s14+$0x12900] =	vst v12  }
0x14f: {  	v3 =	vld.idx.msk [tilespmem:v3+s17+$0x0], $0xffff;
	[tilespmem:s16+$0x12900] =	vst v14  }
0x150: {  	v58 =	vld.idx.msk [tilespmem:v4+s17+$0x0], $0xffff;
	[tilespmem:s18+$0x12900] =	vst v56  }
0x151: {  	[tilespmem:s15+$0x17100] =	vst v16;
	s6 =	simm.s32 $0x7538;
	v59 =	vld.idx.msk [tilespmem:v5+s17+$0x0], $0xffff  }
0x152: {  	v54 =	vld.idx.msk [tilespmem:v2+s6+$0x0], $0xffff;
	[tilespmem:s19+$0x12900] =	vst v57  }
0x153: {  	s21 =	simm.s32 $0x5AC0;
	[tilespmem:s13+$0x13900] =	vst v11;
	v2 =	vld.idx.msk [tilespmem:v10+s17+$0x0], $0xffff  }
0x154: {  	v11 =	vld.idx.msk [tilespmem:v1+s21+$0x0], $0xffff;
	[tilespmem:s14+$0x13100] =	vst v3  }
0x155: {  	v3 =	vld.idx.msk [tilespmem:v7+s20+$0x0], $0xffff;
	[tilespmem:s16+$0x13100] =	vst v58  }
0x156: {  	v4 =	vld.idx.msk [tilespmem:v9+s20+$0x0], $0xffff;
	[tilespmem:s18+$0x13100] =	vst v59  }
0x157: {  	[tilespmem:s12+$0x13100] =	vst v13;
	v5 =	vld.idx.msk [tilespmem:v8+s20+$0x0], $0xffff  }
0x158: {  	v60 =	vld.idx.msk [tilespmem:v0+s20+$0x0], $0xffff;
	[tilespmem:s19+$0x13100] =	vst v2  }
0x159: {  	s22 =	simm.s32 $0x5E88;
	[tilespmem:s13+$0x14100] =	vst v11;
	v2 =	vld.idx.msk [tilespmem:v6+s20+$0x0], $0xffff  }
0x15a: {  	v11 =	vld.idx.msk [tilespmem:v1+s22+$0x0], $0xffff;
	[tilespmem:s14+$0x13900] =	vst v3  }
0x15b: {  	v3 =	vld.idx.msk [tilespmem:v7+s21+$0x0], $0xffff;
	[tilespmem:s16+$0x13900] =	vst v4  }
0x15c: {  	v4 =	vld.idx.msk [tilespmem:v9+s21+$0x0], $0xffff;
	[tilespmem:s18+$0x13900] =	vst v5  }
0x15d: {  	[tilespmem:s12+$0x13900] =	vst v60;
	v5 =	vld.idx.msk [tilespmem:v8+s21+$0x0], $0xffff  }
0x15e: {  	v10 =	vld.idx.msk [tilespmem:v0+s21+$0x0], $0xffff;
	[tilespmem:s19+$0x13900] =	vst v2  }
0x15f: {  	s26 =	simm.s32 $0x6250;
	[tilespmem:s13+$0x14900] =	vst v11;
	v2 =	vld.idx.msk [tilespmem:v6+s21+$0x0], $0xffff  }
0x160: {  	v11 =	vld.idx.msk [tilespmem:v1+s26+$0x0], $0xffff;
	[tilespmem:s14+$0x14100] =	vst v3  }
0x161: {  	v3 =	vld.idx.msk [tilespmem:v7+s22+$0x0], $0xffff;
	[tilespmem:s16+$0x14100] =	vst v4  }
0x162: {  	v4 =	vld.idx.msk [tilespmem:v9+s22+$0x0], $0xffff;
	[tilespmem:s18+$0x14100] =	vst v5  }
0x163: {  	[tilespmem:s12+$0x14100] =	vst v10;
	v5 =	vld.idx.msk [tilespmem:v8+s22+$0x0], $0xffff  }
0x164: {  	v10 =	vld.idx.msk [tilespmem:v0+s22+$0x0], $0xffff;
	[tilespmem:s19+$0x14100] =	vst v2  }
0x165: {  	[tilespmem:s13+$0x15100] =	vst v11;
	v2 =	vld.idx.msk [tilespmem:v6+s22+$0x0], $0xffff  }
0x166: {  	v11 =	vld.idx.msk [tilespmem:v1+s1+$0x0], $0xffff;
	[tilespmem:s14+$0x14900] =	vst v3  }
0x167: {  	v3 =	vld.idx.msk [tilespmem:v7+s26+$0x0], $0xffff;
	[tilespmem:s16+$0x14900] =	vst v4  }
0x168: {  	v4 =	vld.idx.msk [tilespmem:v9+s26+$0x0], $0xffff;
	[tilespmem:s18+$0x14900] =	vst v5  }
0x169: {  	[tilespmem:s12+$0x14900] =	vst v10;
	v5 =	vld.idx.msk [tilespmem:v8+s26+$0x0], $0xffff  }
0x16a: {  	v10 =	vld.idx.msk [tilespmem:v0+s26+$0x0], $0xffff;
	[tilespmem:s19+$0x14900] =	vst v2  }
0x16b: {  	[tilespmem:s13+$0x15900] =	vst v11;
	v2 =	vld.idx.msk [tilespmem:v6+s26+$0x0], $0xffff  }
0x16c: {  	v11 =	vld.idx.msk [tilespmem:v1+s3+$0x0], $0xffff;
	[tilespmem:s14+$0x15100] =	vst v3  }
0x16d: {  	v3 =	vld.idx.msk [tilespmem:v7+s1+$0x0], $0xffff;
	[tilespmem:s16+$0x15100] =	vst v4  }
0x16e: {  	v4 =	vld.idx.msk [tilespmem:v9+s1+$0x0], $0xffff;
	[tilespmem:s18+$0x15100] =	vst v5  }
0x16f: {  	[tilespmem:s12+$0x15100] =	vst v10;
	v5 =	vld.idx.msk [tilespmem:v8+s1+$0x0], $0xffff  }
0x170: {  	v10 =	vld.idx.msk [tilespmem:v0+s1+$0x0], $0xffff;
	[tilespmem:s19+$0x15100] =	vst v2  }
0x171: {  	[tilespmem:s13+$0x16100] =	vst v11;
	v2 =	vld.idx.msk [tilespmem:v6+s1+$0x0], $0xffff  }
0x172: {  	v11 =	vld.idx.msk [tilespmem:v1+s4+$0x0], $0xffff;
	[tilespmem:s14+$0x15900] =	vst v3  }
0x173: {  	v3 =	vld.idx.msk [tilespmem:v7+s3+$0x0], $0xffff;
	[tilespmem:s16+$0x15900] =	vst v4  }
0x174: {  	v4 =	vld.idx.msk [tilespmem:v9+s3+$0x0], $0xffff;
	[tilespmem:s18+$0x15900] =	vst v5  }
0x175: {  	[tilespmem:s12+$0x15900] =	vst v10;
	v5 =	vld.idx.msk [tilespmem:v8+s3+$0x0], $0xffff  }
0x176: {  	v10 =	vld.idx.msk [tilespmem:v0+s3+$0x0], $0xffff;
	[tilespmem:s19+$0x15900] =	vst v2  }
0x177: {  	[tilespmem:s13+$0x16900] =	vst v11;
	v2 =	vld.idx.msk [tilespmem:v6+s3+$0x0], $0xffff  }
0x178: {  	v11 =	vld.idx.msk [tilespmem:v1+s5+$0x0], $0xffff;
	[tilespmem:s14+$0x16100] =	vst v3  }
0x179: {  	v3 =	vld.idx.msk [tilespmem:v7+s4+$0x0], $0xffff;
	[tilespmem:s16+$0x16100] =	vst v4  }
0x17a: {  	v4 =	vld.idx.msk [tilespmem:v9+s4+$0x0], $0xffff;
	[tilespmem:s18+$0x16100] =	vst v5  }
0x17b: {  	[tilespmem:s12+$0x16100] =	vst v10;
	v5 =	vld.idx.msk [tilespmem:v8+s4+$0x0], $0xffff  }
0x17c: {  	v10 =	vld.idx.msk [tilespmem:v0+s4+$0x0], $0xffff;
	[tilespmem:s19+$0x16100] =	vst v2  }
0x17d: {  	[tilespmem:s13+$0x17100] =	vst v11;
	v2 =	vld.idx.msk [tilespmem:v6+s4+$0x0], $0xffff  }
0x17e: {  	[tilespmem:s14+$0x16900] =	vst v3  }
0x17f: {  	v3 =	vld.idx.msk [tilespmem:v7+s5+$0x0], $0xffff;
	[tilespmem:s16+$0x16900] =	vst v4  }
0x180: {  	v4 =	vld.idx.msk [tilespmem:v9+s5+$0x0], $0xffff;
	[tilespmem:s18+$0x16900] =	vst v5  }
0x181: {  	[tilespmem:s12+$0x16900] =	vst v10;
	v5 =	vld.idx.msk [tilespmem:v8+s5+$0x0], $0xffff  }
0x182: {  	v10 =	vld.idx.msk [tilespmem:v0+s5+$0x0], $0xffff;
	[tilespmem:s19+$0x16900] =	vst v2  }
0x183: {  	[tilespmem:s15+$0x17900] =	vst v54;
	v2 =	vld.idx.msk [tilespmem:v6+s5+$0x0], $0xffff  }
0x184: {  	v62 =	vld.idx.msk [tilespmem:v1+s6+$0x0], $0xffff;
	[tilespmem:s14+$0x17100] =	vst v3  }
0x185: {  	v3 =	vld.idx.msk [tilespmem:v7+s6+$0x0], $0xffff;
	[tilespmem:s16+$0x17100] =	vst v4  }
0x186: {  	v4 =	vld.idx.msk [tilespmem:v9+s6+$0x0], $0xffff;
	[tilespmem:s18+$0x17100] =	vst v5  }
0x187: {  	[tilespmem:s12+$0x17100] =	vst v10;
	v5 =	vld.idx.msk [tilespmem:v8+s6+$0x0], $0xffff  }
0x188: {  	v61 =	vld.idx.msk [tilespmem:v0+s6+$0x0], $0xffff;
	[tilespmem:s19+$0x17100] =	vst v2  }
0x189: {  	[tilespmem:s13+$0x17900] =	vst v62;
	v63 =	vld.idx.msk [tilespmem:v6+s6+$0x0], $0xffff  }
0x18a: {  	s28 =	simm.s32 $0x1E40;
	s31 =	simm.s32 $0x5330;
	s0 =	simm.s32 $0x2208;
	[tilespmem:s14+$0x17900] =	vst v3  }
0x18b: {  	s29 =	simm.s32 $0x8100;
	s13 =	simm.s32 $0x8500;
	s8 =	simm.s32 $0x1A78;
	[tilespmem:s16+$0x17900] =	vst v4  }
0x18c: {  	s9 =	simm.s32 $0x25D0;
	s10 =	simm.s32 $0x34F0;
	s11 =	simm.s32 $0x4410;
	[tilespmem:s18+$0x17900] =	vst v5  }
0x18d: {  	s20 =	simm.s32 $0x4F68;
	s21 =	simm.s32 $0x47D8;
	s22 =	simm.s32 $0xF20;
	[tilespmem:s12+$0x17900] =	vst v61  }
0x18e: {  	s26 =	simm.s32 $0x12E8;
	s1 =	simm.s32 $0x2998;
	s3 =	simm.s32 $0x38B8;
	[tilespmem:s19+$0x17900] =	vst v63  }
0x18f: {  	s4 =	simm.s32 $0x3C80;
	s18 =	simm.s32 $0x3128;
	s17 =	rddreg [dreg:$0x5]  }
0x190: {  	s12 =	simm.s32 $0x2000;
	s5 =	simm.s32 $0x4BA0;
	s30 =	sadd.s32 $0x0, s17  }
0x191: {  	[hbm4b:s30+s2] =	stream.linear.scatter [tilespmem:s29], [sflag:$0x3], $0x200, $0x38;
	[tilespmem:$0x18100] =	vst v63  }
0x192: {  	s6 =	simm.s32 $0x2D60;
	s19 =	simm.s32 $0x16B0;
	s14 =	sadd.s32 $0x80, s30  }
.LBB2_4:
0x193: {  	[hbm4b:s14+s2] =	stream.linear.scatter [tilespmem:s13], [sflag:$0x3], $0x200, $0x38;
	[tilespmem:$0x18100] =	vst v63  }
0x194: {  	s13 =	smov.u32 s12;
	p0 =	sne.s32 s12, $0x3E000  }
.Ltmp1:
0x195: {  	s12 =	sadd.s32 $0x2000, s12;
	(pc) =	sbr.rel @p0 .LBB2_4-.Ltmp1, $4  }
0x196: {  	s14 =	sshra.s32 s13, $0x2  }
0x197: {  	s16 =	sadd.s32 s13, s17;
	s15 =	sadd.s32 $0x8100, s14  }
0x198: {  	[hbm4b:s16+s2] =	stream.linear.scatter [tilespmem:s15], [sflag:$0x3], $0x200, $0x38;
	[tilespmem:$0x18100] =	vst v63  }
0x199: {  	s13 =	sadd.s32 $0x8500, s14;
	s14 =	sadd.s32 $0x80, s16  }
0x19a: {  	[hbm4b:s14+s2] =	stream.linear.scatter [tilespmem:s13], [sflag:$0x3], $0x200, $0x38;
	[tilespmem:$0x18100] =	vst v63  }
0x19b: {  	s12 =	simm.s32 $0x2000;
	s17 =	simm.s32 $0x200  }
0x19c: {  	s7 =	simm.s32 $0x400;
	s12 =	sand.u32 $0x400, s12;
	s13 =	sand.u32 $0x380, s17  }
0x19d: {  	s14 =	sand.u32 $0x70, s7;
	s12 =	sor.u32 s13, s12  }
0x19e: {  	s15 =	simm.s32 $0x2080;
	s16 =	simm.s32 $0x208;
	s17 =	sor.u32 s14, s12  }
0x19f: {  	s7 =	simm.s32 $0x410;
	s13 =	sand.u32 $0x380, s16;
	s12 =	sand.u32 $0x400, s15;
	v6 =	vld [tilespmem:s17+$0x7900]  }
0x1a0: {  	s14 =	sand.u32 $0x70, s7;
	s12 =	sor.u32 s13, s12  }
0x1a1: {  	s15 =	sor.u32 s14, s12  }
0x1a2: {  	v2 =	vld [tilespmem:s15+$0x7900];
	_ =	sdelay $0x4  }
0x1a3: {  	v0 =	vld.idx.msk [tilespmem:v6+s2+$0x0], $0xffff;
	_ =	sdelay $0x2  }
0x1a4: {  	v1 =	vld.idx.msk [tilespmem:v2+s2+$0x0], $0xffff;
	_ =	sdelay $0x1  }
0x1a5: {  	[tilespmem:s17+$0x8100] =	vst v0  }
0x1a6: {  	v0 =	vld.idx.msk [tilespmem:v6+s23+$0x0], $0xffff;
	_ =	sdelay $0x1  }
0x1a7: {  	[tilespmem:s15+$0x8100] =	vst v1  }
0x1a8: {  	v1 =	vld.idx.msk [tilespmem:v2+s23+$0x0], $0xffff;
	_ =	sdelay $0x1  }
0x1a9: {  	[tilespmem:s17+$0x8900] =	vst v0  }
0x1aa: {  	v0 =	vld.idx.msk [tilespmem:v6+s24+$0x0], $0xffff;
	_ =	sdelay $0x1  }
0x1ab: {  	[tilespmem:s15+$0x8900] =	vst v1  }
0x1ac: {  	v1 =	vld.idx.msk [tilespmem:v2+s24+$0x0], $0xffff;
	_ =	sdelay $0x1  }
0x1ad: {  	[tilespmem:s17+$0x9100] =	vst v0  }
0x1ae: {  	v0 =	vld.idx.msk [tilespmem:v6+s25+$0x0], $0xffff;
	_ =	sdelay $0x1  }
0x1af: {  	[tilespmem:s15+$0x9100] =	vst v1  }
0x1b0: {  	v1 =	vld.idx.msk [tilespmem:v2+s25+$0x0], $0xffff;
	_ =	sdelay $0x1  }
0x1b1: {  	[tilespmem:s17+$0x9900] =	vst v0  }
0x1b2: {  	v0 =	vld.idx.msk [tilespmem:v6+s22+$0x0], $0xffff;
	_ =	sdelay $0x1  }
0x1b3: {  	[tilespmem:s15+$0x9900] =	vst v1  }
0x1b4: {  	v1 =	vld.idx.msk [tilespmem:v2+s22+$0x0], $0xffff;
	_ =	sdelay $0x1  }
0x1b5: {  	[tilespmem:s17+$0xA100] =	vst v0  }
0x1b6: {  	v0 =	vld.idx.msk [tilespmem:v6+s26+$0x0], $0xffff;
	_ =	sdelay $0x1  }
0x1b7: {  	[tilespmem:s15+$0xA100] =	vst v1  }
0x1b8: {  	v1 =	vld.idx.msk [tilespmem:v2+s26+$0x0], $0xffff;
	_ =	sdelay $0x1  }
0x1b9: {  	[tilespmem:s17+$0xA900] =	vst v0  }
0x1ba: {  	v0 =	vld.idx.msk [tilespmem:v6+s19+$0x0], $0xffff  }
0x1bb: {  	s16 =	simm.s32 $0x210;
	s14 =	simm.s32 $0x2100  }
0x1bc: {  	s7 =	simm.s32 $0x420;
	s13 =	sand.u32 $0x380, s16;
	s12 =	sand.u32 $0x400, s14;
	[tilespmem:s15+$0xA900] =	vst v1  }
0x1bd: {  	s14 =	sand.u32 $0x70, s7;
	s12 =	sor.u32 s13, s12;
	v1 =	vld.idx.msk [tilespmem:v2+s19+$0x0], $0xffff  }
0x1be: {  	s12 =	sor.u32 s14, s12  }
0x1bf: {  	[tilespmem:s17+$0xB100] =	vst v0;
	v0 =	vld [tilespmem:s12+$0x7900]  }
0x1c0: {  	v3 =	vld.idx.msk [tilespmem:v6+s8+$0x0], $0xffff;
	_ =	sdelay $0x1  }
0x1c1: {  	[tilespmem:s15+$0xB100] =	vst v1  }
0x1c2: {  	v1 =	vld.idx.msk [tilespmem:v2+s8+$0x0], $0xffff  }
0x1c3: {  	s7 =	simm.s32 $0x218;
	s14 =	simm.s32 $0x2180  }
0x1c4: {  	s16 =	simm.s32 $0x430;
	s13 =	sand.u32 $0x400, s14;
	s14 =	sand.u32 $0x380, s7;
	[tilespmem:s17+$0xB900] =	vst v3  }
0x1c5: {  	s16 =	sand.u32 $0x70, s16;
	s13 =	sor.u32 s14, s13;
	v3 =	vld.idx.msk [tilespmem:v6+s28+$0x0], $0xffff  }
0x1c6: {  	s13 =	sor.u32 s16, s13;
	v4 =	vld.idx.msk [tilespmem:v0+s2+$0x0], $0xffff  }
0x1c7: {  	[tilespmem:s15+$0xB900] =	vst v1;
	v1 =	vld [tilespmem:s13+$0x7900];
	_ =	sdelay $0x2  }
0x1c8: {  	[tilespmem:s17+$0xC100] =	vst v3  }
0x1c9: {  	v3 =	vld.idx.msk [tilespmem:v6+s0+$0x0], $0xffff  }
0x1ca: {  	[tilespmem:s12+$0x8100] =	vst v4  }
0x1cb: {  	v4 =	vld.idx.msk [tilespmem:v0+s23+$0x0], $0xffff;
	_ =	sdelay $0x1  }
0x1cc: {  	v7 =	vld.idx.msk [tilespmem:v1+s2+$0x0], $0xffff  }
0x1cd: {  	[tilespmem:s17+$0xC900] =	vst v3  }
0x1ce: {  	v3 =	vld.idx.msk [tilespmem:v6+s9+$0x0], $0xffff  }
0x1cf: {  	[tilespmem:s12+$0x8900] =	vst v4  }
0x1d0: {  	v4 =	vld.idx.msk [tilespmem:v0+s24+$0x0], $0xffff  }
0x1d1: {  	[tilespmem:s13+$0x8100] =	vst v7  }
0x1d2: {  	v7 =	vld.idx.msk [tilespmem:v1+s23+$0x0], $0xffff  }
0x1d3: {  	[tilespmem:s17+$0xD100] =	vst v3  }
0x1d4: {  	v3 =	vld.idx.msk [tilespmem:v6+s1+$0x0], $0xffff  }
0x1d5: {  	[tilespmem:s12+$0x9100] =	vst v4  }
0x1d6: {  	v4 =	vld.idx.msk [tilespmem:v0+s25+$0x0], $0xffff  }
0x1d7: {  	v5 =	vld.idx.msk [tilespmem:v2+s28+$0x0], $0xffff;
	[tilespmem:s13+$0x8900] =	vst v7  }
0x1d8: {  	v7 =	vld.idx.msk [tilespmem:v1+s24+$0x0], $0xffff  }
0x1d9: {  	[tilespmem:s17+$0xD900] =	vst v3  }
0x1da: {  	v3 =	vld.idx.msk [tilespmem:v6+s6+$0x0], $0xffff  }
0x1db: {  	[tilespmem:s12+$0x9900] =	vst v4  }
0x1dc: {  	[tilespmem:s15+$0xC100] =	vst v5;
	v4 =	vld.idx.msk [tilespmem:v0+s22+$0x0], $0xffff  }
0x1dd: {  	v5 =	vld.idx.msk [tilespmem:v2+s0+$0x0], $0xffff;
	[tilespmem:s13+$0x9100] =	vst v7  }
0x1de: {  	v8 =	vld.idx.msk [tilespmem:v1+s25+$0x0], $0xffff  }
0x1df: {  	[tilespmem:s17+$0xE100] =	vst v3  }
0x1e0: {  	v3 =	vld.idx.msk [tilespmem:v6+s18+$0x0], $0xffff  }
0x1e1: {  	[tilespmem:s12+$0xA100] =	vst v4  }
0x1e2: {  	[tilespmem:s15+$0xC900] =	vst v5;
	v4 =	vld.idx.msk [tilespmem:v0+s26+$0x0], $0xffff  }
0x1e3: {  	v5 =	vld.idx.msk [tilespmem:v2+s9+$0x0], $0xffff;
	[tilespmem:s13+$0x9900] =	vst v8  }
0x1e4: {  	v8 =	vld.idx.msk [tilespmem:v1+s22+$0x0], $0xffff  }
0x1e5: {  	[tilespmem:s17+$0xE900] =	vst v3  }
0x1e6: {  	v3 =	vld.idx.msk [tilespmem:v6+s10+$0x0], $0xffff  }
0x1e7: {  	[tilespmem:s12+$0xA900] =	vst v4  }
0x1e8: {  	[tilespmem:s15+$0xD100] =	vst v5;
	v4 =	vld.idx.msk [tilespmem:v0+s19+$0x0], $0xffff  }
0x1e9: {  	v5 =	vld.idx.msk [tilespmem:v2+s1+$0x0], $0xffff;
	[tilespmem:s13+$0xA100] =	vst v8  }
0x1ea: {  	v8 =	vld.idx.msk [tilespmem:v1+s26+$0x0], $0xffff  }
0x1eb: {  	[tilespmem:s17+$0xF100] =	vst v3  }
0x1ec: {  	v3 =	vld.idx.msk [tilespmem:v6+s3+$0x0], $0xffff  }
0x1ed: {  	[tilespmem:s12+$0xB100] =	vst v4  }
0x1ee: {  	[tilespmem:s15+$0xD900] =	vst v5;
	v4 =	vld.idx.msk [tilespmem:v0+s8+$0x0], $0xffff  }
0x1ef: {  	v5 =	vld.idx.msk [tilespmem:v2+s6+$0x0], $0xffff;
	[tilespmem:s13+$0xA900] =	vst v8  }
0x1f0: {  	v8 =	vld.idx.msk [tilespmem:v1+s19+$0x0], $0xffff  }
0x1f1: {  	[tilespmem:s17+$0xF900] =	vst v3  }
0x1f2: {  	v3 =	vld.idx.msk [tilespmem:v6+s4+$0x0], $0xffff  }
0x1f3: {  	s30 =	simm.s32 $0x3128;
	s7 =	simm.s32 $0x220;
	s16 =	simm.s32 $0x2200;
	[tilespmem:s12+$0xB900] =	vst v4  }
0x1f4: {  	s14 =	sand.u32 $0x400, s16;
	s16 =	sand.u32 $0x380, s7;
	s18 =	simm.s32 $0x440;
	[tilespmem:s15+$0xE100] =	vst v5;
	v4 =	vld.idx.msk [tilespmem:v0+s28+$0x0], $0xffff  }
0x1f5: {  	s14 =	sor.u32 s16, s14;
	s18 =	sand.u32 $0x70, s18;
	v5 =	vld.idx.msk [tilespmem:v2+s30+$0x0], $0xffff;
	[tilespmem:s13+$0xB100] =	vst v8  }
0x1f6: {  	s14 =	sor.u32 s18, s14;
	v8 =	vld.idx.msk [tilespmem:v1+s8+$0x0], $0xffff  }
0x1f7: {  	s7 =	simm.s32 $0x4048;
	[tilespmem:s17+$0x10100] =	vst v3;
	v3 =	vld [tilespmem:s14+$0x7900]  }
0x1f8: {  	v7 =	vld.idx.msk [tilespmem:v6+s7+$0x0], $0xffff  }
0x1f9: {  	[tilespmem:s12+$0xC100] =	vst v4  }
0x1fa: {  	v4 =	vld.idx.msk [tilespmem:v0+s0+$0x0], $0xffff  }
0x1fb: {  	[tilespmem:s15+$0xE900] =	vst v5  }
0x1fc: {  	v5 =	vld.idx.msk [tilespmem:v2+s10+$0x0], $0xffff;
	[tilespmem:s13+$0xB900] =	vst v8  }
0x1fd: {  	v8 =	vld.idx.msk [tilespmem:v1+s28+$0x0], $0xffff;
	[tilespmem:s17+$0x10900] =	vst v7  }
0x1fe: {  	v7 =	vld.idx.msk [tilespmem:v6+s11+$0x0], $0xffff  }
0x1ff: {  	[tilespmem:s12+$0xC900] =	vst v4;
	v9 =	vld.idx.msk [tilespmem:v3+s2+$0x0], $0xffff  }
0x200: {  	v4 =	vld.idx.msk [tilespmem:v0+s9+$0x0], $0xffff  }
0x201: {  	[tilespmem:s15+$0xF100] =	vst v5  }
0x202: {  	v5 =	vld.idx.msk [tilespmem:v2+s3+$0x0], $0xffff;
	[tilespmem:s13+$0xC100] =	vst v8  }
0x203: {  	v8 =	vld.idx.msk [tilespmem:v1+s0+$0x0], $0xffff;
	[tilespmem:s17+$0x11100] =	vst v7  }
0x204: {  	v7 =	vld.idx.msk [tilespmem:v6+s21+$0x0], $0xffff;
	[tilespmem:s14+$0x8100] =	vst v9  }
0x205: {  	[tilespmem:s12+$0xD100] =	vst v4;
	v9 =	vld.idx.msk [tilespmem:v3+s23+$0x0], $0xffff  }
0x206: {  	v4 =	vld.idx.msk [tilespmem:v0+s1+$0x0], $0xffff  }
0x207: {  	s16 =	simm.s32 $0x2280;
	s18 =	simm.s32 $0x228;
	[tilespmem:s15+$0xF900] =	vst v5  }
0x208: {  	s16 =	sand.u32 $0x400, s16;
	s18 =	sand.u32 $0x380, s18;
	s19 =	simm.s32 $0x450;
	v5 =	vld.idx.msk [tilespmem:v2+s4+$0x0], $0xffff;
	[tilespmem:s13+$0xC900] =	vst v8  }
0x209: {  	s16 =	sor.u32 s18, s16;
	s19 =	sand.u32 $0x70, s19;
	v8 =	vld.idx.msk [tilespmem:v1+s9+$0x0], $0xffff;
	[tilespmem:s17+$0x11900] =	vst v7  }
0x20a: {  	s16 =	sor.u32 s19, s16;
	v7 =	vld.idx.msk [tilespmem:v6+s5+$0x0], $0xffff;
	[tilespmem:s14+$0x8900] =	vst v9  }
0x20b: {  	[tilespmem:s12+$0xD900] =	vst v4;
	v4 =	vld [tilespmem:s16+$0x7900]  }
0x20c: {  	v9 =	vld.idx.msk [tilespmem:v3+s24+$0x0], $0xffff  }
0x20d: {  	v10 =	vld.idx.msk [tilespmem:v0+s6+$0x0], $0xffff  }
0x20e: {  	[tilespmem:s13+$0xD100] =	vst v8  }
0x20f: {  	v8 =	vld.idx.msk [tilespmem:v1+s1+$0x0], $0xffff;
	[tilespmem:s17+$0x12100] =	vst v7  }
0x210: {  	[tilespmem:s15+$0x10100] =	vst v5;
	v7 =	vld.idx.msk [tilespmem:v6+s20+$0x0], $0xffff  }
0x211: {  	s19 =	simm.s32 $0x2300;
	[tilespmem:s14+$0x9100] =	vst v9;
	v9 =	vld.idx.msk [tilespmem:v2+s7+$0x0], $0xffff;
	s20 =	simm.s32 $0x230  }
0x212: {  	s18 =	sand.u32 $0x400, s19;
	s6 =	simm.s32 $0x460;
	[tilespmem:s12+$0xE100] =	vst v10;
	v11 =	vld.idx.msk [tilespmem:v3+s25+$0x0], $0xffff;
	s19 =	sand.u32 $0x380, s20  }
0x213: {  	s20 =	sand.u32 $0x70, s6;
	v10 =	vld.idx.msk [tilespmem:v0+s30+$0x0], $0xffff;
	s18 =	sor.u32 s19, s18  }
0x214: {  	v12 =	vld.idx.msk [tilespmem:v4+s2+$0x0], $0xffff;
	s18 =	sor.u32 s20, s18  }
0x215: {  	v5 =	vld [tilespmem:s18+$0x7900];
	[tilespmem:s17+$0x12900] =	vst v7  }
0x216: {  	[tilespmem:s15+$0x10900] =	vst v9;
	v7 =	vld.idx.msk [tilespmem:v6+s31+$0x0], $0xffff  }
0x217: {  	[tilespmem:s14+$0x9900] =	vst v11;
	v9 =	vld.idx.msk [tilespmem:v2+s11+$0x0], $0xffff  }
0x218: {  	[tilespmem:s12+$0xE900] =	vst v10;
	v11 =	vld.idx.msk [tilespmem:v3+s22+$0x0], $0xffff  }
0x219: {  	[tilespmem:s13+$0xD900] =	vst v8;
	s31 =	simm.s32 $0x2D60;
	v10 =	vld.idx.msk [tilespmem:v0+s10+$0x0], $0xffff  }
0x21a: {  	[tilespmem:s16+$0x8100] =	vst v12;
	v8 =	vld.idx.msk [tilespmem:v1+s31+$0x0], $0xffff  }
0x21b: {  	s11 =	simm.s32 $0x56F8;
	v12 =	vld.idx.msk [tilespmem:v4+s23+$0x0], $0xffff;
	[tilespmem:s17+$0x13100] =	vst v7  }
0x21c: {  	[tilespmem:s15+$0x11100] =	vst v9;
	v7 =	vld.idx.msk [tilespmem:v6+s11+$0x0], $0xffff  }
0x21d: {  	v9 =	vld.idx.msk [tilespmem:v2+s21+$0x0], $0xffff  }
0x21e: {  	[tilespmem:s14+$0xA100] =	vst v11;
	v14 =	vld.idx.msk [tilespmem:v5+s2+$0x0], $0xffff  }
0x21f: {  	[tilespmem:s12+$0xF100] =	vst v10;
	v11 =	vld.idx.msk [tilespmem:v3+s26+$0x0], $0xffff  }
0x220: {  	[tilespmem:s13+$0xE100] =	vst v8;
	v10 =	vld.idx.msk [tilespmem:v0+s3+$0x0], $0xffff  }
0x221: {  	s6 =	simm.s32 $0x5AC0;
	v8 =	vld.idx.msk [tilespmem:v1+s30+$0x0], $0xffff;
	[tilespmem:s17+$0x13900] =	vst v7  }
0x222: {  	[tilespmem:s16+$0x8900] =	vst v12;
	v7 =	vld.idx.msk [tilespmem:v6+s6+$0x0], $0xffff  }
0x223: {  	v12 =	vld.idx.msk [tilespmem:v4+s24+$0x0], $0xffff;
	[tilespmem:s15+$0x11900] =	vst v9  }
0x224: {  	s4 =	simm.s32 $0x16B0;
	[tilespmem:s14+$0xA900] =	vst v11;
	v9 =	vld.idx.msk [tilespmem:v2+s5+$0x0], $0xffff  }
0x225: {  	s9 =	simm.s32 $0x3C80;
	[tilespmem:s12+$0xF900] =	vst v10;
	v11 =	vld.idx.msk [tilespmem:v3+s4+$0x0], $0xffff  }
0x226: {  	[tilespmem:s18+$0x8100] =	vst v14;
	v10 =	vld.idx.msk [tilespmem:v0+s9+$0x0], $0xffff  }
0x227: {  	v14 =	vld.idx.msk [tilespmem:v5+s23+$0x0], $0xffff;
	s4 =	simm.s32 $0x5E88;
	[tilespmem:s17+$0x14100] =	vst v7  }
0x228: {  	s3 =	simm.s32 $0x34F0;
	[tilespmem:s13+$0xE900] =	vst v8;
	v7 =	vld.idx.msk [tilespmem:v6+s4+$0x0], $0xffff  }
0x229: {  	s29 =	simm.s32 $0x4F68;
	v8 =	vld.idx.msk [tilespmem:v1+s3+$0x0], $0xffff;
	[tilespmem:s15+$0x12100] =	vst v9  }
0x22a: {  	s8 =	simm.s32 $0x1A78;
	[tilespmem:s14+$0xB100] =	vst v11;
	v9 =	vld.idx.msk [tilespmem:v2+s29+$0x0], $0xffff  }
0x22b: {  	[tilespmem:s12+$0x10100] =	vst v10;
	v11 =	vld.idx.msk [tilespmem:v3+s8+$0x0], $0xffff  }
0x22c: {  	[tilespmem:s16+$0x9100] =	vst v12;
	v12 =	vld.idx.msk [tilespmem:v0+s7+$0x0], $0xffff  }
0x22d: {  	s5 =	simm.s32 $0x6250;
	v13 =	vld.idx.msk [tilespmem:v4+s25+$0x0], $0xffff;
	[tilespmem:s17+$0x14900] =	vst v7  }
0x22e: {  	[tilespmem:s18+$0x8900] =	vst v14;
	v7 =	vld.idx.msk [tilespmem:v6+s5+$0x0], $0xffff  }
0x22f: {  	s21 =	simm.s32 $0x5330;
	v14 =	vld.idx.msk [tilespmem:v5+s24+$0x0], $0xffff;
	[tilespmem:s15+$0x12900] =	vst v9  }
0x230: {  	s26 =	simm.s32 $0x1E40;
	[tilespmem:s14+$0xB900] =	vst v11;
	v9 =	vld.idx.msk [tilespmem:v2+s21+$0x0], $0xffff  }
0x231: {  	[tilespmem:s12+$0x10900] =	vst v12;
	v11 =	vld.idx.msk [tilespmem:v3+s26+$0x0], $0xffff;
	s26 =	simm.s32 $0x4410  }
0x232: {  	s0 =	simm.s32 $0xF20;
	s7 =	simm.s32 $0x470;
	[tilespmem:s16+$0x9900] =	vst v13;
	v12 =	vld.idx.msk [tilespmem:v0+s26+$0x0], $0xffff  }
0x233: {  	v13 =	vld.idx.msk [tilespmem:v4+s0+$0x0], $0xffff;
	s21 =	sand.u32 $0x70, s7;
	s7 =	simm.s32 $0x6618;
	[tilespmem:s17+$0x15100] =	vst v7  }
0x234: {  	[tilespmem:s13+$0xF100] =	vst v8;
	s8 =	simm.s32 $0x38B8;
	v7 =	vld.idx.msk [tilespmem:v6+s7+$0x0], $0xffff  }
0x235: {  	v8 =	vld.idx.msk [tilespmem:v1+s8+$0x0], $0xffff;
	[tilespmem:s15+$0x13100] =	vst v9  }
0x236: {  	s28 =	simm.s32 $0x2208;
	[tilespmem:s14+$0xC100] =	vst v11;
	v9 =	vld.idx.msk [tilespmem:v2+s11+$0x0], $0xffff  }
0x237: {  	s1 =	simm.s32 $0x47D8;
	s19 =	simm.s32 $0x2380;
	s20 =	simm.s32 $0x238;
	v11 =	vld.idx.msk [tilespmem:v3+s28+$0x0], $0xffff;
	[tilespmem:s12+$0x11100] =	vst v12  }
0x238: {  	s19 =	sand.u32 $0x400, s19;
	s20 =	sand.u32 $0x380, s20;
	s22 =	simm.s32 $0x12E8;
	[tilespmem:s16+$0xA100] =	vst v13;
	v12 =	vld.idx.msk [tilespmem:v0+s1+$0x0], $0xffff  }
0x239: {  	s19 =	sor.u32 s20, s19;
	s0 =	simm.s32 $0x69E0;
	v13 =	vld.idx.msk [tilespmem:v4+s22+$0x0], $0xffff;
	[tilespmem:s17+$0x15900] =	vst v7  }
0x23a: {  	[tilespmem:s18+$0x9100] =	vst v14;
	s19 =	sor.u32 s21, s19;
	v7 =	vld.idx.msk [tilespmem:v6+s0+$0x0], $0xffff  }
0x23b: {  	v10 =	vld [tilespmem:s19+$0x7900];
	[tilespmem:s15+$0x13900] =	vst v9  }
0x23c: {  	s10 =	simm.s32 $0x25D0;
	[tilespmem:s14+$0xC900] =	vst v11;
	v9 =	vld.idx.msk [tilespmem:v2+s6+$0x0], $0xffff  }
0x23d: {  	s29 =	simm.s32 $0x4BA0;
	v11 =	vld.idx.msk [tilespmem:v3+s10+$0x0], $0xffff;
	[tilespmem:s12+$0x11900] =	vst v12  }
0x23e: {  	[tilespmem:s16+$0xA900] =	vst v13;
	s10 =	simm.s32 $0x16B0;
	v12 =	vld.idx.msk [tilespmem:v0+s29+$0x0], $0xffff  }
0x23f: {  	s7 =	simm.s32 $0x6DA8;
	v13 =	vld.idx.msk [tilespmem:v4+s10+$0x0], $0xffff;
	[tilespmem:s17+$0x16100] =	vst v7  }
0x240: {  	[tilespmem:s13+$0xF900] =	vst v8;
	v7 =	vld.idx.msk [tilespmem:v6+s7+$0x0], $0xffff  }
0x241: {  	v8 =	vld.idx.msk [tilespmem:v1+s9+$0x0], $0xffff;
	[tilespmem:s15+$0x14100] =	vst v9  }
0x242: {  	s11 =	simm.s32 $0x2998;
	[tilespmem:s14+$0xD100] =	vst v11;
	v9 =	vld.idx.msk [tilespmem:v2+s4+$0x0], $0xffff  }
0x243: {  	s22 =	simm.s32 $0x4F68;
	v11 =	vld.idx.msk [tilespmem:v3+s11+$0x0], $0xffff;
	[tilespmem:s12+$0x12100] =	vst v12  }
0x244: {  	s23 =	simm.s32 $0x1A78;
	[tilespmem:s16+$0xB100] =	vst v13;
	v12 =	vld.idx.msk [tilespmem:v0+s22+$0x0], $0xffff  }
0x245: {  	s20 =	simm.s32 $0x7170;
	v13 =	vld.idx.msk [tilespmem:v4+s23+$0x0], $0xffff;
	[tilespmem:s17+$0x16900] =	vst v7  }
0x246: {  	s30 =	simm.s32 $0x34F0;
	s3 =	simm.s32 $0x3128;
	s24 =	simm.s32 $0x7538;
	[tilespmem:s13+$0x10100] =	vst v8;
	v7 =	vld.idx.msk [tilespmem:v6+s20+$0x0], $0xffff  }
0x247: {  	s8 =	simm.s32 $0x5330;
	v21 =	vld.idx.msk [tilespmem:v5+s25+$0x0], $0xffff;
	s25 =	simm.s32 $0x5330;
	s21 =	simm.s32 $0x4048;
	[tilespmem:s15+$0x14900] =	vst v9  }
0x248: {  	s9 =	simm.s32 $0x25D0;
	s26 =	simm.s32 $0x1E40;
	s28 =	simm.s32 $0x2998;
	v15 =	vld.idx.msk [tilespmem:v1+s21+$0x0], $0xffff;
	[tilespmem:s14+$0xD900] =	vst v11  }
0x249: {  	s21 =	simm.s32 $0x240;
	s1 =	simm.s32 $0x16B0;
	s0 =	simm.s32 $0x4048;
	v17 =	vld.idx.msk [tilespmem:v2+s5+$0x0], $0xffff;
	[tilespmem:s12+$0x12900] =	vst v12  }
0x24a: {  	v14 =	vmov v4;
	s6 =	simm.s32 $0x38B8;
	s29 =	simm.s32 $0x2D60;
	s10 =	simm.s32 $0xF20;
	v20 =	vld.idx.msk [tilespmem:v3+s31+$0x0], $0xffff;
	[tilespmem:s16+$0xB900] =	vst v13  }
0x24b: {  	v8 =	vmov v5;
	v18 =	vmov v10;
	s4 =	simm.s32 $0x2208;
	s7 =	simm.s32 $0x1A78;
	s11 =	simm.s32 $0x12E8;
	v13 =	vld.idx.msk [tilespmem:v0+s25+$0x0], $0xffff;
	[tilespmem:s17+$0x17100] =	vst v7  }
0x24c: {  	s22 =	simm.s32 $0x480;
	v9 =	vmovc v4;
	s20 =	simm.s32 $0x2400;
	v11 =	vmovc v1;
	s31 =	simm.s32 $0x3C80;
	v12 =	vmov v3;
	v7 =	vmov v3;
	v16 =	vld.idx.msk [tilespmem:v6+s24+$0x0], $0xffff;
	v6 =	vmov v10  }
.LBB2_6:
0x24d: {  	s23 =	sand.u32 $0x400, s20  }
0x24e: {  	v19 =	vmovc v3;
	v3 =	vmov v4;
	v4 =	vmov v5;
	v5 =	vmov v10;
	s24 =	sand.u32 $0x380, s21;
	p0 =	sne.s32 s22, $0x7F0;
	s25 =	sand.u32 $0x70, s22  }
0x24f: {  	s5 =	simm.s32 $0x6618;
	v22 =	vld.idx.msk [tilespmem:v14+s26+$0x0], $0xffff;
	[tilespmem:s15+$0x15100] =	vst v17;
	v14 =	vmov v4;
	s23 =	sor.u32 s24, s23;
	s24 =	simm.s32 $0x790  }
0x250: {  	[tilespmem:s14+$0xE100] =	vst v20;
	v17 =	vld.idx.msk [tilespmem:v2+s5+$0x0], $0xffff;
	s23 =	sor.u32 s25, s23;
	s25 =	simm.s32 $0xB58;
	s5 =	simm.s32 $0x4410  }
0x251: {  	v20 =	vld.idx.msk [tilespmem:v7+s3+$0x0], $0xffff;
	[tilespmem:s17+$0x17900] =	vst v16;
	s17 =	smov.u32 s15;
	s15 =	smov.u32 s12;
	s12 =	smov.u32 s13  }
0x252: {  	v10 =	vld [tilespmem:s23+$0x7900];
	[tilespmem:s13+$0x10900] =	vst v15;
	s13 =	smov.u32 s14;
	s14 =	smov.u32 s16;
	s16 =	smov.u32 s18  }
0x253: {  	[tilespmem:s18+$0x9900] =	vst v21;
	v15 =	vld.idx.msk [tilespmem:v1+s5+$0x0], $0xffff;
	s18 =	smov.u32 s19;
	s19 =	smov.u32 s23;
	s23 =	simm.s32 $0x3C8  }
0x254: {  	s5 =	simm.s32 $0x56F8;
	v16 =	vld.idx.msk [tilespmem:v8+s10+$0x0], $0xffff;
	[tilespmem:s15+$0x13100] =	vst v13  }
0x255: {  	[tilespmem:s14+$0xC100] =	vst v22;
	v13 =	vld.idx.msk [tilespmem:v0+s5+$0x0], $0xffff  }
0x256: {  	s5 =	simm.s32 $0x69E0;
	v21 =	vld.idx.msk [tilespmem:v9+s4+$0x0], $0xffff;
	[tilespmem:s17+$0x15900] =	vst v17  }
0x257: {  	[tilespmem:s13+$0xE900] =	vst v20;
	v17 =	vld.idx.msk [tilespmem:v2+s5+$0x0], $0xffff  }
0x258: {  	v20 =	vld.idx.msk [tilespmem:v7+s30+$0x0], $0xffff  }
0x259: {  	s5 =	simm.s32 $0x47D8;
	v22 =	vld.idx.msk [tilespmem:v6+s2+$0x0], $0xffff;
	[tilespmem:s12+$0x11100] =	vst v15  }
0x25a: {  	[tilespmem:s16+$0xA100] =	vst v16;
	v15 =	vld.idx.msk [tilespmem:v1+s5+$0x0], $0xffff  }
0x25b: {  	s5 =	simm.s32 $0x5AC0;
	v16 =	vld.idx.msk [tilespmem:v8+s11+$0x0], $0xffff;
	[tilespmem:s15+$0x13900] =	vst v13  }
0x25c: {  	[tilespmem:s14+$0xC900] =	vst v21;
	v13 =	vld.idx.msk [tilespmem:v0+s5+$0x0], $0xffff  }
0x25d: {  	s5 =	simm.s32 $0x6DA8;
	v21 =	vld.idx.msk [tilespmem:v9+s9+$0x0], $0xffff;
	[tilespmem:s17+$0x16100] =	vst v17  }
0x25e: {  	[tilespmem:s13+$0xF100] =	vst v20;
	v17 =	vld.idx.msk [tilespmem:v2+s5+$0x0], $0xffff  }
0x25f: {  	[tilespmem:s18+$0x8100] =	vst v22;
	v20 =	vld.idx.msk [tilespmem:v7+s6+$0x0], $0xffff  }
0x260: {  	s5 =	simm.s32 $0x4BA0;
	v22 =	vld.idx.msk [tilespmem:v6+s23+$0x0], $0xffff;
	[tilespmem:s12+$0x11900] =	vst v15  }
0x261: {  	[tilespmem:s16+$0xA900] =	vst v16;
	v15 =	vld.idx.msk [tilespmem:v1+s5+$0x0], $0xffff  }
0x262: {  	s5 =	simm.s32 $0x5E88;
	v16 =	vld.idx.msk [tilespmem:v8+s1+$0x0], $0xffff;
	[tilespmem:s15+$0x14100] =	vst v13  }
0x263: {  	[tilespmem:s14+$0xD100] =	vst v21;
	v13 =	vld.idx.msk [tilespmem:v0+s5+$0x0], $0xffff  }
0x264: {  	s5 =	simm.s32 $0x7170;
	v21 =	vld.idx.msk [tilespmem:v9+s28+$0x0], $0xffff;
	[tilespmem:s17+$0x16900] =	vst v17  }
0x265: {  	[tilespmem:s13+$0xF900] =	vst v20;
	v23 =	vld.idx.msk [tilespmem:v2+s5+$0x0], $0xffff  }
0x266: {  	[tilespmem:s18+$0x8900] =	vst v22;
	v22 =	vld.idx.msk [tilespmem:v7+s31+$0x0], $0xffff  }
0x267: {  	s5 =	simm.s32 $0x4F68;
	v24 =	vld.idx.msk [tilespmem:v6+s24+$0x0], $0xffff;
	[tilespmem:s12+$0x12100] =	vst v15  }
0x268: {  	[tilespmem:s16+$0xB100] =	vst v16;
	v25 =	vld.idx.msk [tilespmem:v1+s5+$0x0], $0xffff  }
0x269: {  	s5 =	simm.s32 $0x6250;
	v26 =	vld.idx.msk [tilespmem:v8+s7+$0x0], $0xffff;
	[tilespmem:s15+$0x14900] =	vst v13  }
0x26a: {  	[tilespmem:s14+$0xD900] =	vst v21;
	v17 =	vld.idx.msk [tilespmem:v0+s5+$0x0], $0xffff  }
.Ltmp2:
0x26b: {  	s5 =	simm.s32 $0x7538;
	v20 =	vld.idx.msk [tilespmem:v9+s29+$0x0], $0xffff;
	[tilespmem:s17+$0x17100] =	vst v23;
	(pc) =	sbr.rel @p0 .LBB2_6-.Ltmp2, $4  }
0x26c: {  	[tilespmem:s13+$0x10100] =	vst v22;
	v16 =	vld.idx.msk [tilespmem:v2+s5+$0x0], $0xffff;
	v2 =	vmovc v0;
	v0 =	vmovc v1;
	v1 =	vmov v7;
	v7 =	vmov v9;
	v9 =	vmov v8  }
0x26d: {  	v8 =	vmov v6;
	v6 =	vmov v10;
	[tilespmem:s18+$0x9100] =	vst v24;
	v15 =	vld.idx.msk [tilespmem:v12+s0+$0x0], $0xffff;
	v12 =	vmov v3  }
0x26e: {  	v21 =	vld.idx.msk [tilespmem:v18+s25+$0x0], $0xffff;
	[tilespmem:s12+$0x12900] =	vst v25;
	v18 =	vmov v10  }
0x26f: {  	s20 =	sadd.s32 $0x80, s20;
	s21 =	sadd.s32 $0x8, s21;
	s22 =	sadd.s32 $0x10, s22;
	[tilespmem:s16+$0xB900] =	vst v26;
	v13 =	vld.idx.msk [tilespmem:v11+s8+$0x0], $0xffff;
	v11 =	vmov v19  }
0x270: {  	_ =	sdelay $0x3  }
0x271: {  	v19 =	vld.idx.msk [tilespmem:v6+s2+$0x0], $0xffff;
	_ =	sdelay $0x4  }
0x272: {  	[tilespmem:s19+$0x8100] =	vst v19  }
0x273: {  	v19 =	vld.idx.msk [tilespmem:v6+s23+$0x0], $0xffff;
	_ =	sdelay $0x4  }
0x274: {  	[tilespmem:s19+$0x8900] =	vst v19  }
0x275: {  	v19 =	vld.idx.msk [tilespmem:v6+s24+$0x0], $0xffff;
	_ =	sdelay $0x4  }
0x276: {  	[tilespmem:s19+$0x9100] =	vst v19  }
0x277: {  	v18 =	vld.idx.msk [tilespmem:v18+s25+$0x0], $0xffff;
	_ =	sdelay $0x2  }
0x278: {  	s0 =	simm.s32 $0xF20;
	[tilespmem:s18+$0x9900] =	vst v21  }
0x279: {  	v45 =	vld.idx.msk [tilespmem:v8+s0+$0x0], $0xffff  }
0x27a: {  	[tilespmem:s19+$0x9900] =	vst v18  }
0x27b: {  	v18 =	vld.idx.msk [tilespmem:v6+s0+$0x0], $0xffff;
	_ =	sdelay $0x2  }
0x27c: {  	s8 =	simm.s32 $0x12E8;
	[tilespmem:s18+$0xA100] =	vst v45  }
0x27d: {  	v19 =	vld.idx.msk [tilespmem:v8+s8+$0x0], $0xffff  }
0x27e: {  	[tilespmem:s19+$0xA100] =	vst v18  }
0x27f: {  	v18 =	vld.idx.msk [tilespmem:v6+s8+$0x0], $0xffff;
	_ =	sdelay $0x2  }
0x280: {  	s9 =	simm.s32 $0x16B0;
	[tilespmem:s18+$0xA900] =	vst v19  }
0x281: {  	v19 =	vld.idx.msk [tilespmem:v8+s9+$0x0], $0xffff  }
0x282: {  	[tilespmem:s19+$0xA900] =	vst v18  }
0x283: {  	v18 =	vld.idx.msk [tilespmem:v6+s9+$0x0], $0xffff;
	_ =	sdelay $0x2  }
0x284: {  	s10 =	simm.s32 $0x1A78;
	[tilespmem:s18+$0xB100] =	vst v19  }
0x285: {  	v19 =	vld.idx.msk [tilespmem:v8+s10+$0x0], $0xffff  }
0x286: {  	[tilespmem:s19+$0xB100] =	vst v18  }
0x287: {  	v18 =	vld.idx.msk [tilespmem:v6+s10+$0x0], $0xffff;
	_ =	sdelay $0x1  }
0x288: {  	s11 =	simm.s32 $0x1E40  }
0x289: {  	v14 =	vld.idx.msk [tilespmem:v14+s11+$0x0], $0xffff;
	[tilespmem:s18+$0xB900] =	vst v19  }
0x28a: {  	v19 =	vld.idx.msk [tilespmem:v5+s11+$0x0], $0xffff  }
0x28b: {  	[tilespmem:s19+$0xB900] =	vst v18  }
0x28c: {  	v18 =	vld.idx.msk [tilespmem:v10+s11+$0x0], $0xffff;
	_ =	sdelay $0x1  }
0x28d: {  	s20 =	simm.s32 $0x2208;
	[tilespmem:s16+$0xC100] =	vst v14  }
0x28e: {  	v14 =	vld.idx.msk [tilespmem:v9+s20+$0x0], $0xffff;
	[tilespmem:s18+$0xC100] =	vst v19  }
0x28f: {  	v19 =	vld.idx.msk [tilespmem:v8+s20+$0x0], $0xffff  }
0x290: {  	[tilespmem:s19+$0xC100] =	vst v18  }
0x291: {  	v18 =	vld.idx.msk [tilespmem:v6+s20+$0x0], $0xffff;
	_ =	sdelay $0x1  }
0x292: {  	s21 =	simm.s32 $0x25D0;
	[tilespmem:s16+$0xC900] =	vst v14  }
0x293: {  	v14 =	vld.idx.msk [tilespmem:v9+s21+$0x0], $0xffff;
	[tilespmem:s18+$0xC900] =	vst v19  }
0x294: {  	v19 =	vld.idx.msk [tilespmem:v8+s21+$0x0], $0xffff  }
0x295: {  	[tilespmem:s19+$0xC900] =	vst v18  }
0x296: {  	v18 =	vld.idx.msk [tilespmem:v6+s21+$0x0], $0xffff;
	_ =	sdelay $0x1  }
0x297: {  	s22 =	simm.s32 $0x2998;
	[tilespmem:s16+$0xD100] =	vst v14  }
0x298: {  	v14 =	vld.idx.msk [tilespmem:v9+s22+$0x0], $0xffff;
	[tilespmem:s18+$0xD100] =	vst v19  }
0x299: {  	v19 =	vld.idx.msk [tilespmem:v8+s22+$0x0], $0xffff  }
0x29a: {  	[tilespmem:s19+$0xD100] =	vst v18  }
0x29b: {  	v18 =	vld.idx.msk [tilespmem:v6+s22+$0x0], $0xffff;
	_ =	sdelay $0x1  }
0x29c: {  	s26 =	simm.s32 $0x2D60;
	[tilespmem:s16+$0xD900] =	vst v14  }
0x29d: {  	v14 =	vld.idx.msk [tilespmem:v9+s26+$0x0], $0xffff;
	[tilespmem:s18+$0xD900] =	vst v19  }
0x29e: {  	v19 =	vld.idx.msk [tilespmem:v8+s26+$0x0], $0xffff  }
0x29f: {  	[tilespmem:s19+$0xD900] =	vst v18  }
0x2a0: {  	v18 =	vld.idx.msk [tilespmem:v6+s26+$0x0], $0xffff  }
0x2a1: {  	[tilespmem:s14+$0xE100] =	vst v20;
	s1 =	simm.s32 $0x3128  }
0x2a2: {  	v20 =	vld.idx.msk [tilespmem:v7+s1+$0x0], $0xffff;
	[tilespmem:s16+$0xE100] =	vst v14  }
0x2a3: {  	v14 =	vld.idx.msk [tilespmem:v9+s1+$0x0], $0xffff;
	[tilespmem:s18+$0xE100] =	vst v19  }
0x2a4: {  	v19 =	vld.idx.msk [tilespmem:v8+s1+$0x0], $0xffff  }
0x2a5: {  	[tilespmem:s19+$0xE100] =	vst v18  }
0x2a6: {  	v18 =	vld.idx.msk [tilespmem:v6+s1+$0x0], $0xffff  }
0x2a7: {  	s3 =	simm.s32 $0x34F0;
	[tilespmem:s14+$0xE900] =	vst v20  }
0x2a8: {  	v20 =	vld.idx.msk [tilespmem:v7+s3+$0x0], $0xffff;
	[tilespmem:s16+$0xE900] =	vst v14  }
0x2a9: {  	v14 =	vld.idx.msk [tilespmem:v9+s3+$0x0], $0xffff;
	[tilespmem:s18+$0xE900] =	vst v19  }
0x2aa: {  	v19 =	vld.idx.msk [tilespmem:v8+s3+$0x0], $0xffff  }
0x2ab: {  	[tilespmem:s19+$0xE900] =	vst v18  }
0x2ac: {  	v18 =	vld.idx.msk [tilespmem:v6+s3+$0x0], $0xffff  }
0x2ad: {  	s4 =	simm.s32 $0x38B8;
	[tilespmem:s14+$0xF100] =	vst v20  }
0x2ae: {  	v20 =	vld.idx.msk [tilespmem:v7+s4+$0x0], $0xffff;
	[tilespmem:s16+$0xF100] =	vst v14  }
0x2af: {  	v14 =	vld.idx.msk [tilespmem:v9+s4+$0x0], $0xffff;
	[tilespmem:s18+$0xF100] =	vst v19  }
0x2b0: {  	v19 =	vld.idx.msk [tilespmem:v8+s4+$0x0], $0xffff  }
0x2b1: {  	[tilespmem:s19+$0xF100] =	vst v18  }
0x2b2: {  	v18 =	vld.idx.msk [tilespmem:v6+s4+$0x0], $0xffff  }
0x2b3: {  	s5 =	simm.s32 $0x3C80;
	[tilespmem:s14+$0xF900] =	vst v20  }
0x2b4: {  	v20 =	vld.idx.msk [tilespmem:v7+s5+$0x0], $0xffff;
	[tilespmem:s16+$0xF900] =	vst v14  }
0x2b5: {  	v14 =	vld.idx.msk [tilespmem:v9+s5+$0x0], $0xffff;
	[tilespmem:s18+$0xF900] =	vst v19  }
0x2b6: {  	v19 =	vld.idx.msk [tilespmem:v8+s5+$0x0], $0xffff  }
0x2b7: {  	[tilespmem:s19+$0xF900] =	vst v18  }
0x2b8: {  	[tilespmem:s15+$0x15100] =	vst v17;
	v46 =	vld.idx.msk [tilespmem:v6+s5+$0x0], $0xffff  }
0x2b9: {  	s6 =	simm.s32 $0x4048;
	[tilespmem:s14+$0x10100] =	vst v20  }
0x2ba: {  	v12 =	vld.idx.msk [tilespmem:v12+s6+$0x0], $0xffff;
	[tilespmem:s16+$0x10100] =	vst v14  }
0x2bb: {  	v14 =	vld.idx.msk [tilespmem:v4+s6+$0x0], $0xffff;
	[tilespmem:s18+$0x10100] =	vst v19  }
0x2bc: {  	s7 =	simm.s32 $0x4410;
	[tilespmem:s13+$0x10900] =	vst v15;
	v48 =	vld.idx.msk [tilespmem:v5+s6+$0x0], $0xffff  }
0x2bd: {  	v51 =	vld.idx.msk [tilespmem:v1+s7+$0x0], $0xffff;
	[tilespmem:s19+$0x10100] =	vst v46  }
0x2be: {  	[tilespmem:s17+$0x17900] =	vst v16;
	s1 =	simm.s32 $0x6618;
	v49 =	vld.idx.msk [tilespmem:v10+s6+$0x0], $0xffff  }
0x2bf: {  	[tilespmem:s14+$0x10900] =	vst v12;
	v47 =	vld.idx.msk [tilespmem:v2+s1+$0x0], $0xffff  }
0x2c0: {  	v12 =	vld.idx.msk [tilespmem:v7+s7+$0x0], $0xffff;
	[tilespmem:s16+$0x10900] =	vst v14  }
0x2c1: {  	v14 =	vld.idx.msk [tilespmem:v9+s7+$0x0], $0xffff;
	[tilespmem:s18+$0x10900] =	vst v48  }
0x2c2: {  	[tilespmem:s13+$0x11100] =	vst v51;
	s8 =	simm.s32 $0x47D8;
	v18 =	vld.idx.msk [tilespmem:v8+s7+$0x0], $0xffff  }
0x2c3: {  	v17 =	vld.idx.msk [tilespmem:v1+s8+$0x0], $0xffff;
	[tilespmem:s19+$0x10900] =	vst v49  }
0x2c4: {  	[tilespmem:s15+$0x15900] =	vst v47;
	s3 =	simm.s32 $0x69E0;
	v52 =	vld.idx.msk [tilespmem:v6+s7+$0x0], $0xffff  }
0x2c5: {  	[tilespmem:s14+$0x11100] =	vst v12;
	v50 =	vld.idx.msk [tilespmem:v2+s3+$0x0], $0xffff  }
0x2c6: {  	v12 =	vld.idx.msk [tilespmem:v7+s8+$0x0], $0xffff;
	[tilespmem:s16+$0x11100] =	vst v14  }
0x2c7: {  	v14 =	vld.idx.msk [tilespmem:v9+s8+$0x0], $0xffff;
	[tilespmem:s18+$0x11100] =	vst v18  }
0x2c8: {  	[tilespmem:s13+$0x11900] =	vst v17;
	s9 =	simm.s32 $0x4BA0;
	v18 =	vld.idx.msk [tilespmem:v8+s8+$0x0], $0xffff  }
0x2c9: {  	v17 =	vld.idx.msk [tilespmem:v1+s9+$0x0], $0xffff;
	[tilespmem:s19+$0x11100] =	vst v52  }
0x2ca: {  	[tilespmem:s15+$0x16100] =	vst v50;
	s4 =	simm.s32 $0x6DA8;
	v15 =	vld.idx.msk [tilespmem:v6+s8+$0x0], $0xffff  }
0x2cb: {  	[tilespmem:s14+$0x11900] =	vst v12;
	v53 =	vld.idx.msk [tilespmem:v2+s4+$0x0], $0xffff  }
0x2cc: {  	v12 =	vld.idx.msk [tilespmem:v7+s9+$0x0], $0xffff;
	[tilespmem:s16+$0x11900] =	vst v14  }
0x2cd: {  	v14 =	vld.idx.msk [tilespmem:v9+s9+$0x0], $0xffff;
	[tilespmem:s18+$0x11900] =	vst v18  }
0x2ce: {  	[tilespmem:s13+$0x12100] =	vst v17;
	s10 =	simm.s32 $0x4F68;
	v18 =	vld.idx.msk [tilespmem:v8+s9+$0x0], $0xffff  }
0x2cf: {  	v55 =	vld.idx.msk [tilespmem:v1+s10+$0x0], $0xffff;
	[tilespmem:s19+$0x11900] =	vst v15  }
0x2d0: {  	[tilespmem:s15+$0x16900] =	vst v53;
	s5 =	simm.s32 $0x7170;
	v15 =	vld.idx.msk [tilespmem:v6+s9+$0x0], $0xffff  }
0x2d1: {  	[tilespmem:s14+$0x12100] =	vst v12;
	v16 =	vld.idx.msk [tilespmem:v2+s5+$0x0], $0xffff  }
0x2d2: {  	v12 =	vld.idx.msk [tilespmem:v7+s10+$0x0], $0xffff;
	[tilespmem:s16+$0x12100] =	vst v14  }
0x2d3: {  	v14 =	vld.idx.msk [tilespmem:v9+s10+$0x0], $0xffff;
	[tilespmem:s18+$0x12100] =	vst v18  }
0x2d4: {  	[tilespmem:s13+$0x12900] =	vst v55;
	s11 =	simm.s32 $0x5330;
	v56 =	vld.idx.msk [tilespmem:v8+s10+$0x0], $0xffff  }
0x2d5: {  	v11 =	vld.idx.msk [tilespmem:v11+s11+$0x0], $0xffff;
	[tilespmem:s19+$0x12100] =	vst v15  }
0x2d6: {  	[tilespmem:s15+$0x17100] =	vst v16;
	s6 =	simm.s32 $0x7538;
	v57 =	vld.idx.msk [tilespmem:v6+s10+$0x0], $0xffff  }
0x2d7: {  	[tilespmem:s14+$0x12900] =	vst v12;
	v54 =	vld.idx.msk [tilespmem:v2+s6+$0x0], $0xffff  }
0x2d8: {  	v3 =	vld.idx.msk [tilespmem:v3+s11+$0x0], $0xffff;
	[tilespmem:s16+$0x12900] =	vst v14  }
0x2d9: {  	v58 =	vld.idx.msk [tilespmem:v4+s11+$0x0], $0xffff;
	[tilespmem:s18+$0x12900] =	vst v56  }
0x2da: {  	[tilespmem:s13+$0x13100] =	vst v11;
	v59 =	vld.idx.msk [tilespmem:v5+s11+$0x0], $0xffff  }
0x2db: {  	[tilespmem:s19+$0x12900] =	vst v57  }
0x2dc: {  	[tilespmem:s15+$0x17900] =	vst v54;
	s15 =	simm.s32 $0x56F8;
	v2 =	vld.idx.msk [tilespmem:v10+s11+$0x0], $0xffff  }
0x2dd: {  	[tilespmem:s14+$0x13100] =	vst v3;
	v11 =	vld.idx.msk [tilespmem:v1+s15+$0x0], $0xffff  }
0x2de: {  	[tilespmem:s16+$0x13100] =	vst v58;
	v3 =	vld.idx.msk [tilespmem:v7+s15+$0x0], $0xffff  }
0x2df: {  	v4 =	vld.idx.msk [tilespmem:v9+s15+$0x0], $0xffff;
	[tilespmem:s18+$0x13100] =	vst v59  }
0x2e0: {  	[tilespmem:s12+$0x13100] =	vst v13;
	v5 =	vld.idx.msk [tilespmem:v8+s15+$0x0], $0xffff  }
0x2e1: {  	v60 =	vld.idx.msk [tilespmem:v0+s15+$0x0], $0xffff;
	[tilespmem:s19+$0x13100] =	vst v2  }
0x2e2: {  	s17 =	simm.s32 $0x5AC0;
	[tilespmem:s13+$0x13900] =	vst v11;
	v2 =	vld.idx.msk [tilespmem:v6+s15+$0x0], $0xffff  }
0x2e3: {  	[tilespmem:s14+$0x13900] =	vst v3;
	v11 =	vld.idx.msk [tilespmem:v1+s17+$0x0], $0xffff  }
0x2e4: {  	[tilespmem:s16+$0x13900] =	vst v4;
	v3 =	vld.idx.msk [tilespmem:v7+s17+$0x0], $0xffff  }
0x2e5: {  	v4 =	vld.idx.msk [tilespmem:v9+s17+$0x0], $0xffff;
	[tilespmem:s18+$0x13900] =	vst v5  }
0x2e6: {  	[tilespmem:s12+$0x13900] =	vst v60;
	v5 =	vld.idx.msk [tilespmem:v8+s17+$0x0], $0xffff  }
0x2e7: {  	v10 =	vld.idx.msk [tilespmem:v0+s17+$0x0], $0xffff;
	[tilespmem:s19+$0x13900] =	vst v2  }
0x2e8: {  	s20 =	simm.s32 $0x5E88;
	[tilespmem:s13+$0x14100] =	vst v11;
	v2 =	vld.idx.msk [tilespmem:v6+s17+$0x0], $0xffff  }
0x2e9: {  	[tilespmem:s14+$0x14100] =	vst v3;
	v11 =	vld.idx.msk [tilespmem:v1+s20+$0x0], $0xffff  }
0x2ea: {  	[tilespmem:s16+$0x14100] =	vst v4;
	v3 =	vld.idx.msk [tilespmem:v7+s20+$0x0], $0xffff  }
0x2eb: {  	v4 =	vld.idx.msk [tilespmem:v9+s20+$0x0], $0xffff;
	[tilespmem:s18+$0x14100] =	vst v5  }
0x2ec: {  	[tilespmem:s12+$0x14100] =	vst v10;
	v5 =	vld.idx.msk [tilespmem:v8+s20+$0x0], $0xffff  }
0x2ed: {  	v10 =	vld.idx.msk [tilespmem:v0+s20+$0x0], $0xffff;
	[tilespmem:s19+$0x14100] =	vst v2  }
0x2ee: {  	s21 =	simm.s32 $0x6250;
	[tilespmem:s13+$0x14900] =	vst v11;
	v2 =	vld.idx.msk [tilespmem:v6+s20+$0x0], $0xffff  }
0x2ef: {  	[tilespmem:s14+$0x14900] =	vst v3;
	v11 =	vld.idx.msk [tilespmem:v1+s21+$0x0], $0xffff  }
0x2f0: {  	[tilespmem:s16+$0x14900] =	vst v4;
	v3 =	vld.idx.msk [tilespmem:v7+s21+$0x0], $0xffff  }
0x2f1: {  	v4 =	vld.idx.msk [tilespmem:v9+s21+$0x0], $0xffff;
	[tilespmem:s18+$0x14900] =	vst v5  }
0x2f2: {  	[tilespmem:s12+$0x14900] =	vst v10;
	v5 =	vld.idx.msk [tilespmem:v8+s21+$0x0], $0xffff  }
0x2f3: {  	v10 =	vld.idx.msk [tilespmem:v0+s21+$0x0], $0xffff;
	[tilespmem:s19+$0x14900] =	vst v2  }
0x2f4: {  	[tilespmem:s13+$0x15100] =	vst v11;
	v2 =	vld.idx.msk [tilespmem:v6+s21+$0x0], $0xffff  }
0x2f5: {  	[tilespmem:s14+$0x15100] =	vst v3;
	v11 =	vld.idx.msk [tilespmem:v1+s1+$0x0], $0xffff  }
0x2f6: {  	[tilespmem:s16+$0x15100] =	vst v4;
	v3 =	vld.idx.msk [tilespmem:v7+s1+$0x0], $0xffff  }
0x2f7: {  	v4 =	vld.idx.msk [tilespmem:v9+s1+$0x0], $0xffff;
	[tilespmem:s18+$0x15100] =	vst v5  }
0x2f8: {  	[tilespmem:s12+$0x15100] =	vst v10;
	v5 =	vld.idx.msk [tilespmem:v8+s1+$0x0], $0xffff  }
0x2f9: {  	v10 =	vld.idx.msk [tilespmem:v0+s1+$0x0], $0xffff;
	[tilespmem:s19+$0x15100] =	vst v2  }
0x2fa: {  	[tilespmem:s13+$0x15900] =	vst v11;
	v2 =	vld.idx.msk [tilespmem:v6+s1+$0x0], $0xffff  }
0x2fb: {  	[tilespmem:s14+$0x15900] =	vst v3;
	v11 =	vld.idx.msk [tilespmem:v1+s3+$0x0], $0xffff  }
0x2fc: {  	[tilespmem:s16+$0x15900] =	vst v4;
	v3 =	vld.idx.msk [tilespmem:v7+s3+$0x0], $0xffff  }
0x2fd: {  	v4 =	vld.idx.msk [tilespmem:v9+s3+$0x0], $0xffff;
	[tilespmem:s18+$0x15900] =	vst v5  }
0x2fe: {  	[tilespmem:s12+$0x15900] =	vst v10;
	v5 =	vld.idx.msk [tilespmem:v8+s3+$0x0], $0xffff  }
0x2ff: {  	v10 =	vld.idx.msk [tilespmem:v0+s3+$0x0], $0xffff;
	[tilespmem:s19+$0x15900] =	vst v2  }
0x300: {  	[tilespmem:s13+$0x16100] =	vst v11;
	v2 =	vld.idx.msk [tilespmem:v6+s3+$0x0], $0xffff  }
0x301: {  	[tilespmem:s14+$0x16100] =	vst v3;
	v11 =	vld.idx.msk [tilespmem:v1+s4+$0x0], $0xffff  }
0x302: {  	[tilespmem:s16+$0x16100] =	vst v4;
	v3 =	vld.idx.msk [tilespmem:v7+s4+$0x0], $0xffff  }
0x303: {  	v4 =	vld.idx.msk [tilespmem:v9+s4+$0x0], $0xffff;
	[tilespmem:s18+$0x16100] =	vst v5  }
0x304: {  	[tilespmem:s12+$0x16100] =	vst v10;
	v5 =	vld.idx.msk [tilespmem:v8+s4+$0x0], $0xffff  }
0x305: {  	v10 =	vld.idx.msk [tilespmem:v0+s4+$0x0], $0xffff;
	[tilespmem:s19+$0x16100] =	vst v2  }
0x306: {  	[tilespmem:s13+$0x16900] =	vst v11;
	v2 =	vld.idx.msk [tilespmem:v6+s4+$0x0], $0xffff  }
0x307: {  	[tilespmem:s14+$0x16900] =	vst v3;
	v11 =	vld.idx.msk [tilespmem:v1+s5+$0x0], $0xffff  }
0x308: {  	[tilespmem:s16+$0x16900] =	vst v4;
	v3 =	vld.idx.msk [tilespmem:v7+s5+$0x0], $0xffff  }
0x309: {  	v4 =	vld.idx.msk [tilespmem:v9+s5+$0x0], $0xffff;
	[tilespmem:s18+$0x16900] =	vst v5  }
0x30a: {  	[tilespmem:s12+$0x16900] =	vst v10;
	v5 =	vld.idx.msk [tilespmem:v8+s5+$0x0], $0xffff  }
0x30b: {  	v10 =	vld.idx.msk [tilespmem:v0+s5+$0x0], $0xffff;
	[tilespmem:s19+$0x16900] =	vst v2  }
0x30c: {  	[tilespmem:s13+$0x17100] =	vst v11;
	v2 =	vld.idx.msk [tilespmem:v6+s5+$0x0], $0xffff  }
0x30d: {  	[tilespmem:s14+$0x17100] =	vst v3;
	v62 =	vld.idx.msk [tilespmem:v1+s6+$0x0], $0xffff  }
0x30e: {  	[tilespmem:s16+$0x17100] =	vst v4;
	v3 =	vld.idx.msk [tilespmem:v7+s6+$0x0], $0xffff  }
0x30f: {  	v4 =	vld.idx.msk [tilespmem:v9+s6+$0x0], $0xffff;
	[tilespmem:s18+$0x17100] =	vst v5  }
0x310: {  	[tilespmem:s12+$0x17100] =	vst v10;
	v5 =	vld.idx.msk [tilespmem:v8+s6+$0x0], $0xffff  }
0x311: {  	v61 =	vld.idx.msk [tilespmem:v0+s6+$0x0], $0xffff;
	[tilespmem:s19+$0x17100] =	vst v2  }
0x312: {  	[tilespmem:s13+$0x17900] =	vst v62;
	v63 =	vld.idx.msk [tilespmem:v6+s6+$0x0], $0xffff  }
0x313: {  	[tilespmem:s14+$0x17900] =	vst v3  }
0x314: {  	s28 =	simm.s32 $0x16B0;
	s29 =	simm.s32 $0x1A78;
	s30 =	simm.s32 $0x1E40;
	[tilespmem:s16+$0x17900] =	vst v4  }
0x315: {  	s31 =	simm.s32 $0x2208;
	s0 =	simm.s32 $0x25D0;
	s22 =	simm.s32 $0x8300;
	[tilespmem:s18+$0x17900] =	vst v5  }
0x316: {  	s7 =	simm.s32 $0x34F0;
	s8 =	simm.s32 $0x2D60;
	s10 =	simm.s32 $0x4048;
	[tilespmem:s12+$0x17900] =	vst v61  }
0x317: {  	s20 =	simm.s32 $0x4F68;
	s13 =	simm.s32 $0x8700;
	s1 =	simm.s32 $0x2998;
	[tilespmem:s19+$0x17900] =	vst v63  }
0x318: {  	s3 =	simm.s32 $0x3128;
	s12 =	simm.s32 $0x2000;
	s17 =	rddreg [dreg:$0x7]  }
0x319: {  	s5 =	simm.s32 $0x38B8;
	s6 =	simm.s32 $0x3C80;
	s26 =	sadd.s32 $0x0, s17  }
0x31a: {  	[hbm4b:s26+s2] =	stream.linear.scatter [tilespmem:s22], [sflag:$0x3], $0x200, $0x38;
	[tilespmem:$0x18100] =	vst v63  }
0x31b: {  	s14 =	sadd.s32 $0x80, s26;
	s22 =	simm.s32 $0xF20;
	s26 =	simm.s32 $0x12E8  }
.LBB2_8:
0x31c: {  	[hbm4b:s14+s2] =	stream.linear.scatter [tilespmem:s13], [sflag:$0x3], $0x200, $0x38;
	[tilespmem:$0x18100] =	vst v63  }
0x31d: {  	s13 =	smov.u32 s12;
	p0 =	sne.s32 s12, $0x3E000  }
.Ltmp3:
0x31e: {  	s12 =	sadd.s32 $0x2000, s12;
	(pc) =	sbr.rel @p0 .LBB2_8-.Ltmp3, $4  }
0x31f: {  	s14 =	sshra.s32 s13, $0x2  }
0x320: {  	s16 =	sadd.s32 s13, s17;
	s15 =	sadd.s32 $0x8300, s14  }
0x321: {  	[hbm4b:s16+s2] =	stream.linear.scatter [tilespmem:s15], [sflag:$0x3], $0x200, $0x38;
	[tilespmem:$0x18100] =	vst v63  }
0x322: {  	s13 =	sadd.s32 $0x8700, s14;
	s14 =	sadd.s32 $0x80, s16  }
0x323: {  	[hbm4b:s14+s2] =	stream.linear.scatter [tilespmem:s13], [sflag:$0x3], $0x200, $0x38;
	[tilespmem:$0x18100] =	vst v63  }
0x324: {  	s19 =	simm.s32 $0x3  }
0x325: {  	_ =	swait.ge [sflag:s19], $0x8000  }
0x326: {  	[sflag:s19] =	ssyncset.done $0x0  }
0x327: {  	[sflag:s19] =	ssyncadd.s32 $0xFFFF8000  }
0x328: {  	_ =	swait.ge [sflag:s19], $0x8000  }
0x329: {  	s21 =	rddreg [dreg:$0x9]  }
0x32a: {  	s12 =	rddreg [dreg:$0x8];
	s14 =	sadd.s32 $0x1, s21  }
0x32b: {  	p0 =	sne.s32 s14, s12  }
.Ltmp4:
0x32c: {  	_ = 	snop;
	(pc) =	sbr.rel @p0 .LBB2_1-.Ltmp4, $3  }
0x32d: {  	_ =	sdelay $0x1  }
0x32e: {  	[sflag:s19] =	ssyncset.done $0x0  }
0x32f: {  	[sflag:s19] =	ssyncadd.s32 $0xFFFF8000  }
0x330: {  	_ =	sfence.sel $0x180000  }
0x331: {  	[bflag:$0x0] =	sbarrier.arrive $0xFFFF  }
0x332: {  	_ =	strace $0x90000047  }
0x333: {  	s0 =	stileid.u32;
	[bflag:$0x2] =	sbarrier.arrive $0xFFFF  }
0x334: {  	p0 =	sne.s32 s0, $0x0;
	s0 =	rddreg [dreg:$0x3]  }
0x335: {  	s0 =	sadd.s32 @!p0 $0x100000, s0  }
0x336: {  	[sflag:s0] =	ssyncadd.tile.s32 @!p0 $0x1;
	_ =	shalt  }
.Lfunc_end2:
_tile_overlayer_lowered:
.L_overlay_start_2:
0x337: {  	(tag) =	ssettag $0x2  }
0x338: {  	s0 =	rddreg [dreg:$0x0];
	s2 =	stileid.u32  }
0x339: {  	s1 =	rddreg [dreg:$0x1];
	p0 =	sne.s32 s2, $0x0  }
0x33a: {  	s3 =	rddreg [dreg:$0x2];
	[bflag:$0x3] =	sbarrier.arrive $0xFFFF;
	s2 =	simm.s32 @!p0 $0x1C04  }
0x33b: {  	[timem:s3], [sflag:s2] =	dma.local @!p0 [hbm:s0], s1  }
0x33c: {  	s0 =	simm.s32 @!p0 $0x4  }
0x33d: {  	_ =	swait.ge @!p0 [sflag:s0], s1  }
0x33e: {  	s1 =	ssub.s32 @!p0 $0x0, s1;
	[sflag:s0] =	ssyncset.done @!p0 $0x0  }
0x33f: {  	[sflag:s0] =	ssyncadd.s32 @!p0 s1  }
0x340: {  	[bflag:$0x3] =	sbarrier.arrive $0xFFFF  }
0x341: {  	_ =	shalt  }

</sc_bundles>
